<compile_context>
chip_gen: v7x
topology: tpu7x:2x2x1
jax: 0.10.2.dev20260603
libtpu: 0.0.44.dev20260713+nightly
codegen_flags: <defaults>
</compile_context>

<pallas_src>
import functools

import jax
import jax.numpy as jnp
from jax import lax
from jax.experimental import pallas as pl
from jax.experimental.pallas import tpu as pltpu
from jax.experimental.pallas import tpu_sc as plsc

_B, _S, _D = 4, 8192, 1024
_NC, _NS = 2, 16
_NW = _NC * _NS
_SPW = _S // _NW
_C = 8
_NCH = _SPW // _C
_NV = _C * _D // 16
_NB = 8

_mesh = plsc.VectorSubcoreMesh(core_axis_name="c", subcore_axis_name="s")

_scratch = (
    [pltpu.VMEM((_C, _D), jnp.float32)] * (_NB + 2)
    + [pltpu.SemaphoreType.DMA] * (2 * _NB + 2)
)


@functools.partial(
    pl.kernel,
    out_type=jax.ShapeDtypeStruct((_B, _S, _D), jnp.float32),
    mesh=_mesh,
    scratch_types=_scratch,
)
def _pos_add(x_hbm, tab_hbm, out_hbm, *scr):
    xb = scr[:_NB]
    pb = scr[_NB:_NB + 2]
    ld = scr[_NB + 2:2 * _NB + 2]
    st = scr[2 * _NB + 2:3 * _NB + 2]
    ps = scr[3 * _NB + 2:]

    wid = lax.axis_index("s") * _NC + lax.axis_index("c")
    s_base = wid * _SPW

    def s0(c):
        return s_base + c * _C

    def start_load(c, b, k):
        pltpu.async_copy(x_hbm.at[b, pl.ds(s0(c), _C)], xb[k], ld[k])

    def wait_load(k):
        pltpu.make_async_copy(x_hbm.at[0, pl.ds(0, _C)], xb[k], ld[k]).wait()

    def start_store(c, b, k):
        pltpu.async_copy(xb[k], out_hbm.at[b, pl.ds(s0(c), _C)], st[k])

    def wait_store(k):
        pltpu.make_async_copy(xb[k], out_hbm.at[0, pl.ds(0, _C)], st[k]).wait()

    def start_pos(c, q):
        pltpu.async_copy(tab_hbm.at[pl.ds(s0(c), _C)], pb[q], ps[q])

    def wait_pos(q):
        pltpu.make_async_copy(tab_hbm.at[pl.ds(0, _C)], pb[q], ps[q]).wait()

    def do_add(k, q):
        buf, pos = xb[k], pb[q]

        @plsc.parallel_loop(0, _NV, unroll=4)
        def add_vec(i):
            r = i >> 6
            j = (i & 63) * 16
            plsc.addupdate(buf.at[r, pl.ds(j, 16)], pos[r, pl.ds(j, 16)])

    def gen_iter(c, cc, b, peeled_first):
        k = 4 * cc + b
        wait_load(k)
        do_add(k, cc)
        start_store(c, b, k)
        k2 = (k + 6) % 8
        cp, bp = (c + 1, b + 2) if b < 2 else (c + 2, b - 2)

        def issue():
            if not peeled_first:
                wait_store(k2)
            start_load(cp, bp, k2)

        if peeled_first or isinstance(cp, int):
            issue()
        else:
            pl.when(cp < _NCH)(issue)

    for b in range(_B):
        start_load(0, b, b)
    start_load(1, 0, 4)
    start_load(1, 1, 5)
    start_pos(0, 0)
    start_pos(1, 1)

    for c in (0, 1):
        wait_pos(c)
        for b in range(_B):
            gen_iter(c, c, b, peeled_first=(c == 0 and b < 2))
        start_pos(c + 2, c)

    def chunk_pair(c2, carry):
        for cc in (0, 1):
            c = 2 * c2 + cc
            wait_pos(cc)
            for b in range(_B):
                gen_iter(c, cc, b, peeled_first=False)

            @pl.when(c + 2 < _NCH)
            def _pos_prefetch(c=c, cc=cc):
                start_pos(c + 2, cc)
        return carry

    lax.fori_loop(1, _NCH // 2, chunk_pair, 0)

    for k in range(_NB):
        wait_store(k)


def kernel(x, pos_table):
    return _pos_add(x, pos_table)

# --- scband reference (transcript-rebuilt; emitter-appended) ---
"""Pipeline reference for scband-positional-encoding-14362370637960 (READ-ONLY COPY).

The authoritative reference and input builder live on the scoring server;
editing this copy changes nothing except your own understanding.
"""

import jax, jax.numpy as jnp
import numpy as np

D_MODEL = 1024
MAX_LEN = 8192
BATCH = 4
SEQ = 8192

def setup_inputs(seed: int = 0) -> dict:
    key = jax.random.key(seed)
    k_x, k_tab = jax.random.split(key)
    x = jax.random.normal(k_x, (BATCH, SEQ, D_MODEL), dtype=jnp.float32)
    # learned positional embedding table, nn.Embedding default init ~ N(0,1)
    pos_table = jax.random.normal(k_tab, (MAX_LEN, D_MODEL), dtype=jnp.float32)
    return {"x": x, "pos_table": pos_table}

def reference(x, pos_table):
    seq_len = x.shape[1]
    positions = jnp.arange(seq_len)  # positions buffer sliced to seq_len
    pos_emb = jnp.take(pos_table, positions, axis=0)  # embedding lookup [S, D]
    return x + pos_emb[None, :, :]

if __name__ == "__main__":
    import jax
    _d = setup_inputs()
    print(jax.jit(kernel)(*tuple(_d.values())))

</pallas_src>

<mosaic_0001>
#map = affine_map<(d0, d1) -> (0, 0, 0)>
#map1 = affine_map<(d0, d1) -> (0, 0)>
module attributes {stable_mosaic.version = 14 : i64} {
  func.func @_pos_add(%arg0: i32, %arg1: i32, %arg2: memref<4x8192x1024xf32, #tpu.memory_space<hbm>>, %arg3: memref<8192x1024xf32, #tpu.memory_space<hbm>>, %arg4: memref<4x8192x1024xf32, #tpu.memory_space<hbm>>, %arg5: memref<8x1024xf32, #tpu.memory_space<vmem>>, %arg6: memref<8x1024xf32, #tpu.memory_space<vmem>>, %arg7: memref<8x1024xf32, #tpu.memory_space<vmem>>, %arg8: memref<8x1024xf32, #tpu.memory_space<vmem>>, %arg9: memref<8x1024xf32, #tpu.memory_space<vmem>>, %arg10: memref<8x1024xf32, #tpu.memory_space<vmem>>, %arg11: memref<8x1024xf32, #tpu.memory_space<vmem>>, %arg12: memref<8x1024xf32, #tpu.memory_space<vmem>>, %arg13: memref<8x1024xf32, #tpu.memory_space<vmem>>, %arg14: memref<8x1024xf32, #tpu.memory_space<vmem>>, %arg15: memref<!tpu.dma_semaphore, #tpu.memory_space<semaphore_mem>>, %arg16: memref<!tpu.dma_semaphore, #tpu.memory_space<semaphore_mem>>, %arg17: memref<!tpu.dma_semaphore, #tpu.memory_space<semaphore_mem>>, %arg18: memref<!tpu.dma_semaphore, #tpu.memory_space<semaphore_mem>>, %arg19: memref<!tpu.dma_semaphore, #tpu.memory_space<semaphore_mem>>, %arg20: memref<!tpu.dma_semaphore, #tpu.memory_space<semaphore_mem>>, %arg21: memref<!tpu.dma_semaphore, #tpu.memory_space<semaphore_mem>>, %arg22: memref<!tpu.dma_semaphore, #tpu.memory_space<semaphore_mem>>, %arg23: memref<!tpu.dma_semaphore, #tpu.memory_space<semaphore_mem>>, %arg24: memref<!tpu.dma_semaphore, #tpu.memory_space<semaphore_mem>>, %arg25: memref<!tpu.dma_semaphore, #tpu.memory_space<semaphore_mem>>, %arg26: memref<!tpu.dma_semaphore, #tpu.memory_space<semaphore_mem>>, %arg27: memref<!tpu.dma_semaphore, #tpu.memory_space<semaphore_mem>>, %arg28: memref<!tpu.dma_semaphore, #tpu.memory_space<semaphore_mem>>, %arg29: memref<!tpu.dma_semaphore, #tpu.memory_space<semaphore_mem>>, %arg30: memref<!tpu.dma_semaphore, #tpu.memory_space<semaphore_mem>>, %arg31: memref<!tpu.dma_semaphore, #tpu.memory_space<semaphore_mem>>, %arg32: memref<!tpu.dma_semaphore, #tpu.memory_space<semaphore_mem>>) attributes {dimension_semantics = [#tpu.dimension_semantics<core_parallel>, #tpu.dimension_semantics<subcore_parallel>], iteration_bounds = array<i64: 2, 16>, scalar_prefetch = 0 : i64, scratch_operands = 28 : i64, tpu.core_type = #tpu.core_type<sc_vector_subcore>, window_params = [{transform_indices = #map}, {transform_indices = #map1}, {transform_indices = #map}]} {
    %mul3A = arith.constant 2 : i32
    %mul3A_0 = arith.muli %arg1, %mul3A : i32
    %add3A = arith.addi %mul3A_0, %arg0 : i32
    %mul3A_1 = arith.constant 256 : i32
    %mul3A_2 = arith.muli %add3A, %mul3A_1 : i32
    %add3A_3 = arith.constant 0 : i32
    %add3A_4 = arith.addi %mul3A_2, %add3A_3 : i32
    %dma_start3A = arith.constant 0 : i32
    %dma_start3A_5 = arith.constant 0 : i32
    %dma_start3A_6 = tpu.memref_slice %arg2[%dma_start3A, %add3A_4, %dma_start3A_5] : memref<4x8192x1024xf32, #tpu.memory_space<hbm>> -> memref<1x8x1024xf32, #tpu.memory_space<hbm>>
    %dma_start3A_7 = tpu.memref_squeeze %dma_start3A_6 : memref<1x8x1024xf32, #tpu.memory_space<hbm>> -> memref<8x1024xf32, #tpu.memory_space<hbm>>
    %dma_start3A_8 = arith.constant 0 : i32
    %dma_start3A_9 = tpu.memref_slice %arg2[%dma_start3A, %add3A_4, %dma_start3A_8] : memref<4x8192x1024xf32, #tpu.memory_space<hbm>> -> memref<1x8x1024xf32, #tpu.memory_space<hbm>>
    %dma_start3A_10 = tpu.memref_squeeze %dma_start3A_9 : memref<1x8x1024xf32, #tpu.memory_space<hbm>> -> memref<8x1024xf32, #tpu.memory_space<hbm>>
    tpu.enqueue_dma source(%dma_start3A_10 : memref<8x1024xf32, #tpu.memory_space<hbm>>) target(%arg5 : memref<8x1024xf32, #tpu.memory_space<vmem>>) target_semaphore(%arg15 : memref<!tpu.dma_semaphore, #tpu.memory_space<semaphore_mem>>)
    %add3A_11 = arith.constant 0 : i32
    %add3A_12 = arith.addi %mul3A_2, %add3A_11 : i32
    %dma_start3A_13 = arith.constant 1 : i32
    %dma_start3A_14 = arith.constant 0 : i32
    %dma_start3A_15 = tpu.memref_slice %arg2[%dma_start3A_13, %add3A_12, %dma_start3A_14] : memref<4x8192x1024xf32, #tpu.memory_space<hbm>> -> memref<1x8x1024xf32, #tpu.memory_space<hbm>>
    %dma_start3A_16 = tpu.memref_squeeze %dma_start3A_15 : memref<1x8x1024xf32, #tpu.memory_space<hbm>> -> memref<8x1024xf32, #tpu.memory_space<hbm>>
    %dma_start3A_17 = arith.constant 0 : i32
    %dma_start3A_18 = tpu.memref_slice %arg2[%dma_start3A_13, %add3A_12, %dma_start3A_17] : memref<4x8192x1024xf32, #tpu.memory_space<hbm>> -> memref<1x8x1024xf32, #tpu.memory_space<hbm>>
    %dma_start3A_19 = tpu.memref_squeeze %dma_start3A_18 : memref<1x8x1024xf32, #tpu.memory_space<hbm>> -> memref<8x1024xf32, #tpu.memory_space<hbm>>
    tpu.enqueue_dma source(%dma_start3A_19 : memref<8x1024xf32, #tpu.memory_space<hbm>>) target(%arg6 : memref<8x1024xf32, #tpu.memory_space<vmem>>) target_semaphore(%arg16 : memref<!tpu.dma_semaphore, #tpu.memory_space<semaphore_mem>>)
    %add3A_20 = arith.constant 0 : i32
    %add3A_21 = arith.addi %mul3A_2, %add3A_20 : i32
    %dma_start3A_22 = arith.constant 2 : i32
    %dma_start3A_23 = arith.constant 0 : i32
    %dma_start3A_24 = tpu.memref_slice %arg2[%dma_start3A_22, %add3A_21, %dma_start3A_23] : memref<4x8192x1024xf32, #tpu.memory_space<hbm>> -> memref<1x8x1024xf32, #tpu.memory_space<hbm>>
    %dma_start3A_25 = tpu.memref_squeeze %dma_start3A_24 : memref<1x8x1024xf32, #tpu.memory_space<hbm>> -> memref<8x1024xf32, #tpu.memory_space<hbm>>
    %dma_start3A_26 = arith.constant 0 : i32
    %dma_start3A_27 = tpu.memref_slice %arg2[%dma_start3A_22, %add3A_21, %dma_start3A_26] : memref<4x8192x1024xf32, #tpu.memory_space<hbm>> -> memref<1x8x1024xf32, #tpu.memory_space<hbm>>
    %dma_start3A_28 = tpu.memref_squeeze %dma_start3A_27 : memref<1x8x1024xf32, #tpu.memory_space<hbm>> -> memref<8x1024xf32, #tpu.memory_space<hbm>>
    tpu.enqueue_dma source(%dma_start3A_28 : memref<8x1024xf32, #tpu.memory_space<hbm>>) target(%arg7 : memref<8x1024xf32, #tpu.memory_space<vmem>>) target_semaphore(%arg17 : memref<!tpu.dma_semaphore, #tpu.memory_space<semaphore_mem>>)
    %add3A_29 = arith.constant 0 : i32
    %add3A_30 = arith.addi %mul3A_2, %add3A_29 : i32
    %dma_start3A_31 = arith.constant 3 : i32
    %dma_start3A_32 = arith.constant 0 : i32
    %dma_start3A_33 = tpu.memref_slice %arg2[%dma_start3A_31, %add3A_30, %dma_start3A_32] : memref<4x8192x1024xf32, #tpu.memory_space<hbm>> -> memref<1x8x1024xf32, #tpu.memory_space<hbm>>
    %dma_start3A_34 = tpu.memref_squeeze %dma_start3A_33 : memref<1x8x1024xf32, #tpu.memory_space<hbm>> -> memref<8x1024xf32, #tpu.memory_space<hbm>>
    %dma_start3A_35 = arith.constant 0 : i32
    %dma_start3A_36 = tpu.memref_slice %arg2[%dma_start3A_31, %add3A_30, %dma_start3A_35] : memref<4x8192x1024xf32, #tpu.memory_space<hbm>> -> memref<1x8x1024xf32, #tpu.memory_space<hbm>>
    %dma_start3A_37 = tpu.memref_squeeze %dma_start3A_36 : memref<1x8x1024xf32, #tpu.memory_space<hbm>> -> memref<8x1024xf32, #tpu.memory_space<hbm>>
    tpu.enqueue_dma source(%dma_start3A_37 : memref<8x1024xf32, #tpu.memory_space<hbm>>) target(%arg8 : memref<8x1024xf32, #tpu.memory_space<vmem>>) target_semaphore(%arg18 : memref<!tpu.dma_semaphore, #tpu.memory_space<semaphore_mem>>)
    %add3A_38 = arith.constant 8 : i32
    %add3A_39 = arith.addi %mul3A_2, %add3A_38 : i32
    %dma_start3A_40 = arith.constant 0 : i32
    %dma_start3A_41 = arith.constant 0 : i32
    %dma_start3A_42 = tpu.memref_slice %arg2[%dma_start3A_40, %add3A_39, %dma_start3A_41] : memref<4x8192x1024xf32, #tpu.memory_space<hbm>> -> memref<1x8x1024xf32, #tpu.memory_space<hbm>>
    %dma_start3A_43 = tpu.memref_squeeze %dma_start3A_42 : memref<1x8x1024xf32, #tpu.memory_space<hbm>> -> memref<8x1024xf32, #tpu.memory_space<hbm>>
    %dma_start3A_44 = arith.constant 0 : i32
    %dma_start3A_45 = tpu.memref_slice %arg2[%dma_start3A_40, %add3A_39, %dma_start3A_44] : memref<4x8192x1024xf32, #tpu.memory_space<hbm>> -> memref<1x8x1024xf32, #tpu.memory_space<hbm>>
    %dma_start3A_46 = tpu.memref_squeeze %dma_start3A_45 : memref<1x8x1024xf32, #tpu.memory_space<hbm>> -> memref<8x1024xf32, #tpu.memory_space<hbm>>
    tpu.enqueue_dma source(%dma_start3A_46 : memref<8x1024xf32, #tpu.memory_space<hbm>>) target(%arg9 : memref<8x1024xf32, #tpu.memory_space<vmem>>) target_semaphore(%arg19 : memref<!tpu.dma_semaphore, #tpu.memory_space<semaphore_mem>>)
    %add3A_47 = arith.constant 8 : i32
    %add3A_48 = arith.addi %mul3A_2, %add3A_47 : i32
    %dma_start3A_49 = arith.constant 1 : i32
    %dma_start3A_50 = arith.constant 0 : i32
    %dma_start3A_51 = tpu.memref_slice %arg2[%dma_start3A_49, %add3A_48, %dma_start3A_50] : memref<4x8192x1024xf32, #tpu.memory_space<hbm>> -> memref<1x8x1024xf32, #tpu.memory_space<hbm>>
    %dma_start3A_52 = tpu.memref_squeeze %dma_start3A_51 : memref<1x8x1024xf32, #tpu.memory_space<hbm>> -> memref<8x1024xf32, #tpu.memory_space<hbm>>
    %dma_start3A_53 = arith.constant 0 : i32
    %dma_start3A_54 = tpu.memref_slice %arg2[%dma_start3A_49, %add3A_48, %dma_start3A_53] : memref<4x8192x1024xf32, #tpu.memory_space<hbm>> -> memref<1x8x1024xf32, #tpu.memory_space<hbm>>
    %dma_start3A_55 = tpu.memref_squeeze %dma_start3A_54 : memref<1x8x1024xf32, #tpu.memory_space<hbm>> -> memref<8x1024xf32, #tpu.memory_space<hbm>>
    tpu.enqueue_dma source(%dma_start3A_55 : memref<8x1024xf32, #tpu.memory_space<hbm>>) target(%arg10 : memref<8x1024xf32, #tpu.memory_space<vmem>>) target_semaphore(%arg20 : memref<!tpu.dma_semaphore, #tpu.memory_space<semaphore_mem>>)
    %add3A_56 = arith.constant 0 : i32
    %add3A_57 = arith.addi %mul3A_2, %add3A_56 : i32
    %dma_start3A_58 = arith.constant 0 : i32
    %dma_start3A_59 = tpu.memref_slice %arg3[%add3A_57, %dma_start3A_58] : memref<8192x1024xf32, #tpu.memory_space<hbm>> -> memref<8x1024xf32, #tpu.memory_space<hbm>>
    %dma_start3A_60 = arith.constant 0 : i32
    %dma_start3A_61 = tpu.memref_slice %arg3[%add3A_57, %dma_start3A_60] : memref<8192x1024xf32, #tpu.memory_space<hbm>> -> memref<8x1024xf32, #tpu.memory_space<hbm>>
    tpu.enqueue_dma source(%dma_start3A_61 : memref<8x1024xf32, #tpu.memory_space<hbm>>) target(%arg13 : memref<8x1024xf32, #tpu.memory_space<vmem>>) target_semaphore(%arg31 : memref<!tpu.dma_semaphore, #tpu.memory_space<semaphore_mem>>)
    %add3A_62 = arith.constant 8 : i32
    %add3A_63 = arith.addi %mul3A_2, %add3A_62 : i32
    %dma_start3A_64 = arith.constant 0 : i32
    %dma_start3A_65 = tpu.memref_slice %arg3[%add3A_63, %dma_start3A_64] : memref<8192x1024xf32, #tpu.memory_space<hbm>> -> memref<8x1024xf32, #tpu.memory_space<hbm>>
    %dma_start3A_66 = arith.constant 0 : i32
    %dma_start3A_67 = tpu.memref_slice %arg3[%add3A_63, %dma_start3A_66] : memref<8192x1024xf32, #tpu.memory_space<hbm>> -> memref<8x1024xf32, #tpu.memory_space<hbm>>
    tpu.enqueue_dma source(%dma_start3A_67 : memref<8x1024xf32, #tpu.memory_space<hbm>>) target(%arg14 : memref<8x1024xf32, #tpu.memory_space<vmem>>) target_semaphore(%arg32 : memref<!tpu.dma_semaphore, #tpu.memory_space<semaphore_mem>>)
    %dma_wait3A = arith.constant 0 : i32
    %dma_wait3A_68 = arith.constant 0 : i32
    %dma_wait3A_69 = tpu.memref_slice %arg3[%dma_wait3A, %dma_wait3A_68] : memref<8192x1024xf32, #tpu.memory_space<hbm>> -> memref<8x1024xf32, #tpu.memory_space<hbm>>
    %dma_wait3A_70 = arith.constant 0 : i32
    %dma_wait3A_71 = arith.constant 0 : i32
    %dma_wait3A_72 = tpu.memref_slice %arg3[%dma_wait3A_70, %dma_wait3A_71] : memref<8192x1024xf32, #tpu.memory_space<hbm>> -> memref<8x1024xf32, #tpu.memory_space<hbm>>
    tpu.wait_dma2 semaphore(%arg31 : memref<!tpu.dma_semaphore, #tpu.memory_space<semaphore_mem>>) src(%dma_wait3A_72 : memref<8x1024xf32, #tpu.memory_space<hbm>>) dst(%arg13 : memref<8x1024xf32, #tpu.memory_space<vmem>>)
    %dma_wait3A_73 = arith.constant 0 : i32
    %dma_wait3A_74 = arith.constant 0 : i32
    %dma_wait3A_75 = arith.constant 0 : i32
    %dma_wait3A_76 = tpu.memref_slice %arg2[%dma_wait3A_73, %dma_wait3A_74, %dma_wait3A_75] : memref<4x8192x1024xf32, #tpu.memory_space<hbm>> -> memref<1x8x1024xf32, #tpu.memory_space<hbm>>
    %dma_wait3A_77 = tpu.memref_squeeze %dma_wait3A_76 : memref<1x8x1024xf32, #tpu.memory_space<hbm>> -> memref<8x1024xf32, #tpu.memory_space<hbm>>
    %dma_wait3A_78 = arith.constant 0 : i32
    %dma_wait3A_79 = arith.constant 0 : i32
    %dma_wait3A_80 = tpu.memref_slice %arg2[%dma_wait3A_73, %dma_wait3A_78, %dma_wait3A_79] : memref<4x8192x1024xf32, #tpu.memory_space<hbm>> -> memref<1x8x1024xf32, #tpu.memory_space<hbm>>
    %dma_wait3A_81 = tpu.memref_squeeze %dma_wait3A_80 : memref<1x8x1024xf32, #tpu.memory_space<hbm>> -> memref<8x1024xf32, #tpu.memory_space<hbm>>
    tpu.wait_dma2 semaphore(%arg15 : memref<!tpu.dma_semaphore, #tpu.memory_space<semaphore_mem>>) src(%dma_wait3A_81 : memref<8x1024xf32, #tpu.memory_space<hbm>>) dst(%arg5 : memref<8x1024xf32, #tpu.memory_space<vmem>>)
    %parallel_loop3A = arith.constant 0 : i32
    %parallel_loop3A_82 = arith.constant 512 : i32
    %parallel_loop3A_83 = arith.constant 1 : i32
    scf.for %parallel_loop3A_461 = %parallel_loop3A to %parallel_loop3A_82 step %parallel_loop3A_83  : i32 {
      %parallel_loop3A_462 = arith.constant 6 : i32
      %parallel_loop3A_463 = arith.shrsi %parallel_loop3A_461, %parallel_loop3A_462 : i32
      %parallel_loop3A_464 = arith.constant 63 : i32
      %parallel_loop3A_465 = arith.andi %parallel_loop3A_461, %parallel_loop3A_464 : i32
      %parallel_loop3A_466 = arith.constant 16 : i32
      %parallel_loop3A_467 = arith.muli %parallel_loop3A_465, %parallel_loop3A_466 : i32
      %parallel_loop3A_468 = arith.index_cast %parallel_loop3A_463 : i32 to index
      %parallel_loop3A_469 = arith.index_cast %parallel_loop3A_467 : i32 to index
      %parallel_loop3A_470 = tpu.vector_load %arg13[%parallel_loop3A_468, %parallel_loop3A_469] {strides = array<i32>} : memref<8x1024xf32, #tpu.memory_space<vmem>>, vector<1x16xf32>,
      %parallel_loop3A_471 = vector.shape_cast %parallel_loop3A_470 : vector<1x16xf32> to vector<16xf32>
      %parallel_loop3A_472 = arith.index_cast %parallel_loop3A_463 : i32 to index
      %parallel_loop3A_473 = arith.index_cast %parallel_loop3A_467 : i32 to index
      %parallel_loop3A_474 = tpu.vector_load %arg5[%parallel_loop3A_472, %parallel_loop3A_473] {strides = array<i32>} : memref<8x1024xf32, #tpu.memory_space<vmem>>, vector<1x16xf32>,
      %parallel_loop3A_475 = vector.shape_cast %parallel_loop3A_474 : vector<1x16xf32> to vector<16xf32>
      %parallel_loop3A_476 = vector.shape_cast %parallel_loop3A_471 : vector<16xf32> to vector<1x16xf32>
      tpu.vector_store %arg5[%parallel_loop3A_472, %parallel_loop3A_473], %parallel_loop3A_476 {add = true, strides = array<i32>} : memref<8x1024xf32, #tpu.memory_space<vmem>>, vector<1x16xf32>,
    } {sc.loop_unroll_factor = 4 : i64, sc.parallel_access}
    %add3A_84 = arith.constant 0 : i32
    %add3A_85 = arith.addi %mul3A_2, %add3A_84 : i32
    %dma_start3A_86 = arith.constant 0 : i32
    %dma_start3A_87 = arith.constant 0 : i32
    %dma_start3A_88 = tpu.memref_slice %arg4[%dma_start3A_86, %add3A_85, %dma_start3A_87] : memref<4x8192x1024xf32, #tpu.memory_space<hbm>> -> memref<1x8x1024xf32, #tpu.memory_space<hbm>>
    %dma_start3A_89 = tpu.memref_squeeze %dma_start3A_88 : memref<1x8x1024xf32, #tpu.memory_space<hbm>> -> memref<8x1024xf32, #tpu.memory_space<hbm>>
    %dma_start3A_90 = arith.constant 0 : i32
    %dma_start3A_91 = tpu.memref_slice %arg4[%dma_start3A_86, %add3A_85, %dma_start3A_90] : memref<4x8192x1024xf32, #tpu.memory_space<hbm>> -> memref<1x8x1024xf32, #tpu.memory_space<hbm>>
    %dma_start3A_92 = tpu.memref_squeeze %dma_start3A_91 : memref<1x8x1024xf32, #tpu.memory_space<hbm>> -> memref<8x1024xf32, #tpu.memory_space<hbm>>
    tpu.enqueue_dma source(%arg5 : memref<8x1024xf32, #tpu.memory_space<vmem>>) target(%dma_start3A_92 : memref<8x1024xf32, #tpu.memory_space<hbm>>) target_semaphore(%arg23 : memref<!tpu.dma_semaphore, #tpu.memory_space<semaphore_mem>>)
    %add3A_93 = arith.constant 8 : i32
    %add3A_94 = arith.addi %mul3A_2, %add3A_93 : i32
    %dma_start3A_95 = arith.constant 2 : i32
    %dma_start3A_96 = arith.constant 0 : i32
    %dma_start3A_97 = tpu.memref_slice %arg2[%dma_start3A_95, %add3A_94, %dma_start3A_96] : memref<4x8192x1024xf32, #tpu.memory_space<hbm>> -> memref<1x8x1024xf32, #tpu.memory_space<hbm>>
    %dma_start3A_98 = tpu.memref_squeeze %dma_start3A_97 : memref<1x8x1024xf32, #tpu.memory_space<hbm>> -> memref<8x1024xf32, #tpu.memory_space<hbm>>
    %dma_start3A_99 = arith.constant 0 : i32
    %dma_start3A_100 = tpu.memref_slice %arg2[%dma_start3A_95, %add3A_94, %dma_start3A_99] : memref<4x8192x1024xf32, #tpu.memory_space<hbm>> -> memref<1x8x1024xf32, #tpu.memory_space<hbm>>
    %dma_start3A_101 = tpu.memref_squeeze %dma_start3A_100 : memref<1x8x1024xf32, #tpu.memory_space<hbm>> -> memref<8x1024xf32, #tpu.memory_space<hbm>>
    tpu.enqueue_dma source(%dma_start3A_101 : memref<8x1024xf32, #tpu.memory_space<hbm>>) target(%arg11 : memref<8x1024xf32, #tpu.memory_space<vmem>>) target_semaphore(%arg21 : memref<!tpu.dma_semaphore, #tpu.memory_space<semaphore_mem>>)
    %dma_wait3A_102 = arith.constant 0 : i32
    %dma_wait3A_103 = arith.constant 0 : i32
    %dma_wait3A_104 = arith.constant 0 : i32
    %dma_wait3A_105 = tpu.memref_slice %arg2[%dma_wait3A_102, %dma_wait3A_103, %dma_wait3A_104] : memref<4x8192x1024xf32, #tpu.memory_space<hbm>> -> memref<1x8x1024xf32, #tpu.memory_space<hbm>>
    %dma_wait3A_106 = tpu.memref_squeeze %dma_wait3A_105 : memref<1x8x1024xf32, #tpu.memory_space<hbm>> -> memref<8x1024xf32, #tpu.memory_space<hbm>>
    %dma_wait3A_107 = arith.constant 0 : i32
    %dma_wait3A_108 = arith.constant 0 : i32
    %dma_wait3A_109 = tpu.memref_slice %arg2[%dma_wait3A_102, %dma_wait3A_107, %dma_wait3A_108] : memref<4x8192x1024xf32, #tpu.memory_space<hbm>> -> memref<1x8x1024xf32, #tpu.memory_space<hbm>>
    %dma_wait3A_110 = tpu.memref_squeeze %dma_wait3A_109 : memref<1x8x1024xf32, #tpu.memory_space<hbm>> -> memref<8x1024xf32, #tpu.memory_space<hbm>>
    tpu.wait_dma2 semaphore(%arg16 : memref<!tpu.dma_semaphore, #tpu.memory_space<semaphore_mem>>) src(%dma_wait3A_110 : memref<8x1024xf32, #tpu.memory_space<hbm>>) dst(%arg6 : memref<8x1024xf32, #tpu.memory_space<vmem>>)
    %parallel_loop3A_111 = arith.constant 0 : i32
    %parallel_loop3A_112 = arith.constant 512 : i32
    %parallel_loop3A_113 = arith.constant 1 : i32
    scf.for %parallel_loop3A_461 = %parallel_loop3A_111 to %parallel_loop3A_112 step %parallel_loop3A_113  : i32 {
      %parallel_loop3A_462 = arith.constant 6 : i32
      %parallel_loop3A_463 = arith.shrsi %parallel_loop3A_461, %parallel_loop3A_462 : i32
      %parallel_loop3A_464 = arith.constant 63 : i32
      %parallel_loop3A_465 = arith.andi %parallel_loop3A_461, %parallel_loop3A_464 : i32
      %parallel_loop3A_466 = arith.constant 16 : i32
      %parallel_loop3A_467 = arith.muli %parallel_loop3A_465, %parallel_loop3A_466 : i32
      %parallel_loop3A_468 = arith.index_cast %parallel_loop3A_463 : i32 to index
      %parallel_loop3A_469 = arith.index_cast %parallel_loop3A_467 : i32 to index
      %parallel_loop3A_470 = tpu.vector_load %arg13[%parallel_loop3A_468, %parallel_loop3A_469] {strides = array<i32>} : memref<8x1024xf32, #tpu.memory_space<vmem>>, vector<1x16xf32>,
      %parallel_loop3A_471 = vector.shape_cast %parallel_loop3A_470 : vector<1x16xf32> to vector<16xf32>
      %parallel_loop3A_472 = arith.index_cast %parallel_loop3A_463 : i32 to index
      %parallel_loop3A_473 = arith.index_cast %parallel_loop3A_467 : i32 to index
      %parallel_loop3A_474 = tpu.vector_load %arg6[%parallel_loop3A_472, %parallel_loop3A_473] {strides = array<i32>} : memref<8x1024xf32, #tpu.memory_space<vmem>>, vector<1x16xf32>,
      %parallel_loop3A_475 = vector.shape_cast %parallel_loop3A_474 : vector<1x16xf32> to vector<16xf32>
      %parallel_loop3A_476 = vector.shape_cast %parallel_loop3A_471 : vector<16xf32> to vector<1x16xf32>
      tpu.vector_store %arg6[%parallel_loop3A_472, %parallel_loop3A_473], %parallel_loop3A_476 {add = true, strides = array<i32>} : memref<8x1024xf32, #tpu.memory_space<vmem>>, vector<1x16xf32>,
    } {sc.loop_unroll_factor = 4 : i64, sc.parallel_access}
    %add3A_114 = arith.constant 0 : i32
    %add3A_115 = arith.addi %mul3A_2, %add3A_114 : i32
    %dma_start3A_116 = arith.constant 1 : i32
    %dma_start3A_117 = arith.constant 0 : i32
    %dma_start3A_118 = tpu.memref_slice %arg4[%dma_start3A_116, %add3A_115, %dma_start3A_117] : memref<4x8192x1024xf32, #tpu.memory_space<hbm>> -> memref<1x8x1024xf32, #tpu.memory_space<hbm>>
    %dma_start3A_119 = tpu.memref_squeeze %dma_start3A_118 : memref<1x8x1024xf32, #tpu.memory_space<hbm>> -> memref<8x1024xf32, #tpu.memory_space<hbm>>
    %dma_start3A_120 = arith.constant 0 : i32
    %dma_start3A_121 = tpu.memref_slice %arg4[%dma_start3A_116, %add3A_115, %dma_start3A_120] : memref<4x8192x1024xf32, #tpu.memory_space<hbm>> -> memref<1x8x1024xf32, #tpu.memory_space<hbm>>
    %dma_start3A_122 = tpu.memref_squeeze %dma_start3A_121 : memref<1x8x1024xf32, #tpu.memory_space<hbm>> -> memref<8x1024xf32, #tpu.memory_space<hbm>>
    tpu.enqueue_dma source(%arg6 : memref<8x1024xf32, #tpu.memory_space<vmem>>) target(%dma_start3A_122 : memref<8x1024xf32, #tpu.memory_space<hbm>>) target_semaphore(%arg24 : memref<!tpu.dma_semaphore, #tpu.memory_space<semaphore_mem>>)
    %add3A_123 = arith.constant 8 : i32
    %add3A_124 = arith.addi %mul3A_2, %add3A_123 : i32
    %dma_start3A_125 = arith.constant 3 : i32
    %dma_start3A_126 = arith.constant 0 : i32
    %dma_start3A_127 = tpu.memref_slice %arg2[%dma_start3A_125, %add3A_124, %dma_start3A_126] : memref<4x8192x1024xf32, #tpu.memory_space<hbm>> -> memref<1x8x1024xf32, #tpu.memory_space<hbm>>
    %dma_start3A_128 = tpu.memref_squeeze %dma_start3A_127 : memref<1x8x1024xf32, #tpu.memory_space<hbm>> -> memref<8x1024xf32, #tpu.memory_space<hbm>>
    %dma_start3A_129 = arith.constant 0 : i32
    %dma_start3A_130 = tpu.memref_slice %arg2[%dma_start3A_125, %add3A_124, %dma_start3A_129] : memref<4x8192x1024xf32, #tpu.memory_space<hbm>> -> memref<1x8x1024xf32, #tpu.memory_space<hbm>>
    %dma_start3A_131 = tpu.memref_squeeze %dma_start3A_130 : memref<1x8x1024xf32, #tpu.memory_space<hbm>> -> memref<8x1024xf32, #tpu.memory_space<hbm>>
    tpu.enqueue_dma source(%dma_start3A_131 : memref<8x1024xf32, #tpu.memory_space<hbm>>) target(%arg12 : memref<8x1024xf32, #tpu.memory_space<vmem>>) target_semaphore(%arg22 : memref<!tpu.dma_semaphore, #tpu.memory_space<semaphore_mem>>)
    %dma_wait3A_132 = arith.constant 0 : i32
    %dma_wait3A_133 = arith.constant 0 : i32
    %dma_wait3A_134 = arith.constant 0 : i32
    %dma_wait3A_135 = tpu.memref_slice %arg2[%dma_wait3A_132, %dma_wait3A_133, %dma_wait3A_134] : memref<4x8192x1024xf32, #tpu.memory_space<hbm>> -> memref<1x8x1024xf32, #tpu.memory_space<hbm>>
    %dma_wait3A_136 = tpu.memref_squeeze %dma_wait3A_135 : memref<1x8x1024xf32, #tpu.memory_space<hbm>> -> memref<8x1024xf32, #tpu.memory_space<hbm>>
    %dma_wait3A_137 = arith.constant 0 : i32
    %dma_wait3A_138 = arith.constant 0 : i32
    %dma_wait3A_139 = tpu.memref_slice %arg2[%dma_wait3A_132, %dma_wait3A_137, %dma_wait3A_138] : memref<4x8192x1024xf32, #tpu.memory_space<hbm>> -> memref<1x8x1024xf32, #tpu.memory_space<hbm>>
    %dma_wait3A_140 = tpu.memref_squeeze %dma_wait3A_139 : memref<1x8x1024xf32, #tpu.memory_space<hbm>> -> memref<8x1024xf32, #tpu.memory_space<hbm>>
    tpu.wait_dma2 semaphore(%arg17 : memref<!tpu.dma_semaphore, #tpu.memory_space<semaphore_mem>>) src(%dma_wait3A_140 : memref<8x1024xf32, #tpu.memory_space<hbm>>) dst(%arg7 : memref<8x1024xf32, #tpu.memory_space<vmem>>)
    %parallel_loop3A_141 = arith.constant 0 : i32
    %parallel_loop3A_142 = arith.constant 512 : i32
    %parallel_loop3A_143 = arith.constant 1 : i32
    scf.for %parallel_loop3A_461 = %parallel_loop3A_141 to %parallel_loop3A_142 step %parallel_loop3A_143  : i32 {
      %parallel_loop3A_462 = arith.constant 6 : i32
      %parallel_loop3A_463 = arith.shrsi %parallel_loop3A_461, %parallel_loop3A_462 : i32
      %parallel_loop3A_464 = arith.constant 63 : i32
      %parallel_loop3A_465 = arith.andi %parallel_loop3A_461, %parallel_loop3A_464 : i32
      %parallel_loop3A_466 = arith.constant 16 : i32
      %parallel_loop3A_467 = arith.muli %parallel_loop3A_465, %parallel_loop3A_466 : i32
      %parallel_loop3A_468 = arith.index_cast %parallel_loop3A_463 : i32 to index
      %parallel_loop3A_469 = arith.index_cast %parallel_loop3A_467 : i32 to index
      %parallel_loop3A_470 = tpu.vector_load %arg13[%parallel_loop3A_468, %parallel_loop3A_469] {strides = array<i32>} : memref<8x1024xf32, #tpu.memory_space<vmem>>, vector<1x16xf32>,
      %parallel_loop3A_471 = vector.shape_cast %parallel_loop3A_470 : vector<1x16xf32> to vector<16xf32>
      %parallel_loop3A_472 = arith.index_cast %parallel_loop3A_463 : i32 to index
      %parallel_loop3A_473 = arith.index_cast %parallel_loop3A_467 : i32 to index
      %parallel_loop3A_474 = tpu.vector_load %arg7[%parallel_loop3A_472, %parallel_loop3A_473] {strides = array<i32>} : memref<8x1024xf32, #tpu.memory_space<vmem>>, vector<1x16xf32>,
      %parallel_loop3A_475 = vector.shape_cast %parallel_loop3A_474 : vector<1x16xf32> to vector<16xf32>
      %parallel_loop3A_476 = vector.shape_cast %parallel_loop3A_471 : vector<16xf32> to vector<1x16xf32>
      tpu.vector_store %arg7[%parallel_loop3A_472, %parallel_loop3A_473], %parallel_loop3A_476 {add = true, strides = array<i32>} : memref<8x1024xf32, #tpu.memory_space<vmem>>, vector<1x16xf32>,
    } {sc.loop_unroll_factor = 4 : i64, sc.parallel_access}
    %add3A_144 = arith.constant 0 : i32
    %add3A_145 = arith.addi %mul3A_2, %add3A_144 : i32
    %dma_start3A_146 = arith.constant 2 : i32
    %dma_start3A_147 = arith.constant 0 : i32
    %dma_start3A_148 = tpu.memref_slice %arg4[%dma_start3A_146, %add3A_145, %dma_start3A_147] : memref<4x8192x1024xf32, #tpu.memory_space<hbm>> -> memref<1x8x1024xf32, #tpu.memory_space<hbm>>
    %dma_start3A_149 = tpu.memref_squeeze %dma_start3A_148 : memref<1x8x1024xf32, #tpu.memory_space<hbm>> -> memref<8x1024xf32, #tpu.memory_space<hbm>>
    %dma_start3A_150 = arith.constant 0 : i32
    %dma_start3A_151 = tpu.memref_slice %arg4[%dma_start3A_146, %add3A_145, %dma_start3A_150] : memref<4x8192x1024xf32, #tpu.memory_space<hbm>> -> memref<1x8x1024xf32, #tpu.memory_space<hbm>>
    %dma_start3A_152 = tpu.memref_squeeze %dma_start3A_151 : memref<1x8x1024xf32, #tpu.memory_space<hbm>> -> memref<8x1024xf32, #tpu.memory_space<hbm>>
    tpu.enqueue_dma source(%arg7 : memref<8x1024xf32, #tpu.memory_space<vmem>>) target(%dma_start3A_152 : memref<8x1024xf32, #tpu.memory_space<hbm>>) target_semaphore(%arg25 : memref<!tpu.dma_semaphore, #tpu.memory_space<semaphore_mem>>)
    %dma_wait3A_153 = arith.constant 0 : i32
    %dma_wait3A_154 = arith.constant 0 : i32
    %dma_wait3A_155 = arith.constant 0 : i32
    %dma_wait3A_156 = tpu.memref_slice %arg4[%dma_wait3A_153, %dma_wait3A_154, %dma_wait3A_155] : memref<4x8192x1024xf32, #tpu.memory_space<hbm>> -> memref<1x8x1024xf32, #tpu.memory_space<hbm>>
    %dma_wait3A_157 = tpu.memref_squeeze %dma_wait3A_156 : memref<1x8x1024xf32, #tpu.memory_space<hbm>> -> memref<8x1024xf32, #tpu.memory_space<hbm>>
    %dma_wait3A_158 = arith.constant 0 : i32
    %dma_wait3A_159 = arith.constant 0 : i32
    %dma_wait3A_160 = tpu.memref_slice %arg4[%dma_wait3A_153, %dma_wait3A_158, %dma_wait3A_159] : memref<4x8192x1024xf32, #tpu.memory_space<hbm>> -> memref<1x8x1024xf32, #tpu.memory_space<hbm>>
    %dma_wait3A_161 = tpu.memref_squeeze %dma_wait3A_160 : memref<1x8x1024xf32, #tpu.memory_space<hbm>> -> memref<8x1024xf32, #tpu.memory_space<hbm>>
    tpu.wait_dma2 semaphore(%arg23 : memref<!tpu.dma_semaphore, #tpu.memory_space<semaphore_mem>>) src(%arg5 : memref<8x1024xf32, #tpu.memory_space<vmem>>) dst(%dma_wait3A_161 : memref<8x1024xf32, #tpu.memory_space<hbm>>)
    %add3A_162 = arith.constant 16 : i32
    %add3A_163 = arith.addi %mul3A_2, %add3A_162 : i32
    %dma_start3A_164 = arith.constant 0 : i32
    %dma_start3A_165 = arith.constant 0 : i32
    %dma_start3A_166 = tpu.memref_slice %arg2[%dma_start3A_164, %add3A_163, %dma_start3A_165] : memref<4x8192x1024xf32, #tpu.memory_space<hbm>> -> memref<1x8x1024xf32, #tpu.memory_space<hbm>>
    %dma_start3A_167 = tpu.memref_squeeze %dma_start3A_166 : memref<1x8x1024xf32, #tpu.memory_space<hbm>> -> memref<8x1024xf32, #tpu.memory_space<hbm>>
    %dma_start3A_168 = arith.constant 0 : i32
    %dma_start3A_169 = tpu.memref_slice %arg2[%dma_start3A_164, %add3A_163, %dma_start3A_168] : memref<4x8192x1024xf32, #tpu.memory_space<hbm>> -> memref<1x8x1024xf32, #tpu.memory_space<hbm>>
    %dma_start3A_170 = tpu.memref_squeeze %dma_start3A_169 : memref<1x8x1024xf32, #tpu.memory_space<hbm>> -> memref<8x1024xf32, #tpu.memory_space<hbm>>
    tpu.enqueue_dma source(%dma_start3A_170 : memref<8x1024xf32, #tpu.memory_space<hbm>>) target(%arg5 : memref<8x1024xf32, #tpu.memory_space<vmem>>) target_semaphore(%arg15 : memref<!tpu.dma_semaphore, #tpu.memory_space<semaphore_mem>>)
    %dma_wait3A_171 = arith.constant 0 : i32
    %dma_wait3A_172 = arith.constant 0 : i32
    %dma_wait3A_173 = arith.constant 0 : i32
    %dma_wait3A_174 = tpu.memref_slice %arg2[%dma_wait3A_171, %dma_wait3A_172, %dma_wait3A_173] : memref<4x8192x1024xf32, #tpu.memory_space<hbm>> -> memref<1x8x1024xf32, #tpu.memory_space<hbm>>
    %dma_wait3A_175 = tpu.memref_squeeze %dma_wait3A_174 : memref<1x8x1024xf32, #tpu.memory_space<hbm>> -> memref<8x1024xf32, #tpu.memory_space<hbm>>
    %dma_wait3A_176 = arith.constant 0 : i32
    %dma_wait3A_177 = arith.constant 0 : i32
    %dma_wait3A_178 = tpu.memref_slice %arg2[%dma_wait3A_171, %dma_wait3A_176, %dma_wait3A_177] : memref<4x8192x1024xf32, #tpu.memory_space<hbm>> -> memref<1x8x1024xf32, #tpu.memory_space<hbm>>
    %dma_wait3A_179 = tpu.memref_squeeze %dma_wait3A_178 : memref<1x8x1024xf32, #tpu.memory_space<hbm>> -> memref<8x1024xf32, #tpu.memory_space<hbm>>
    tpu.wait_dma2 semaphore(%arg18 : memref<!tpu.dma_semaphore, #tpu.memory_space<semaphore_mem>>) src(%dma_wait3A_179 : memref<8x1024xf32, #tpu.memory_space<hbm>>) dst(%arg8 : memref<8x1024xf32, #tpu.memory_space<vmem>>)
    %parallel_loop3A_180 = arith.constant 0 : i32
    %parallel_loop3A_181 = arith.constant 512 : i32
    %parallel_loop3A_182 = arith.constant 1 : i32
    scf.for %parallel_loop3A_461 = %parallel_loop3A_180 to %parallel_loop3A_181 step %parallel_loop3A_182  : i32 {
      %parallel_loop3A_462 = arith.constant 6 : i32
      %parallel_loop3A_463 = arith.shrsi %parallel_loop3A_461, %parallel_loop3A_462 : i32
      %parallel_loop3A_464 = arith.constant 63 : i32
      %parallel_loop3A_465 = arith.andi %parallel_loop3A_461, %parallel_loop3A_464 : i32
      %parallel_loop3A_466 = arith.constant 16 : i32
      %parallel_loop3A_467 = arith.muli %parallel_loop3A_465, %parallel_loop3A_466 : i32
      %parallel_loop3A_468 = arith.index_cast %parallel_loop3A_463 : i32 to index
      %parallel_loop3A_469 = arith.index_cast %parallel_loop3A_467 : i32 to index
      %parallel_loop3A_470 = tpu.vector_load %arg13[%parallel_loop3A_468, %parallel_loop3A_469] {strides = array<i32>} : memref<8x1024xf32, #tpu.memory_space<vmem>>, vector<1x16xf32>,
      %parallel_loop3A_471 = vector.shape_cast %parallel_loop3A_470 : vector<1x16xf32> to vector<16xf32>
      %parallel_loop3A_472 = arith.index_cast %parallel_loop3A_463 : i32 to index
      %parallel_loop3A_473 = arith.index_cast %parallel_loop3A_467 : i32 to index
      %parallel_loop3A_474 = tpu.vector_load %arg8[%parallel_loop3A_472, %parallel_loop3A_473] {strides = array<i32>} : memref<8x1024xf32, #tpu.memory_space<vmem>>, vector<1x16xf32>,
      %parallel_loop3A_475 = vector.shape_cast %parallel_loop3A_474 : vector<1x16xf32> to vector<16xf32>
      %parallel_loop3A_476 = vector.shape_cast %parallel_loop3A_471 : vector<16xf32> to vector<1x16xf32>
      tpu.vector_store %arg8[%parallel_loop3A_472, %parallel_loop3A_473], %parallel_loop3A_476 {add = true, strides = array<i32>} : memref<8x1024xf32, #tpu.memory_space<vmem>>, vector<1x16xf32>,
    } {sc.loop_unroll_factor = 4 : i64, sc.parallel_access}
    %add3A_183 = arith.constant 0 : i32
    %add3A_184 = arith.addi %mul3A_2, %add3A_183 : i32
    %dma_start3A_185 = arith.constant 3 : i32
    %dma_start3A_186 = arith.constant 0 : i32
    %dma_start3A_187 = tpu.memref_slice %arg4[%dma_start3A_185, %add3A_184, %dma_start3A_186] : memref<4x8192x1024xf32, #tpu.memory_space<hbm>> -> memref<1x8x1024xf32, #tpu.memory_space<hbm>>
    %dma_start3A_188 = tpu.memref_squeeze %dma_start3A_187 : memref<1x8x1024xf32, #tpu.memory_space<hbm>> -> memref<8x1024xf32, #tpu.memory_space<hbm>>
    %dma_start3A_189 = arith.constant 0 : i32
    %dma_start3A_190 = tpu.memref_slice %arg4[%dma_start3A_185, %add3A_184, %dma_start3A_189] : memref<4x8192x1024xf32, #tpu.memory_space<hbm>> -> memref<1x8x1024xf32, #tpu.memory_space<hbm>>
    %dma_start3A_191 = tpu.memref_squeeze %dma_start3A_190 : memref<1x8x1024xf32, #tpu.memory_space<hbm>> -> memref<8x1024xf32, #tpu.memory_space<hbm>>
    tpu.enqueue_dma source(%arg8 : memref<8x1024xf32, #tpu.memory_space<vmem>>) target(%dma_start3A_191 : memref<8x1024xf32, #tpu.memory_space<hbm>>) target_semaphore(%arg26 : memref<!tpu.dma_semaphore, #tpu.memory_space<semaphore_mem>>)
    %dma_wait3A_192 = arith.constant 0 : i32
    %dma_wait3A_193 = arith.constant 0 : i32
    %dma_wait3A_194 = arith.constant 0 : i32
    %dma_wait3A_195 = tpu.memref_slice %arg4[%dma_wait3A_192, %dma_wait3A_193, %dma_wait3A_194] : memref<4x8192x1024xf32, #tpu.memory_space<hbm>> -> memref<1x8x1024xf32, #tpu.memory_space<hbm>>
    %dma_wait3A_196 = tpu.memref_squeeze %dma_wait3A_195 : memref<1x8x1024xf32, #tpu.memory_space<hbm>> -> memref<8x1024xf32, #tpu.memory_space<hbm>>
    %dma_wait3A_197 = arith.constant 0 : i32
    %dma_wait3A_198 = arith.constant 0 : i32
    %dma_wait3A_199 = tpu.memref_slice %arg4[%dma_wait3A_192, %dma_wait3A_197, %dma_wait3A_198] : memref<4x8192x1024xf32, #tpu.memory_space<hbm>> -> memref<1x8x1024xf32, #tpu.memory_space<hbm>>
    %dma_wait3A_200 = tpu.memref_squeeze %dma_wait3A_199 : memref<1x8x1024xf32, #tpu.memory_space<hbm>> -> memref<8x1024xf32, #tpu.memory_space<hbm>>
    tpu.wait_dma2 semaphore(%arg24 : memref<!tpu.dma_semaphore, #tpu.memory_space<semaphore_mem>>) src(%arg6 : memref<8x1024xf32, #tpu.memory_space<vmem>>) dst(%dma_wait3A_200 : memref<8x1024xf32, #tpu.memory_space<hbm>>)
    %add3A_201 = arith.constant 16 : i32
    %add3A_202 = arith.addi %mul3A_2, %add3A_201 : i32
    %dma_start3A_203 = arith.constant 1 : i32
    %dma_start3A_204 = arith.constant 0 : i32
    %dma_start3A_205 = tpu.memref_slice %arg2[%dma_start3A_203, %add3A_202, %dma_start3A_204] : memref<4x8192x1024xf32, #tpu.memory_space<hbm>> -> memref<1x8x1024xf32, #tpu.memory_space<hbm>>
    %dma_start3A_206 = tpu.memref_squeeze %dma_start3A_205 : memref<1x8x1024xf32, #tpu.memory_space<hbm>> -> memref<8x1024xf32, #tpu.memory_space<hbm>>
    %dma_start3A_207 = arith.constant 0 : i32
    %dma_start3A_208 = tpu.memref_slice %arg2[%dma_start3A_203, %add3A_202, %dma_start3A_207] : memref<4x8192x1024xf32, #tpu.memory_space<hbm>> -> memref<1x8x1024xf32, #tpu.memory_space<hbm>>
    %dma_start3A_209 = tpu.memref_squeeze %dma_start3A_208 : memref<1x8x1024xf32, #tpu.memory_space<hbm>> -> memref<8x1024xf32, #tpu.memory_space<hbm>>
    tpu.enqueue_dma source(%dma_start3A_209 : memref<8x1024xf32, #tpu.memory_space<hbm>>) target(%arg6 : memref<8x1024xf32, #tpu.memory_space<vmem>>) target_semaphore(%arg16 : memref<!tpu.dma_semaphore, #tpu.memory_space<semaphore_mem>>)
    %add3A_210 = arith.constant 16 : i32
    %add3A_211 = arith.addi %mul3A_2, %add3A_210 : i32
    %dma_start3A_212 = arith.constant 0 : i32
    %dma_start3A_213 = tpu.memref_slice %arg3[%add3A_211, %dma_start3A_212] : memref<8192x1024xf32, #tpu.memory_space<hbm>> -> memref<8x1024xf32, #tpu.memory_space<hbm>>
    %dma_start3A_214 = arith.constant 0 : i32
    %dma_start3A_215 = tpu.memref_slice %arg3[%add3A_211, %dma_start3A_214] : memref<8192x1024xf32, #tpu.memory_space<hbm>> -> memref<8x1024xf32, #tpu.memory_space<hbm>>
    tpu.enqueue_dma source(%dma_start3A_215 : memref<8x1024xf32, #tpu.memory_space<hbm>>) target(%arg13 : memref<8x1024xf32, #tpu.memory_space<vmem>>) target_semaphore(%arg31 : memref<!tpu.dma_semaphore, #tpu.memory_space<semaphore_mem>>)
    %dma_wait3A_216 = arith.constant 0 : i32
    %dma_wait3A_217 = arith.constant 0 : i32
    %dma_wait3A_218 = tpu.memref_slice %arg3[%dma_wait3A_216, %dma_wait3A_217] : memref<8192x1024xf32, #tpu.memory_space<hbm>> -> memref<8x1024xf32, #tpu.memory_space<hbm>>
    %dma_wait3A_219 = arith.constant 0 : i32
    %dma_wait3A_220 = arith.constant 0 : i32
    %dma_wait3A_221 = tpu.memref_slice %arg3[%dma_wait3A_219, %dma_wait3A_220] : memref<8192x1024xf32, #tpu.memory_space<hbm>> -> memref<8x1024xf32, #tpu.memory_space<hbm>>
    tpu.wait_dma2 semaphore(%arg32 : memref<!tpu.dma_semaphore, #tpu.memory_space<semaphore_mem>>) src(%dma_wait3A_221 : memref<8x1024xf32, #tpu.memory_space<hbm>>) dst(%arg14 : memref<8x1024xf32, #tpu.memory_space<vmem>>)
    %dma_wait3A_222 = arith.constant 0 : i32
    %dma_wait3A_223 = arith.constant 0 : i32
    %dma_wait3A_224 = arith.constant 0 : i32
    %dma_wait3A_225 = tpu.memref_slice %arg2[%dma_wait3A_222, %dma_wait3A_223, %dma_wait3A_224] : memref<4x8192x1024xf32, #tpu.memory_space<hbm>> -> memref<1x8x1024xf32, #tpu.memory_space<hbm>>
    %dma_wait3A_226 = tpu.memref_squeeze %dma_wait3A_225 : memref<1x8x1024xf32, #tpu.memory_space<hbm>> -> memref<8x1024xf32, #tpu.memory_space<hbm>>
    %dma_wait3A_227 = arith.constant 0 : i32
    %dma_wait3A_228 = arith.constant 0 : i32
    %dma_wait3A_229 = tpu.memref_slice %arg2[%dma_wait3A_222, %dma_wait3A_227, %dma_wait3A_228] : memref<4x8192x1024xf32, #tpu.memory_space<hbm>> -> memref<1x8x1024xf32, #tpu.memory_space<hbm>>
    %dma_wait3A_230 = tpu.memref_squeeze %dma_wait3A_229 : memref<1x8x1024xf32, #tpu.memory_space<hbm>> -> memref<8x1024xf32, #tpu.memory_space<hbm>>
    tpu.wait_dma2 semaphore(%arg19 : memref<!tpu.dma_semaphore, #tpu.memory_space<semaphore_mem>>) src(%dma_wait3A_230 : memref<8x1024xf32, #tpu.memory_space<hbm>>) dst(%arg9 : memref<8x1024xf32, #tpu.memory_space<vmem>>)
    %parallel_loop3A_231 = arith.constant 0 : i32
    %parallel_loop3A_232 = arith.constant 512 : i32
    %parallel_loop3A_233 = arith.constant 1 : i32
    scf.for %parallel_loop3A_461 = %parallel_loop3A_231 to %parallel_loop3A_232 step %parallel_loop3A_233  : i32 {
      %parallel_loop3A_462 = arith.constant 6 : i32
      %parallel_loop3A_463 = arith.shrsi %parallel_loop3A_461, %parallel_loop3A_462 : i32
      %parallel_loop3A_464 = arith.constant 63 : i32
      %parallel_loop3A_465 = arith.andi %parallel_loop3A_461, %parallel_loop3A_464 : i32
      %parallel_loop3A_466 = arith.constant 16 : i32
      %parallel_loop3A_467 = arith.muli %parallel_loop3A_465, %parallel_loop3A_466 : i32
      %parallel_loop3A_468 = arith.index_cast %parallel_loop3A_463 : i32 to index
      %parallel_loop3A_469 = arith.index_cast %parallel_loop3A_467 : i32 to index
      %parallel_loop3A_470 = tpu.vector_load %arg14[%parallel_loop3A_468, %parallel_loop3A_469] {strides = array<i32>} : memref<8x1024xf32, #tpu.memory_space<vmem>>, vector<1x16xf32>,
      %parallel_loop3A_471 = vector.shape_cast %parallel_loop3A_470 : vector<1x16xf32> to vector<16xf32>
      %parallel_loop3A_472 = arith.index_cast %parallel_loop3A_463 : i32 to index
      %parallel_loop3A_473 = arith.index_cast %parallel_loop3A_467 : i32 to index
      %parallel_loop3A_474 = tpu.vector_load %arg9[%parallel_loop3A_472, %parallel_loop3A_473] {strides = array<i32>} : memref<8x1024xf32, #tpu.memory_space<vmem>>, vector<1x16xf32>,
      %parallel_loop3A_475 = vector.shape_cast %parallel_loop3A_474 : vector<1x16xf32> to vector<16xf32>
      %parallel_loop3A_476 = vector.shape_cast %parallel_loop3A_471 : vector<16xf32> to vector<1x16xf32>
      tpu.vector_store %arg9[%parallel_loop3A_472, %parallel_loop3A_473], %parallel_loop3A_476 {add = true, strides = array<i32>} : memref<8x1024xf32, #tpu.memory_space<vmem>>, vector<1x16xf32>,
    } {sc.loop_unroll_factor = 4 : i64, sc.parallel_access}
    %add3A_234 = arith.constant 8 : i32
    %add3A_235 = arith.addi %mul3A_2, %add3A_234 : i32
    %dma_start3A_236 = arith.constant 0 : i32
    %dma_start3A_237 = arith.constant 0 : i32
    %dma_start3A_238 = tpu.memref_slice %arg4[%dma_start3A_236, %add3A_235, %dma_start3A_237] : memref<4x8192x1024xf32, #tpu.memory_space<hbm>> -> memref<1x8x1024xf32, #tpu.memory_space<hbm>>
    %dma_start3A_239 = tpu.memref_squeeze %dma_start3A_238 : memref<1x8x1024xf32, #tpu.memory_space<hbm>> -> memref<8x1024xf32, #tpu.memory_space<hbm>>
    %dma_start3A_240 = arith.constant 0 : i32
    %dma_start3A_241 = tpu.memref_slice %arg4[%dma_start3A_236, %add3A_235, %dma_start3A_240] : memref<4x8192x1024xf32, #tpu.memory_space<hbm>> -> memref<1x8x1024xf32, #tpu.memory_space<hbm>>
    %dma_start3A_242 = tpu.memref_squeeze %dma_start3A_241 : memref<1x8x1024xf32, #tpu.memory_space<hbm>> -> memref<8x1024xf32, #tpu.memory_space<hbm>>
    tpu.enqueue_dma source(%arg9 : memref<8x1024xf32, #tpu.memory_space<vmem>>) target(%dma_start3A_242 : memref<8x1024xf32, #tpu.memory_space<hbm>>) target_semaphore(%arg27 : memref<!tpu.dma_semaphore, #tpu.memory_space<semaphore_mem>>)
    %dma_wait3A_243 = arith.constant 0 : i32
    %dma_wait3A_244 = arith.constant 0 : i32
    %dma_wait3A_245 = arith.constant 0 : i32
    %dma_wait3A_246 = tpu.memref_slice %arg4[%dma_wait3A_243, %dma_wait3A_244, %dma_wait3A_245] : memref<4x8192x1024xf32, #tpu.memory_space<hbm>> -> memref<1x8x1024xf32, #tpu.memory_space<hbm>>
    %dma_wait3A_247 = tpu.memref_squeeze %dma_wait3A_246 : memref<1x8x1024xf32, #tpu.memory_space<hbm>> -> memref<8x1024xf32, #tpu.memory_space<hbm>>
    %dma_wait3A_248 = arith.constant 0 : i32
    %dma_wait3A_249 = arith.constant 0 : i32
    %dma_wait3A_250 = tpu.memref_slice %arg4[%dma_wait3A_243, %dma_wait3A_248, %dma_wait3A_249] : memref<4x8192x1024xf32, #tpu.memory_space<hbm>> -> memref<1x8x1024xf32, #tpu.memory_space<hbm>>
    %dma_wait3A_251 = tpu.memref_squeeze %dma_wait3A_250 : memref<1x8x1024xf32, #tpu.memory_space<hbm>> -> memref<8x1024xf32, #tpu.memory_space<hbm>>
    tpu.wait_dma2 semaphore(%arg25 : memref<!tpu.dma_semaphore, #tpu.memory_space<semaphore_mem>>) src(%arg7 : memref<8x1024xf32, #tpu.memory_space<vmem>>) dst(%dma_wait3A_251 : memref<8x1024xf32, #tpu.memory_space<hbm>>)
    %add3A_252 = arith.constant 16 : i32
    %add3A_253 = arith.addi %mul3A_2, %add3A_252 : i32
    %dma_start3A_254 = arith.constant 2 : i32
    %dma_start3A_255 = arith.constant 0 : i32
    %dma_start3A_256 = tpu.memref_slice %arg2[%dma_start3A_254, %add3A_253, %dma_start3A_255] : memref<4x8192x1024xf32, #tpu.memory_space<hbm>> -> memref<1x8x1024xf32, #tpu.memory_space<hbm>>
    %dma_start3A_257 = tpu.memref_squeeze %dma_start3A_256 : memref<1x8x1024xf32, #tpu.memory_space<hbm>> -> memref<8x1024xf32, #tpu.memory_space<hbm>>
    %dma_start3A_258 = arith.constant 0 : i32
    %dma_start3A_259 = tpu.memref_slice %arg2[%dma_start3A_254, %add3A_253, %dma_start3A_258] : memref<4x8192x1024xf32, #tpu.memory_space<hbm>> -> memref<1x8x1024xf32, #tpu.memory_space<hbm>>
    %dma_start3A_260 = tpu.memref_squeeze %dma_start3A_259 : memref<1x8x1024xf32, #tpu.memory_space<hbm>> -> memref<8x1024xf32, #tpu.memory_space<hbm>>
    tpu.enqueue_dma source(%dma_start3A_260 : memref<8x1024xf32, #tpu.memory_space<hbm>>) target(%arg7 : memref<8x1024xf32, #tpu.memory_space<vmem>>) target_semaphore(%arg17 : memref<!tpu.dma_semaphore, #tpu.memory_space<semaphore_mem>>)
    %dma_wait3A_261 = arith.constant 0 : i32
    %dma_wait3A_262 = arith.constant 0 : i32
    %dma_wait3A_263 = arith.constant 0 : i32
    %dma_wait3A_264 = tpu.memref_slice %arg2[%dma_wait3A_261, %dma_wait3A_262, %dma_wait3A_263] : memref<4x8192x1024xf32, #tpu.memory_space<hbm>> -> memref<1x8x1024xf32, #tpu.memory_space<hbm>>
    %dma_wait3A_265 = tpu.memref_squeeze %dma_wait3A_264 : memref<1x8x1024xf32, #tpu.memory_space<hbm>> -> memref<8x1024xf32, #tpu.memory_space<hbm>>
    %dma_wait3A_266 = arith.constant 0 : i32
    %dma_wait3A_267 = arith.constant 0 : i32
    %dma_wait3A_268 = tpu.memref_slice %arg2[%dma_wait3A_261, %dma_wait3A_266, %dma_wait3A_267] : memref<4x8192x1024xf32, #tpu.memory_space<hbm>> -> memref<1x8x1024xf32, #tpu.memory_space<hbm>>
    %dma_wait3A_269 = tpu.memref_squeeze %dma_wait3A_268 : memref<1x8x1024xf32, #tpu.memory_space<hbm>> -> memref<8x1024xf32, #tpu.memory_space<hbm>>
    tpu.wait_dma2 semaphore(%arg20 : memref<!tpu.dma_semaphore, #tpu.memory_space<semaphore_mem>>) src(%dma_wait3A_269 : memref<8x1024xf32, #tpu.memory_space<hbm>>) dst(%arg10 : memref<8x1024xf32, #tpu.memory_space<vmem>>)
    %parallel_loop3A_270 = arith.constant 0 : i32
    %parallel_loop3A_271 = arith.constant 512 : i32
    %parallel_loop3A_272 = arith.constant 1 : i32
    scf.for %parallel_loop3A_461 = %parallel_loop3A_270 to %parallel_loop3A_271 step %parallel_loop3A_272  : i32 {
      %parallel_loop3A_462 = arith.constant 6 : i32
      %parallel_loop3A_463 = arith.shrsi %parallel_loop3A_461, %parallel_loop3A_462 : i32
      %parallel_loop3A_464 = arith.constant 63 : i32
      %parallel_loop3A_465 = arith.andi %parallel_loop3A_461, %parallel_loop3A_464 : i32
      %parallel_loop3A_466 = arith.constant 16 : i32
      %parallel_loop3A_467 = arith.muli %parallel_loop3A_465, %parallel_loop3A_466 : i32
      %parallel_loop3A_468 = arith.index_cast %parallel_loop3A_463 : i32 to index
      %parallel_loop3A_469 = arith.index_cast %parallel_loop3A_467 : i32 to index
      %parallel_loop3A_470 = tpu.vector_load %arg14[%parallel_loop3A_468, %parallel_loop3A_469] {strides = array<i32>} : memref<8x1024xf32, #tpu.memory_space<vmem>>, vector<1x16xf32>,
      %parallel_loop3A_471 = vector.shape_cast %parallel_loop3A_470 : vector<1x16xf32> to vector<16xf32>
      %parallel_loop3A_472 = arith.index_cast %parallel_loop3A_463 : i32 to index
      %parallel_loop3A_473 = arith.index_cast %parallel_loop3A_467 : i32 to index
      %parallel_loop3A_474 = tpu.vector_load %arg10[%parallel_loop3A_472, %parallel_loop3A_473] {strides = array<i32>} : memref<8x1024xf32, #tpu.memory_space<vmem>>, vector<1x16xf32>,
      %parallel_loop3A_475 = vector.shape_cast %parallel_loop3A_474 : vector<1x16xf32> to vector<16xf32>
      %parallel_loop3A_476 = vector.shape_cast %parallel_loop3A_471 : vector<16xf32> to vector<1x16xf32>
      tpu.vector_store %arg10[%parallel_loop3A_472, %parallel_loop3A_473], %parallel_loop3A_476 {add = true, strides = array<i32>} : memref<8x1024xf32, #tpu.memory_space<vmem>>, vector<1x16xf32>,
    } {sc.loop_unroll_factor = 4 : i64, sc.parallel_access}
    %add3A_273 = arith.constant 8 : i32
    %add3A_274 = arith.addi %mul3A_2, %add3A_273 : i32
    %dma_start3A_275 = arith.constant 1 : i32
    %dma_start3A_276 = arith.constant 0 : i32
    %dma_start3A_277 = tpu.memref_slice %arg4[%dma_start3A_275, %add3A_274, %dma_start3A_276] : memref<4x8192x1024xf32, #tpu.memory_space<hbm>> -> memref<1x8x1024xf32, #tpu.memory_space<hbm>>
    %dma_start3A_278 = tpu.memref_squeeze %dma_start3A_277 : memref<1x8x1024xf32, #tpu.memory_space<hbm>> -> memref<8x1024xf32, #tpu.memory_space<hbm>>
    %dma_start3A_279 = arith.constant 0 : i32
    %dma_start3A_280 = tpu.memref_slice %arg4[%dma_start3A_275, %add3A_274, %dma_start3A_279] : memref<4x8192x1024xf32, #tpu.memory_space<hbm>> -> memref<1x8x1024xf32, #tpu.memory_space<hbm>>
    %dma_start3A_281 = tpu.memref_squeeze %dma_start3A_280 : memref<1x8x1024xf32, #tpu.memory_space<hbm>> -> memref<8x1024xf32, #tpu.memory_space<hbm>>
    tpu.enqueue_dma source(%arg10 : memref<8x1024xf32, #tpu.memory_space<vmem>>) target(%dma_start3A_281 : memref<8x1024xf32, #tpu.memory_space<hbm>>) target_semaphore(%arg28 : memref<!tpu.dma_semaphore, #tpu.memory_space<semaphore_mem>>)
    %dma_wait3A_282 = arith.constant 0 : i32
    %dma_wait3A_283 = arith.constant 0 : i32
    %dma_wait3A_284 = arith.constant 0 : i32
    %dma_wait3A_285 = tpu.memref_slice %arg4[%dma_wait3A_282, %dma_wait3A_283, %dma_wait3A_284] : memref<4x8192x1024xf32, #tpu.memory_space<hbm>> -> memref<1x8x1024xf32, #tpu.memory_space<hbm>>
    %dma_wait3A_286 = tpu.memref_squeeze %dma_wait3A_285 : memref<1x8x1024xf32, #tpu.memory_space<hbm>> -> memref<8x1024xf32, #tpu.memory_space<hbm>>
    %dma_wait3A_287 = arith.constant 0 : i32
    %dma_wait3A_288 = arith.constant 0 : i32
    %dma_wait3A_289 = tpu.memref_slice %arg4[%dma_wait3A_282, %dma_wait3A_287, %dma_wait3A_288] : memref<4x8192x1024xf32, #tpu.memory_space<hbm>> -> memref<1x8x1024xf32, #tpu.memory_space<hbm>>
    %dma_wait3A_290 = tpu.memref_squeeze %dma_wait3A_289 : memref<1x8x1024xf32, #tpu.memory_space<hbm>> -> memref<8x1024xf32, #tpu.memory_space<hbm>>
    tpu.wait_dma2 semaphore(%arg26 : memref<!tpu.dma_semaphore, #tpu.memory_space<semaphore_mem>>) src(%arg8 : memref<8x1024xf32, #tpu.memory_space<vmem>>) dst(%dma_wait3A_290 : memref<8x1024xf32, #tpu.memory_space<hbm>>)
    %add3A_291 = arith.constant 16 : i32
    %add3A_292 = arith.addi %mul3A_2, %add3A_291 : i32
    %dma_start3A_293 = arith.constant 3 : i32
    %dma_start3A_294 = arith.constant 0 : i32
    %dma_start3A_295 = tpu.memref_slice %arg2[%dma_start3A_293, %add3A_292, %dma_start3A_294] : memref<4x8192x1024xf32, #tpu.memory_space<hbm>> -> memref<1x8x1024xf32, #tpu.memory_space<hbm>>
    %dma_start3A_296 = tpu.memref_squeeze %dma_start3A_295 : memref<1x8x1024xf32, #tpu.memory_space<hbm>> -> memref<8x1024xf32, #tpu.memory_space<hbm>>
    %dma_start3A_297 = arith.constant 0 : i32
    %dma_start3A_298 = tpu.memref_slice %arg2[%dma_start3A_293, %add3A_292, %dma_start3A_297] : memref<4x8192x1024xf32, #tpu.memory_space<hbm>> -> memref<1x8x1024xf32, #tpu.memory_space<hbm>>
    %dma_start3A_299 = tpu.memref_squeeze %dma_start3A_298 : memref<1x8x1024xf32, #tpu.memory_space<hbm>> -> memref<8x1024xf32, #tpu.memory_space<hbm>>
    tpu.enqueue_dma source(%dma_start3A_299 : memref<8x1024xf32, #tpu.memory_space<hbm>>) target(%arg8 : memref<8x1024xf32, #tpu.memory_space<vmem>>) target_semaphore(%arg18 : memref<!tpu.dma_semaphore, #tpu.memory_space<semaphore_mem>>)
    %dma_wait3A_300 = arith.constant 0 : i32
    %dma_wait3A_301 = arith.constant 0 : i32
    %dma_wait3A_302 = arith.constant 0 : i32
    %dma_wait3A_303 = tpu.memref_slice %arg2[%dma_wait3A_300, %dma_wait3A_301, %dma_wait3A_302] : memref<4x8192x1024xf32, #tpu.memory_space<hbm>> -> memref<1x8x1024xf32, #tpu.memory_space<hbm>>
    %dma_wait3A_304 = tpu.memref_squeeze %dma_wait3A_303 : memref<1x8x1024xf32, #tpu.memory_space<hbm>> -> memref<8x1024xf32, #tpu.memory_space<hbm>>
    %dma_wait3A_305 = arith.constant 0 : i32
    %dma_wait3A_306 = arith.constant 0 : i32
    %dma_wait3A_307 = tpu.memref_slice %arg2[%dma_wait3A_300, %dma_wait3A_305, %dma_wait3A_306] : memref<4x8192x1024xf32, #tpu.memory_space<hbm>> -> memref<1x8x1024xf32, #tpu.memory_space<hbm>>
    %dma_wait3A_308 = tpu.memref_squeeze %dma_wait3A_307 : memref<1x8x1024xf32, #tpu.memory_space<hbm>> -> memref<8x1024xf32, #tpu.memory_space<hbm>>
    tpu.wait_dma2 semaphore(%arg21 : memref<!tpu.dma_semaphore, #tpu.memory_space<semaphore_mem>>) src(%dma_wait3A_308 : memref<8x1024xf32, #tpu.memory_space<hbm>>) dst(%arg11 : memref<8x1024xf32, #tpu.memory_space<vmem>>)
    %parallel_loop3A_309 = arith.constant 0 : i32
    %parallel_loop3A_310 = arith.constant 512 : i32
    %parallel_loop3A_311 = arith.constant 1 : i32
    scf.for %parallel_loop3A_461 = %parallel_loop3A_309 to %parallel_loop3A_310 step %parallel_loop3A_311  : i32 {
      %parallel_loop3A_462 = arith.constant 6 : i32
      %parallel_loop3A_463 = arith.shrsi %parallel_loop3A_461, %parallel_loop3A_462 : i32
      %parallel_loop3A_464 = arith.constant 63 : i32
      %parallel_loop3A_465 = arith.andi %parallel_loop3A_461, %parallel_loop3A_464 : i32
      %parallel_loop3A_466 = arith.constant 16 : i32
      %parallel_loop3A_467 = arith.muli %parallel_loop3A_465, %parallel_loop3A_466 : i32
      %parallel_loop3A_468 = arith.index_cast %parallel_loop3A_463 : i32 to index
      %parallel_loop3A_469 = arith.index_cast %parallel_loop3A_467 : i32 to index
      %parallel_loop3A_470 = tpu.vector_load %arg14[%parallel_loop3A_468, %parallel_loop3A_469] {strides = array<i32>} : memref<8x1024xf32, #tpu.memory_space<vmem>>, vector<1x16xf32>,
      %parallel_loop3A_471 = vector.shape_cast %parallel_loop3A_470 : vector<1x16xf32> to vector<16xf32>
      %parallel_loop3A_472 = arith.index_cast %parallel_loop3A_463 : i32 to index
      %parallel_loop3A_473 = arith.index_cast %parallel_loop3A_467 : i32 to index
      %parallel_loop3A_474 = tpu.vector_load %arg11[%parallel_loop3A_472, %parallel_loop3A_473] {strides = array<i32>} : memref<8x1024xf32, #tpu.memory_space<vmem>>, vector<1x16xf32>,
      %parallel_loop3A_475 = vector.shape_cast %parallel_loop3A_474 : vector<1x16xf32> to vector<16xf32>
      %parallel_loop3A_476 = vector.shape_cast %parallel_loop3A_471 : vector<16xf32> to vector<1x16xf32>
      tpu.vector_store %arg11[%parallel_loop3A_472, %parallel_loop3A_473], %parallel_loop3A_476 {add = true, strides = array<i32>} : memref<8x1024xf32, #tpu.memory_space<vmem>>, vector<1x16xf32>,
    } {sc.loop_unroll_factor = 4 : i64, sc.parallel_access}
    %add3A_312 = arith.constant 8 : i32
    %add3A_313 = arith.addi %mul3A_2, %add3A_312 : i32
    %dma_start3A_314 = arith.constant 2 : i32
    %dma_start3A_315 = arith.constant 0 : i32
    %dma_start3A_316 = tpu.memref_slice %arg4[%dma_start3A_314, %add3A_313, %dma_start3A_315] : memref<4x8192x1024xf32, #tpu.memory_space<hbm>> -> memref<1x8x1024xf32, #tpu.memory_space<hbm>>
    %dma_start3A_317 = tpu.memref_squeeze %dma_start3A_316 : memref<1x8x1024xf32, #tpu.memory_space<hbm>> -> memref<8x1024xf32, #tpu.memory_space<hbm>>
    %dma_start3A_318 = arith.constant 0 : i32
    %dma_start3A_319 = tpu.memref_slice %arg4[%dma_start3A_314, %add3A_313, %dma_start3A_318] : memref<4x8192x1024xf32, #tpu.memory_space<hbm>> -> memref<1x8x1024xf32, #tpu.memory_space<hbm>>
    %dma_start3A_320 = tpu.memref_squeeze %dma_start3A_319 : memref<1x8x1024xf32, #tpu.memory_space<hbm>> -> memref<8x1024xf32, #tpu.memory_space<hbm>>
    tpu.enqueue_dma source(%arg11 : memref<8x1024xf32, #tpu.memory_space<vmem>>) target(%dma_start3A_320 : memref<8x1024xf32, #tpu.memory_space<hbm>>) target_semaphore(%arg29 : memref<!tpu.dma_semaphore, #tpu.memory_space<semaphore_mem>>)
    %dma_wait3A_321 = arith.constant 0 : i32
    %dma_wait3A_322 = arith.constant 0 : i32
    %dma_wait3A_323 = arith.constant 0 : i32
    %dma_wait3A_324 = tpu.memref_slice %arg4[%dma_wait3A_321, %dma_wait3A_322, %dma_wait3A_323] : memref<4x8192x1024xf32, #tpu.memory_space<hbm>> -> memref<1x8x1024xf32, #tpu.memory_space<hbm>>
    %dma_wait3A_325 = tpu.memref_squeeze %dma_wait3A_324 : memref<1x8x1024xf32, #tpu.memory_space<hbm>> -> memref<8x1024xf32, #tpu.memory_space<hbm>>
    %dma_wait3A_326 = arith.constant 0 : i32
    %dma_wait3A_327 = arith.constant 0 : i32
    %dma_wait3A_328 = tpu.memref_slice %arg4[%dma_wait3A_321, %dma_wait3A_326, %dma_wait3A_327] : memref<4x8192x1024xf32, #tpu.memory_space<hbm>> -> memref<1x8x1024xf32, #tpu.memory_space<hbm>>
    %dma_wait3A_329 = tpu.memref_squeeze %dma_wait3A_328 : memref<1x8x1024xf32, #tpu.memory_space<hbm>> -> memref<8x1024xf32, #tpu.memory_space<hbm>>
    tpu.wait_dma2 semaphore(%arg27 : memref<!tpu.dma_semaphore, #tpu.memory_space<semaphore_mem>>) src(%arg9 : memref<8x1024xf32, #tpu.memory_space<vmem>>) dst(%dma_wait3A_329 : memref<8x1024xf32, #tpu.memory_space<hbm>>)
    %add3A_330 = arith.constant 24 : i32
    %add3A_331 = arith.addi %mul3A_2, %add3A_330 : i32
    %dma_start3A_332 = arith.constant 0 : i32
    %dma_start3A_333 = arith.constant 0 : i32
    %dma_start3A_334 = tpu.memref_slice %arg2[%dma_start3A_332, %add3A_331, %dma_start3A_333] : memref<4x8192x1024xf32, #tpu.memory_space<hbm>> -> memref<1x8x1024xf32, #tpu.memory_space<hbm>>
    %dma_start3A_335 = tpu.memref_squeeze %dma_start3A_334 : memref<1x8x1024xf32, #tpu.memory_space<hbm>> -> memref<8x1024xf32, #tpu.memory_space<hbm>>
    %dma_start3A_336 = arith.constant 0 : i32
    %dma_start3A_337 = tpu.memref_slice %arg2[%dma_start3A_332, %add3A_331, %dma_start3A_336] : memref<4x8192x1024xf32, #tpu.memory_space<hbm>> -> memref<1x8x1024xf32, #tpu.memory_space<hbm>>
    %dma_start3A_338 = tpu.memref_squeeze %dma_start3A_337 : memref<1x8x1024xf32, #tpu.memory_space<hbm>> -> memref<8x1024xf32, #tpu.memory_space<hbm>>
    tpu.enqueue_dma source(%dma_start3A_338 : memref<8x1024xf32, #tpu.memory_space<hbm>>) target(%arg9 : memref<8x1024xf32, #tpu.memory_space<vmem>>) target_semaphore(%arg19 : memref<!tpu.dma_semaphore, #tpu.memory_space<semaphore_mem>>)
    %dma_wait3A_339 = arith.constant 0 : i32
    %dma_wait3A_340 = arith.constant 0 : i32
    %dma_wait3A_341 = arith.constant 0 : i32
    %dma_wait3A_342 = tpu.memref_slice %arg2[%dma_wait3A_339, %dma_wait3A_340, %dma_wait3A_341] : memref<4x8192x1024xf32, #tpu.memory_space<hbm>> -> memref<1x8x1024xf32, #tpu.memory_space<hbm>>
    %dma_wait3A_343 = tpu.memref_squeeze %dma_wait3A_342 : memref<1x8x1024xf32, #tpu.memory_space<hbm>> -> memref<8x1024xf32, #tpu.memory_space<hbm>>
    %dma_wait3A_344 = arith.constant 0 : i32
    %dma_wait3A_345 = arith.constant 0 : i32
    %dma_wait3A_346 = tpu.memref_slice %arg2[%dma_wait3A_339, %dma_wait3A_344, %dma_wait3A_345] : memref<4x8192x1024xf32, #tpu.memory_space<hbm>> -> memref<1x8x1024xf32, #tpu.memory_space<hbm>>
    %dma_wait3A_347 = tpu.memref_squeeze %dma_wait3A_346 : memref<1x8x1024xf32, #tpu.memory_space<hbm>> -> memref<8x1024xf32, #tpu.memory_space<hbm>>
    tpu.wait_dma2 semaphore(%arg22 : memref<!tpu.dma_semaphore, #tpu.memory_space<semaphore_mem>>) src(%dma_wait3A_347 : memref<8x1024xf32, #tpu.memory_space<hbm>>) dst(%arg12 : memref<8x1024xf32, #tpu.memory_space<vmem>>)
    %parallel_loop3A_348 = arith.constant 0 : i32
    %parallel_loop3A_349 = arith.constant 512 : i32
    %parallel_loop3A_350 = arith.constant 1 : i32
    scf.for %parallel_loop3A_461 = %parallel_loop3A_348 to %parallel_loop3A_349 step %parallel_loop3A_350  : i32 {
      %parallel_loop3A_462 = arith.constant 6 : i32
      %parallel_loop3A_463 = arith.shrsi %parallel_loop3A_461, %parallel_loop3A_462 : i32
      %parallel_loop3A_464 = arith.constant 63 : i32
      %parallel_loop3A_465 = arith.andi %parallel_loop3A_461, %parallel_loop3A_464 : i32
      %parallel_loop3A_466 = arith.constant 16 : i32
      %parallel_loop3A_467 = arith.muli %parallel_loop3A_465, %parallel_loop3A_466 : i32
      %parallel_loop3A_468 = arith.index_cast %parallel_loop3A_463 : i32 to index
      %parallel_loop3A_469 = arith.index_cast %parallel_loop3A_467 : i32 to index
      %parallel_loop3A_470 = tpu.vector_load %arg14[%parallel_loop3A_468, %parallel_loop3A_469] {strides = array<i32>} : memref<8x1024xf32, #tpu.memory_space<vmem>>, vector<1x16xf32>,
      %parallel_loop3A_471 = vector.shape_cast %parallel_loop3A_470 : vector<1x16xf32> to vector<16xf32>
      %parallel_loop3A_472 = arith.index_cast %parallel_loop3A_463 : i32 to index
      %parallel_loop3A_473 = arith.index_cast %parallel_loop3A_467 : i32 to index
      %parallel_loop3A_474 = tpu.vector_load %arg12[%parallel_loop3A_472, %parallel_loop3A_473] {strides = array<i32>} : memref<8x1024xf32, #tpu.memory_space<vmem>>, vector<1x16xf32>,
      %parallel_loop3A_475 = vector.shape_cast %parallel_loop3A_474 : vector<1x16xf32> to vector<16xf32>
      %parallel_loop3A_476 = vector.shape_cast %parallel_loop3A_471 : vector<16xf32> to vector<1x16xf32>
      tpu.vector_store %arg12[%parallel_loop3A_472, %parallel_loop3A_473], %parallel_loop3A_476 {add = true, strides = array<i32>} : memref<8x1024xf32, #tpu.memory_space<vmem>>, vector<1x16xf32>,
    } {sc.loop_unroll_factor = 4 : i64, sc.parallel_access}
    %add3A_351 = arith.constant 8 : i32
    %add3A_352 = arith.addi %mul3A_2, %add3A_351 : i32
    %dma_start3A_353 = arith.constant 3 : i32
    %dma_start3A_354 = arith.constant 0 : i32
    %dma_start3A_355 = tpu.memref_slice %arg4[%dma_start3A_353, %add3A_352, %dma_start3A_354] : memref<4x8192x1024xf32, #tpu.memory_space<hbm>> -> memref<1x8x1024xf32, #tpu.memory_space<hbm>>
    %dma_start3A_356 = tpu.memref_squeeze %dma_start3A_355 : memref<1x8x1024xf32, #tpu.memory_space<hbm>> -> memref<8x1024xf32, #tpu.memory_space<hbm>>
    %dma_start3A_357 = arith.constant 0 : i32
    %dma_start3A_358 = tpu.memref_slice %arg4[%dma_start3A_353, %add3A_352, %dma_start3A_357] : memref<4x8192x1024xf32, #tpu.memory_space<hbm>> -> memref<1x8x1024xf32, #tpu.memory_space<hbm>>
    %dma_start3A_359 = tpu.memref_squeeze %dma_start3A_358 : memref<1x8x1024xf32, #tpu.memory_space<hbm>> -> memref<8x1024xf32, #tpu.memory_space<hbm>>
    tpu.enqueue_dma source(%arg12 : memref<8x1024xf32, #tpu.memory_space<vmem>>) target(%dma_start3A_359 : memref<8x1024xf32, #tpu.memory_space<hbm>>) target_semaphore(%arg30 : memref<!tpu.dma_semaphore, #tpu.memory_space<semaphore_mem>>)
    %dma_wait3A_360 = arith.constant 0 : i32
    %dma_wait3A_361 = arith.constant 0 : i32
    %dma_wait3A_362 = arith.constant 0 : i32
    %dma_wait3A_363 = tpu.memref_slice %arg4[%dma_wait3A_360, %dma_wait3A_361, %dma_wait3A_362] : memref<4x8192x1024xf32, #tpu.memory_space<hbm>> -> memref<1x8x1024xf32, #tpu.memory_space<hbm>>
    %dma_wait3A_364 = tpu.memref_squeeze %dma_wait3A_363 : memref<1x8x1024xf32, #tpu.memory_space<hbm>> -> memref<8x1024xf32, #tpu.memory_space<hbm>>
    %dma_wait3A_365 = arith.constant 0 : i32
    %dma_wait3A_366 = arith.constant 0 : i32
    %dma_wait3A_367 = tpu.memref_slice %arg4[%dma_wait3A_360, %dma_wait3A_365, %dma_wait3A_366] : memref<4x8192x1024xf32, #tpu.memory_space<hbm>> -> memref<1x8x1024xf32, #tpu.memory_space<hbm>>
    %dma_wait3A_368 = tpu.memref_squeeze %dma_wait3A_367 : memref<1x8x1024xf32, #tpu.memory_space<hbm>> -> memref<8x1024xf32, #tpu.memory_space<hbm>>
    tpu.wait_dma2 semaphore(%arg28 : memref<!tpu.dma_semaphore, #tpu.memory_space<semaphore_mem>>) src(%arg10 : memref<8x1024xf32, #tpu.memory_space<vmem>>) dst(%dma_wait3A_368 : memref<8x1024xf32, #tpu.memory_space<hbm>>)
    %add3A_369 = arith.constant 24 : i32
    %add3A_370 = arith.addi %mul3A_2, %add3A_369 : i32
    %dma_start3A_371 = arith.constant 1 : i32
    %dma_start3A_372 = arith.constant 0 : i32
    %dma_start3A_373 = tpu.memref_slice %arg2[%dma_start3A_371, %add3A_370, %dma_start3A_372] : memref<4x8192x1024xf32, #tpu.memory_space<hbm>> -> memref<1x8x1024xf32, #tpu.memory_space<hbm>>
    %dma_start3A_374 = tpu.memref_squeeze %dma_start3A_373 : memref<1x8x1024xf32, #tpu.memory_space<hbm>> -> memref<8x1024xf32, #tpu.memory_space<hbm>>
    %dma_start3A_375 = arith.constant 0 : i32
    %dma_start3A_376 = tpu.memref_slice %arg2[%dma_start3A_371, %add3A_370, %dma_start3A_375] : memref<4x8192x1024xf32, #tpu.memory_space<hbm>> -> memref<1x8x1024xf32, #tpu.memory_space<hbm>>
    %dma_start3A_377 = tpu.memref_squeeze %dma_start3A_376 : memref<1x8x1024xf32, #tpu.memory_space<hbm>> -> memref<8x1024xf32, #tpu.memory_space<hbm>>
    tpu.enqueue_dma source(%dma_start3A_377 : memref<8x1024xf32, #tpu.memory_space<hbm>>) target(%arg10 : memref<8x1024xf32, #tpu.memory_space<vmem>>) target_semaphore(%arg20 : memref<!tpu.dma_semaphore, #tpu.memory_space<semaphore_mem>>)
    %add3A_378 = arith.constant 24 : i32
    %add3A_379 = arith.addi %mul3A_2, %add3A_378 : i32
    %dma_start3A_380 = arith.constant 0 : i32
    %dma_start3A_381 = tpu.memref_slice %arg3[%add3A_379, %dma_start3A_380] : memref<8192x1024xf32, #tpu.memory_space<hbm>> -> memref<8x1024xf32, #tpu.memory_space<hbm>>
    %dma_start3A_382 = arith.constant 0 : i32
    %dma_start3A_383 = tpu.memref_slice %arg3[%add3A_379, %dma_start3A_382] : memref<8192x1024xf32, #tpu.memory_space<hbm>> -> memref<8x1024xf32, #tpu.memory_space<hbm>>
    tpu.enqueue_dma source(%dma_start3A_383 : memref<8x1024xf32, #tpu.memory_space<hbm>>) target(%arg14 : memref<8x1024xf32, #tpu.memory_space<vmem>>) target_semaphore(%arg32 : memref<!tpu.dma_semaphore, #tpu.memory_space<semaphore_mem>>)
    %scan3A = arith.constant 0 : i32
    %scan3A_384 = arith.constant 1 : i32
    %scan3A_385 = arith.constant 15 : i32
    %scan3A_386 = arith.addi %scan3A_384, %scan3A_385 : i32
    %scan3A_387 = arith.constant 1 : i32
    scf.for %scan3A_461 = %scan3A_384 to %scan3A_386 step %scan3A_387  : i32 {
      %mul3A_462 = arith.constant 2 : i32
      %mul3A_463 = arith.muli %mul3A_462, %scan3A_461 : i32
      %add3A_464 = arith.constant 0 : i32
      %add3A_465 = arith.addi %mul3A_463, %add3A_464 : i32
      %dma_wait3A_466 = arith.constant 0 : i32
      %dma_wait3A_467 = arith.constant 0 : i32
      %dma_wait3A_468 = tpu.memref_slice %arg3[%dma_wait3A_466, %dma_wait3A_467] : memref<8192x1024xf32, #tpu.memory_space<hbm>> -> memref<8x1024xf32, #tpu.memory_space<hbm>>
      %dma_wait3A_469 = arith.constant 0 : i32
      %dma_wait3A_470 = arith.constant 0 : i32
      %dma_wait3A_471 = tpu.memref_slice %arg3[%dma_wait3A_469, %dma_wait3A_470] : memref<8192x1024xf32, #tpu.memory_space<hbm>> -> memref<8x1024xf32, #tpu.memory_space<hbm>>
      tpu.wait_dma2 semaphore(%arg31 : memref<!tpu.dma_semaphore, #tpu.memory_space<semaphore_mem>>) src(%dma_wait3A_471 : memref<8x1024xf32, #tpu.memory_space<hbm>>) dst(%arg13 : memref<8x1024xf32, #tpu.memory_space<vmem>>)
      %dma_wait3A_472 = arith.constant 0 : i32
      %dma_wait3A_473 = arith.constant 0 : i32
      %dma_wait3A_474 = arith.constant 0 : i32
      %dma_wait3A_475 = tpu.memref_slice %arg2[%dma_wait3A_472, %dma_wait3A_473, %dma_wait3A_474] : memref<4x8192x1024xf32, #tpu.memory_space<hbm>> -> memref<1x8x1024xf32, #tpu.memory_space<hbm>>
      %dma_wait3A_476 = tpu.memref_squeeze %dma_wait3A_475 : memref<1x8x1024xf32, #tpu.memory_space<hbm>> -> memref<8x1024xf32, #tpu.memory_space<hbm>>
      %dma_wait3A_477 = arith.constant 0 : i32
      %dma_wait3A_478 = arith.constant 0 : i32
      %dma_wait3A_479 = tpu.memref_slice %arg2[%dma_wait3A_472, %dma_wait3A_477, %dma_wait3A_478] : memref<4x8192x1024xf32, #tpu.memory_space<hbm>> -> memref<1x8x1024xf32, #tpu.memory_space<hbm>>
      %dma_wait3A_480 = tpu.memref_squeeze %dma_wait3A_479 : memref<1x8x1024xf32, #tpu.memory_space<hbm>> -> memref<8x1024xf32, #tpu.memory_space<hbm>>
      tpu.wait_dma2 semaphore(%arg15 : memref<!tpu.dma_semaphore, #tpu.memory_space<semaphore_mem>>) src(%dma_wait3A_480 : memref<8x1024xf32, #tpu.memory_space<hbm>>) dst(%arg5 : memref<8x1024xf32, #tpu.memory_space<vmem>>)
      %parallel_loop3A_481 = arith.constant 0 : i32
      %parallel_loop3A_482 = arith.constant 512 : i32
      %parallel_loop3A_483 = arith.constant 1 : i32
      scf.for %parallel_loop3A_725 = %parallel_loop3A_481 to %parallel_loop3A_482 step %parallel_loop3A_483  : i32 {
        %parallel_loop3A_726 = arith.constant 6 : i32
        %parallel_loop3A_727 = arith.shrsi %parallel_loop3A_725, %parallel_loop3A_726 : i32
        %parallel_loop3A_728 = arith.constant 63 : i32
        %parallel_loop3A_729 = arith.andi %parallel_loop3A_725, %parallel_loop3A_728 : i32
        %parallel_loop3A_730 = arith.constant 16 : i32
        %parallel_loop3A_731 = arith.muli %parallel_loop3A_729, %parallel_loop3A_730 : i32
        %parallel_loop3A_732 = arith.index_cast %parallel_loop3A_727 : i32 to index
        %parallel_loop3A_733 = arith.index_cast %parallel_loop3A_731 : i32 to index
        %parallel_loop3A_734 = tpu.vector_load %arg13[%parallel_loop3A_732, %parallel_loop3A_733] {strides = array<i32>} : memref<8x1024xf32, #tpu.memory_space<vmem>>, vector<1x16xf32>,
        %parallel_loop3A_735 = vector.shape_cast %parallel_loop3A_734 : vector<1x16xf32> to vector<16xf32>
        %parallel_loop3A_736 = arith.index_cast %parallel_loop3A_727 : i32 to index
        %parallel_loop3A_737 = arith.index_cast %parallel_loop3A_731 : i32 to index
        %parallel_loop3A_738 = tpu.vector_load %arg5[%parallel_loop3A_736, %parallel_loop3A_737] {strides = array<i32>} : memref<8x1024xf32, #tpu.memory_space<vmem>>, vector<1x16xf32>,
        %parallel_loop3A_739 = vector.shape_cast %parallel_loop3A_738 : vector<1x16xf32> to vector<16xf32>
        %parallel_loop3A_740 = vector.shape_cast %parallel_loop3A_735 : vector<16xf32> to vector<1x16xf32>
        tpu.vector_store %arg5[%parallel_loop3A_736, %parallel_loop3A_737], %parallel_loop3A_740 {add = true, strides = array<i32>} : memref<8x1024xf32, #tpu.memory_space<vmem>>, vector<1x16xf32>,
      } {sc.loop_unroll_factor = 4 : i64, sc.parallel_access}
      %mul3A_484 = arith.constant 8 : i32
      %mul3A_485 = arith.muli %add3A_465, %mul3A_484 : i32
      %add3A_486 = arith.addi %mul3A_2, %mul3A_485 : i32
      %dma_start3A_487 = arith.constant 0 : i32
      %dma_start3A_488 = arith.constant 0 : i32
      %dma_start3A_489 = tpu.memref_slice %arg4[%dma_start3A_487, %add3A_486, %dma_start3A_488] : memref<4x8192x1024xf32, #tpu.memory_space<hbm>> -> memref<1x8x1024xf32, #tpu.memory_space<hbm>>
      %dma_start3A_490 = tpu.memref_squeeze %dma_start3A_489 : memref<1x8x1024xf32, #tpu.memory_space<hbm>> -> memref<8x1024xf32, #tpu.memory_space<hbm>>
      %dma_start3A_491 = arith.constant 0 : i32
      %dma_start3A_492 = tpu.memref_slice %arg4[%dma_start3A_487, %add3A_486, %dma_start3A_491] : memref<4x8192x1024xf32, #tpu.memory_space<hbm>> -> memref<1x8x1024xf32, #tpu.memory_space<hbm>>
      %dma_start3A_493 = tpu.memref_squeeze %dma_start3A_492 : memref<1x8x1024xf32, #tpu.memory_space<hbm>> -> memref<8x1024xf32, #tpu.memory_space<hbm>>
      tpu.enqueue_dma source(%arg5 : memref<8x1024xf32, #tpu.memory_space<vmem>>) target(%dma_start3A_493 : memref<8x1024xf32, #tpu.memory_space<hbm>>) target_semaphore(%arg23 : memref<!tpu.dma_semaphore, #tpu.memory_space<semaphore_mem>>)
      %add3A_494 = arith.constant 1 : i32
      %add3A_495 = arith.addi %add3A_465, %add3A_494 : i32
      %lt3A = arith.constant 32 : i32
      %lt3A_496 = arith.cmpi slt, %add3A_495, %lt3A : i32
      %convert_element_type3A = arith.extui %lt3A_496 : i1 to i32
      %cond3A = arith.constant 0 : i32
      %cond3A_497 = arith.cmpi ne, %convert_element_type3A, %cond3A : i32
      scf.if %cond3A_497 {
        %dma_wait3A_725 = arith.constant 0 : i32
        %dma_wait3A_726 = arith.constant 0 : i32
        %dma_wait3A_727 = arith.constant 0 : i32
        %dma_wait3A_728 = tpu.memref_slice %arg4[%dma_wait3A_725, %dma_wait3A_726, %dma_wait3A_727] : memref<4x8192x1024xf32, #tpu.memory_space<hbm>> -> memref<1x8x1024xf32, #tpu.memory_space<hbm>>
        %dma_wait3A_729 = tpu.memref_squeeze %dma_wait3A_728 : memref<1x8x1024xf32, #tpu.memory_space<hbm>> -> memref<8x1024xf32, #tpu.memory_space<hbm>>
        %dma_wait3A_730 = arith.constant 0 : i32
        %dma_wait3A_731 = arith.constant 0 : i32
        %dma_wait3A_732 = tpu.memref_slice %arg4[%dma_wait3A_725, %dma_wait3A_730, %dma_wait3A_731] : memref<4x8192x1024xf32, #tpu.memory_space<hbm>> -> memref<1x8x1024xf32, #tpu.memory_space<hbm>>
        %dma_wait3A_733 = tpu.memref_squeeze %dma_wait3A_732 : memref<1x8x1024xf32, #tpu.memory_space<hbm>> -> memref<8x1024xf32, #tpu.memory_space<hbm>>
        tpu.wait_dma2 semaphore(%arg29 : memref<!tpu.dma_semaphore, #tpu.memory_space<semaphore_mem>>) src(%arg11 : memref<8x1024xf32, #tpu.memory_space<vmem>>) dst(%dma_wait3A_733 : memref<8x1024xf32, #tpu.memory_space<hbm>>)
        %mul3A_734 = arith.constant 8 : i32
        %mul3A_735 = arith.muli %add3A_495, %mul3A_734 : i32
        %add3A_736 = arith.addi %mul3A_2, %mul3A_735 : i32
        %dma_start3A_737 = arith.constant 2 : i32
        %dma_start3A_738 = arith.constant 0 : i32
        %dma_start3A_739 = tpu.memref_slice %arg2[%dma_start3A_737, %add3A_736, %dma_start3A_738] : memref<4x8192x1024xf32, #tpu.memory_space<hbm>> -> memref<1x8x1024xf32, #tpu.memory_space<hbm>>
        %dma_start3A_740 = tpu.memref_squeeze %dma_start3A_739 : memref<1x8x1024xf32, #tpu.memory_space<hbm>> -> memref<8x1024xf32, #tpu.memory_space<hbm>>
        %dma_start3A_741 = arith.constant 0 : i32
        %dma_start3A_742 = tpu.memref_slice %arg2[%dma_start3A_737, %add3A_736, %dma_start3A_741] : memref<4x8192x1024xf32, #tpu.memory_space<hbm>> -> memref<1x8x1024xf32, #tpu.memory_space<hbm>>
        %dma_start3A_743 = tpu.memref_squeeze %dma_start3A_742 : memref<1x8x1024xf32, #tpu.memory_space<hbm>> -> memref<8x1024xf32, #tpu.memory_space<hbm>>
        tpu.enqueue_dma source(%dma_start3A_743 : memref<8x1024xf32, #tpu.memory_space<hbm>>) target(%arg11 : memref<8x1024xf32, #tpu.memory_space<vmem>>) target_semaphore(%arg21 : memref<!tpu.dma_semaphore, #tpu.memory_space<semaphore_mem>>)
      } else {
      }
      %dma_wait3A_498 = arith.constant 0 : i32
      %dma_wait3A_499 = arith.constant 0 : i32
      %dma_wait3A_500 = arith.constant 0 : i32
      %dma_wait3A_501 = tpu.memref_slice %arg2[%dma_wait3A_498, %dma_wait3A_499, %dma_wait3A_500] : memref<4x8192x1024xf32, #tpu.memory_space<hbm>> -> memref<1x8x1024xf32, #tpu.memory_space<hbm>>
      %dma_wait3A_502 = tpu.memref_squeeze %dma_wait3A_501 : memref<1x8x1024xf32, #tpu.memory_space<hbm>> -> memref<8x1024xf32, #tpu.memory_space<hbm>>
      %dma_wait3A_503 = arith.constant 0 : i32
      %dma_wait3A_504 = arith.constant 0 : i32
      %dma_wait3A_505 = tpu.memref_slice %arg2[%dma_wait3A_498, %dma_wait3A_503, %dma_wait3A_504] : memref<4x8192x1024xf32, #tpu.memory_space<hbm>> -> memref<1x8x1024xf32, #tpu.memory_space<hbm>>
      %dma_wait3A_506 = tpu.memref_squeeze %dma_wait3A_505 : memref<1x8x1024xf32, #tpu.memory_space<hbm>> -> memref<8x1024xf32, #tpu.memory_space<hbm>>
      tpu.wait_dma2 semaphore(%arg16 : memref<!tpu.dma_semaphore, #tpu.memory_space<semaphore_mem>>) src(%dma_wait3A_506 : memref<8x1024xf32, #tpu.memory_space<hbm>>) dst(%arg6 : memref<8x1024xf32, #tpu.memory_space<vmem>>)
      %parallel_loop3A_507 = arith.constant 0 : i32
      %parallel_loop3A_508 = arith.constant 512 : i32
      %parallel_loop3A_509 = arith.constant 1 : i32
      scf.for %parallel_loop3A_725 = %parallel_loop3A_507 to %parallel_loop3A_508 step %parallel_loop3A_509  : i32 {
        %parallel_loop3A_726 = arith.constant 6 : i32
        %parallel_loop3A_727 = arith.shrsi %parallel_loop3A_725, %parallel_loop3A_726 : i32
        %parallel_loop3A_728 = arith.constant 63 : i32
        %parallel_loop3A_729 = arith.andi %parallel_loop3A_725, %parallel_loop3A_728 : i32
        %parallel_loop3A_730 = arith.constant 16 : i32
        %parallel_loop3A_731 = arith.muli %parallel_loop3A_729, %parallel_loop3A_730 : i32
        %parallel_loop3A_732 = arith.index_cast %parallel_loop3A_727 : i32 to index
        %parallel_loop3A_733 = arith.index_cast %parallel_loop3A_731 : i32 to index
        %parallel_loop3A_734 = tpu.vector_load %arg13[%parallel_loop3A_732, %parallel_loop3A_733] {strides = array<i32>} : memref<8x1024xf32, #tpu.memory_space<vmem>>, vector<1x16xf32>,
        %parallel_loop3A_735 = vector.shape_cast %parallel_loop3A_734 : vector<1x16xf32> to vector<16xf32>
        %parallel_loop3A_736 = arith.index_cast %parallel_loop3A_727 : i32 to index
        %parallel_loop3A_737 = arith.index_cast %parallel_loop3A_731 : i32 to index
        %parallel_loop3A_738 = tpu.vector_load %arg6[%parallel_loop3A_736, %parallel_loop3A_737] {strides = array<i32>} : memref<8x1024xf32, #tpu.memory_space<vmem>>, vector<1x16xf32>,
        %parallel_loop3A_739 = vector.shape_cast %parallel_loop3A_738 : vector<1x16xf32> to vector<16xf32>
        %parallel_loop3A_740 = vector.shape_cast %parallel_loop3A_735 : vector<16xf32> to vector<1x16xf32>
        tpu.vector_store %arg6[%parallel_loop3A_736, %parallel_loop3A_737], %parallel_loop3A_740 {add = true, strides = array<i32>} : memref<8x1024xf32, #tpu.memory_space<vmem>>, vector<1x16xf32>,
      } {sc.loop_unroll_factor = 4 : i64, sc.parallel_access}
      %mul3A_510 = arith.constant 8 : i32
      %mul3A_511 = arith.muli %add3A_465, %mul3A_510 : i32
      %add3A_512 = arith.addi %mul3A_2, %mul3A_511 : i32
      %dma_start3A_513 = arith.constant 1 : i32
      %dma_start3A_514 = arith.constant 0 : i32
      %dma_start3A_515 = tpu.memref_slice %arg4[%dma_start3A_513, %add3A_512, %dma_start3A_514] : memref<4x8192x1024xf32, #tpu.memory_space<hbm>> -> memref<1x8x1024xf32, #tpu.memory_space<hbm>>
      %dma_start3A_516 = tpu.memref_squeeze %dma_start3A_515 : memref<1x8x1024xf32, #tpu.memory_space<hbm>> -> memref<8x1024xf32, #tpu.memory_space<hbm>>
      %dma_start3A_517 = arith.constant 0 : i32
      %dma_start3A_518 = tpu.memref_slice %arg4[%dma_start3A_513, %add3A_512, %dma_start3A_517] : memref<4x8192x1024xf32, #tpu.memory_space<hbm>> -> memref<1x8x1024xf32, #tpu.memory_space<hbm>>
      %dma_start3A_519 = tpu.memref_squeeze %dma_start3A_518 : memref<1x8x1024xf32, #tpu.memory_space<hbm>> -> memref<8x1024xf32, #tpu.memory_space<hbm>>
      tpu.enqueue_dma source(%arg6 : memref<8x1024xf32, #tpu.memory_space<vmem>>) target(%dma_start3A_519 : memref<8x1024xf32, #tpu.memory_space<hbm>>) target_semaphore(%arg24 : memref<!tpu.dma_semaphore, #tpu.memory_space<semaphore_mem>>)
      %add3A_520 = arith.constant 1 : i32
      %add3A_521 = arith.addi %add3A_465, %add3A_520 : i32
      %lt3A_522 = arith.constant 32 : i32
      %lt3A_523 = arith.cmpi slt, %add3A_521, %lt3A_522 : i32
      %convert_element_type3A_524 = arith.extui %lt3A_523 : i1 to i32
      %cond3A_525 = arith.constant 0 : i32
      %cond3A_526 = arith.cmpi ne, %convert_element_type3A_524, %cond3A_525 : i32
      scf.if %cond3A_526 {
        %dma_wait3A_725 = arith.constant 0 : i32
        %dma_wait3A_726 = arith.constant 0 : i32
        %dma_wait3A_727 = arith.constant 0 : i32
        %dma_wait3A_728 = tpu.memref_slice %arg4[%dma_wait3A_725, %dma_wait3A_726, %dma_wait3A_727] : memref<4x8192x1024xf32, #tpu.memory_space<hbm>> -> memref<1x8x1024xf32, #tpu.memory_space<hbm>>
        %dma_wait3A_729 = tpu.memref_squeeze %dma_wait3A_728 : memref<1x8x1024xf32, #tpu.memory_space<hbm>> -> memref<8x1024xf32, #tpu.memory_space<hbm>>
        %dma_wait3A_730 = arith.constant 0 : i32
        %dma_wait3A_731 = arith.constant 0 : i32
        %dma_wait3A_732 = tpu.memref_slice %arg4[%dma_wait3A_725, %dma_wait3A_730, %dma_wait3A_731] : memref<4x8192x1024xf32, #tpu.memory_space<hbm>> -> memref<1x8x1024xf32, #tpu.memory_space<hbm>>
        %dma_wait3A_733 = tpu.memref_squeeze %dma_wait3A_732 : memref<1x8x1024xf32, #tpu.memory_space<hbm>> -> memref<8x1024xf32, #tpu.memory_space<hbm>>
        tpu.wait_dma2 semaphore(%arg30 : memref<!tpu.dma_semaphore, #tpu.memory_space<semaphore_mem>>) src(%arg12 : memref<8x1024xf32, #tpu.memory_space<vmem>>) dst(%dma_wait3A_733 : memref<8x1024xf32, #tpu.memory_space<hbm>>)
        %mul3A_734 = arith.constant 8 : i32
        %mul3A_735 = arith.muli %add3A_521, %mul3A_734 : i32
        %add3A_736 = arith.addi %mul3A_2, %mul3A_735 : i32
        %dma_start3A_737 = arith.constant 3 : i32
        %dma_start3A_738 = arith.constant 0 : i32
        %dma_start3A_739 = tpu.memref_slice %arg2[%dma_start3A_737, %add3A_736, %dma_start3A_738] : memref<4x8192x1024xf32, #tpu.memory_space<hbm>> -> memref<1x8x1024xf32, #tpu.memory_space<hbm>>
        %dma_start3A_740 = tpu.memref_squeeze %dma_start3A_739 : memref<1x8x1024xf32, #tpu.memory_space<hbm>> -> memref<8x1024xf32, #tpu.memory_space<hbm>>
        %dma_start3A_741 = arith.constant 0 : i32
        %dma_start3A_742 = tpu.memref_slice %arg2[%dma_start3A_737, %add3A_736, %dma_start3A_741] : memref<4x8192x1024xf32, #tpu.memory_space<hbm>> -> memref<1x8x1024xf32, #tpu.memory_space<hbm>>
        %dma_start3A_743 = tpu.memref_squeeze %dma_start3A_742 : memref<1x8x1024xf32, #tpu.memory_space<hbm>> -> memref<8x1024xf32, #tpu.memory_space<hbm>>
        tpu.enqueue_dma source(%dma_start3A_743 : memref<8x1024xf32, #tpu.memory_space<hbm>>) target(%arg12 : memref<8x1024xf32, #tpu.memory_space<vmem>>) target_semaphore(%arg22 : memref<!tpu.dma_semaphore, #tpu.memory_space<semaphore_mem>>)
      } else {
      }
      %dma_wait3A_527 = arith.constant 0 : i32
      %dma_wait3A_528 = arith.constant 0 : i32
      %dma_wait3A_529 = arith.constant 0 : i32
      %dma_wait3A_530 = tpu.memref_slice %arg2[%dma_wait3A_527, %dma_wait3A_528, %dma_wait3A_529] : memref<4x8192x1024xf32, #tpu.memory_space<hbm>> -> memref<1x8x1024xf32, #tpu.memory_space<hbm>>
      %dma_wait3A_531 = tpu.memref_squeeze %dma_wait3A_530 : memref<1x8x1024xf32, #tpu.memory_space<hbm>> -> memref<8x1024xf32, #tpu.memory_space<hbm>>
      %dma_wait3A_532 = arith.constant 0 : i32
      %dma_wait3A_533 = arith.constant 0 : i32
      %dma_wait3A_534 = tpu.memref_slice %arg2[%dma_wait3A_527, %dma_wait3A_532, %dma_wait3A_533] : memref<4x8192x1024xf32, #tpu.memory_space<hbm>> -> memref<1x8x1024xf32, #tpu.memory_space<hbm>>
      %dma_wait3A_535 = tpu.memref_squeeze %dma_wait3A_534 : memref<1x8x1024xf32, #tpu.memory_space<hbm>> -> memref<8x1024xf32, #tpu.memory_space<hbm>>
      tpu.wait_dma2 semaphore(%arg17 : memref<!tpu.dma_semaphore, #tpu.memory_space<semaphore_mem>>) src(%dma_wait3A_535 : memref<8x1024xf32, #tpu.memory_space<hbm>>) dst(%arg7 : memref<8x1024xf32, #tpu.memory_space<vmem>>)
      %parallel_loop3A_536 = arith.constant 0 : i32
      %parallel_loop3A_537 = arith.constant 512 : i32
      %parallel_loop3A_538 = arith.constant 1 : i32
      scf.for %parallel_loop3A_725 = %parallel_loop3A_536 to %parallel_loop3A_537 step %parallel_loop3A_538  : i32 {
        %parallel_loop3A_726 = arith.constant 6 : i32
        %parallel_loop3A_727 = arith.shrsi %parallel_loop3A_725, %parallel_loop3A_726 : i32
        %parallel_loop3A_728 = arith.constant 63 : i32
        %parallel_loop3A_729 = arith.andi %parallel_loop3A_725, %parallel_loop3A_728 : i32
        %parallel_loop3A_730 = arith.constant 16 : i32
        %parallel_loop3A_731 = arith.muli %parallel_loop3A_729, %parallel_loop3A_730 : i32
        %parallel_loop3A_732 = arith.index_cast %parallel_loop3A_727 : i32 to index
        %parallel_loop3A_733 = arith.index_cast %parallel_loop3A_731 : i32 to index
        %parallel_loop3A_734 = tpu.vector_load %arg13[%parallel_loop3A_732, %parallel_loop3A_733] {strides = array<i32>} : memref<8x1024xf32, #tpu.memory_space<vmem>>, vector<1x16xf32>,
        %parallel_loop3A_735 = vector.shape_cast %parallel_loop3A_734 : vector<1x16xf32> to vector<16xf32>
        %parallel_loop3A_736 = arith.index_cast %parallel_loop3A_727 : i32 to index
        %parallel_loop3A_737 = arith.index_cast %parallel_loop3A_731 : i32 to index
        %parallel_loop3A_738 = tpu.vector_load %arg7[%parallel_loop3A_736, %parallel_loop3A_737] {strides = array<i32>} : memref<8x1024xf32, #tpu.memory_space<vmem>>, vector<1x16xf32>,
        %parallel_loop3A_739 = vector.shape_cast %parallel_loop3A_738 : vector<1x16xf32> to vector<16xf32>
        %parallel_loop3A_740 = vector.shape_cast %parallel_loop3A_735 : vector<16xf32> to vector<1x16xf32>
        tpu.vector_store %arg7[%parallel_loop3A_736, %parallel_loop3A_737], %parallel_loop3A_740 {add = true, strides = array<i32>} : memref<8x1024xf32, #tpu.memory_space<vmem>>, vector<1x16xf32>,
      } {sc.loop_unroll_factor = 4 : i64, sc.parallel_access}
      %mul3A_539 = arith.constant 8 : i32
      %mul3A_540 = arith.muli %add3A_465, %mul3A_539 : i32
      %add3A_541 = arith.addi %mul3A_2, %mul3A_540 : i32
      %dma_start3A_542 = arith.constant 2 : i32
      %dma_start3A_543 = arith.constant 0 : i32
      %dma_start3A_544 = tpu.memref_slice %arg4[%dma_start3A_542, %add3A_541, %dma_start3A_543] : memref<4x8192x1024xf32, #tpu.memory_space<hbm>> -> memref<1x8x1024xf32, #tpu.memory_space<hbm>>
      %dma_start3A_545 = tpu.memref_squeeze %dma_start3A_544 : memref<1x8x1024xf32, #tpu.memory_space<hbm>> -> memref<8x1024xf32, #tpu.memory_space<hbm>>
      %dma_start3A_546 = arith.constant 0 : i32
      %dma_start3A_547 = tpu.memref_slice %arg4[%dma_start3A_542, %add3A_541, %dma_start3A_546] : memref<4x8192x1024xf32, #tpu.memory_space<hbm>> -> memref<1x8x1024xf32, #tpu.memory_space<hbm>>
      %dma_start3A_548 = tpu.memref_squeeze %dma_start3A_547 : memref<1x8x1024xf32, #tpu.memory_space<hbm>> -> memref<8x1024xf32, #tpu.memory_space<hbm>>
      tpu.enqueue_dma source(%arg7 : memref<8x1024xf32, #tpu.memory_space<vmem>>) target(%dma_start3A_548 : memref<8x1024xf32, #tpu.memory_space<hbm>>) target_semaphore(%arg25 : memref<!tpu.dma_semaphore, #tpu.memory_space<semaphore_mem>>)
      %add3A_549 = arith.constant 2 : i32
      %add3A_550 = arith.addi %add3A_465, %add3A_549 : i32
      %lt3A_551 = arith.constant 32 : i32
      %lt3A_552 = arith.cmpi slt, %add3A_550, %lt3A_551 : i32
      %convert_element_type3A_553 = arith.extui %lt3A_552 : i1 to i32
      %cond3A_554 = arith.constant 0 : i32
      %cond3A_555 = arith.cmpi ne, %convert_element_type3A_553, %cond3A_554 : i32
      scf.if %cond3A_555 {
        %dma_wait3A_725 = arith.constant 0 : i32
        %dma_wait3A_726 = arith.constant 0 : i32
        %dma_wait3A_727 = arith.constant 0 : i32
        %dma_wait3A_728 = tpu.memref_slice %arg4[%dma_wait3A_725, %dma_wait3A_726, %dma_wait3A_727] : memref<4x8192x1024xf32, #tpu.memory_space<hbm>> -> memref<1x8x1024xf32, #tpu.memory_space<hbm>>
        %dma_wait3A_729 = tpu.memref_squeeze %dma_wait3A_728 : memref<1x8x1024xf32, #tpu.memory_space<hbm>> -> memref<8x1024xf32, #tpu.memory_space<hbm>>
        %dma_wait3A_730 = arith.constant 0 : i32
        %dma_wait3A_731 = arith.constant 0 : i32
        %dma_wait3A_732 = tpu.memref_slice %arg4[%dma_wait3A_725, %dma_wait3A_730, %dma_wait3A_731] : memref<4x8192x1024xf32, #tpu.memory_space<hbm>> -> memref<1x8x1024xf32, #tpu.memory_space<hbm>>
        %dma_wait3A_733 = tpu.memref_squeeze %dma_wait3A_732 : memref<1x8x1024xf32, #tpu.memory_space<hbm>> -> memref<8x1024xf32, #tpu.memory_space<hbm>>
        tpu.wait_dma2 semaphore(%arg23 : memref<!tpu.dma_semaphore, #tpu.memory_space<semaphore_mem>>) src(%arg5 : memref<8x1024xf32, #tpu.memory_space<vmem>>) dst(%dma_wait3A_733 : memref<8x1024xf32, #tpu.memory_space<hbm>>)
        %mul3A_734 = arith.constant 8 : i32
        %mul3A_735 = arith.muli %add3A_550, %mul3A_734 : i32
        %add3A_736 = arith.addi %mul3A_2, %mul3A_735 : i32
        %dma_start3A_737 = arith.constant 0 : i32
        %dma_start3A_738 = arith.constant 0 : i32
        %dma_start3A_739 = tpu.memref_slice %arg2[%dma_start3A_737, %add3A_736, %dma_start3A_738] : memref<4x8192x1024xf32, #tpu.memory_space<hbm>> -> memref<1x8x1024xf32, #tpu.memory_space<hbm>>
        %dma_start3A_740 = tpu.memref_squeeze %dma_start3A_739 : memref<1x8x1024xf32, #tpu.memory_space<hbm>> -> memref<8x1024xf32, #tpu.memory_space<hbm>>
        %dma_start3A_741 = arith.constant 0 : i32
        %dma_start3A_742 = tpu.memref_slice %arg2[%dma_start3A_737, %add3A_736, %dma_start3A_741] : memref<4x8192x1024xf32, #tpu.memory_space<hbm>> -> memref<1x8x1024xf32, #tpu.memory_space<hbm>>
        %dma_start3A_743 = tpu.memref_squeeze %dma_start3A_742 : memref<1x8x1024xf32, #tpu.memory_space<hbm>> -> memref<8x1024xf32, #tpu.memory_space<hbm>>
        tpu.enqueue_dma source(%dma_start3A_743 : memref<8x1024xf32, #tpu.memory_space<hbm>>) target(%arg5 : memref<8x1024xf32, #tpu.memory_space<vmem>>) target_semaphore(%arg15 : memref<!tpu.dma_semaphore, #tpu.memory_space<semaphore_mem>>)
      } else {
      }
      %dma_wait3A_556 = arith.constant 0 : i32
      %dma_wait3A_557 = arith.constant 0 : i32
      %dma_wait3A_558 = arith.constant 0 : i32
      %dma_wait3A_559 = tpu.memref_slice %arg2[%dma_wait3A_556, %dma_wait3A_557, %dma_wait3A_558] : memref<4x8192x1024xf32, #tpu.memory_space<hbm>> -> memref<1x8x1024xf32, #tpu.memory_space<hbm>>
      %dma_wait3A_560 = tpu.memref_squeeze %dma_wait3A_559 : memref<1x8x1024xf32, #tpu.memory_space<hbm>> -> memref<8x1024xf32, #tpu.memory_space<hbm>>
      %dma_wait3A_561 = arith.constant 0 : i32
      %dma_wait3A_562 = arith.constant 0 : i32
      %dma_wait3A_563 = tpu.memref_slice %arg2[%dma_wait3A_556, %dma_wait3A_561, %dma_wait3A_562] : memref<4x8192x1024xf32, #tpu.memory_space<hbm>> -> memref<1x8x1024xf32, #tpu.memory_space<hbm>>
      %dma_wait3A_564 = tpu.memref_squeeze %dma_wait3A_563 : memref<1x8x1024xf32, #tpu.memory_space<hbm>> -> memref<8x1024xf32, #tpu.memory_space<hbm>>
      tpu.wait_dma2 semaphore(%arg18 : memref<!tpu.dma_semaphore, #tpu.memory_space<semaphore_mem>>) src(%dma_wait3A_564 : memref<8x1024xf32, #tpu.memory_space<hbm>>) dst(%arg8 : memref<8x1024xf32, #tpu.memory_space<vmem>>)
      %parallel_loop3A_565 = arith.constant 0 : i32
      %parallel_loop3A_566 = arith.constant 512 : i32
      %parallel_loop3A_567 = arith.constant 1 : i32
      scf.for %parallel_loop3A_725 = %parallel_loop3A_565 to %parallel_loop3A_566 step %parallel_loop3A_567  : i32 {
        %parallel_loop3A_726 = arith.constant 6 : i32
        %parallel_loop3A_727 = arith.shrsi %parallel_loop3A_725, %parallel_loop3A_726 : i32
        %parallel_loop3A_728 = arith.constant 63 : i32
        %parallel_loop3A_729 = arith.andi %parallel_loop3A_725, %parallel_loop3A_728 : i32
        %parallel_loop3A_730 = arith.constant 16 : i32
        %parallel_loop3A_731 = arith.muli %parallel_loop3A_729, %parallel_loop3A_730 : i32
        %parallel_loop3A_732 = arith.index_cast %parallel_loop3A_727 : i32 to index
        %parallel_loop3A_733 = arith.index_cast %parallel_loop3A_731 : i32 to index
        %parallel_loop3A_734 = tpu.vector_load %arg13[%parallel_loop3A_732, %parallel_loop3A_733] {strides = array<i32>} : memref<8x1024xf32, #tpu.memory_space<vmem>>, vector<1x16xf32>,
        %parallel_loop3A_735 = vector.shape_cast %parallel_loop3A_734 : vector<1x16xf32> to vector<16xf32>
        %parallel_loop3A_736 = arith.index_cast %parallel_loop3A_727 : i32 to index
        %parallel_loop3A_737 = arith.index_cast %parallel_loop3A_731 : i32 to index
        %parallel_loop3A_738 = tpu.vector_load %arg8[%parallel_loop3A_736, %parallel_loop3A_737] {strides = array<i32>} : memref<8x1024xf32, #tpu.memory_space<vmem>>, vector<1x16xf32>,
        %parallel_loop3A_739 = vector.shape_cast %parallel_loop3A_738 : vector<1x16xf32> to vector<16xf32>
        %parallel_loop3A_740 = vector.shape_cast %parallel_loop3A_735 : vector<16xf32> to vector<1x16xf32>
        tpu.vector_store %arg8[%parallel_loop3A_736, %parallel_loop3A_737], %parallel_loop3A_740 {add = true, strides = array<i32>} : memref<8x1024xf32, #tpu.memory_space<vmem>>, vector<1x16xf32>,
      } {sc.loop_unroll_factor = 4 : i64, sc.parallel_access}
      %mul3A_568 = arith.constant 8 : i32
      %mul3A_569 = arith.muli %add3A_465, %mul3A_568 : i32
      %add3A_570 = arith.addi %mul3A_2, %mul3A_569 : i32
      %dma_start3A_571 = arith.constant 3 : i32
      %dma_start3A_572 = arith.constant 0 : i32
      %dma_start3A_573 = tpu.memref_slice %arg4[%dma_start3A_571, %add3A_570, %dma_start3A_572] : memref<4x8192x1024xf32, #tpu.memory_space<hbm>> -> memref<1x8x1024xf32, #tpu.memory_space<hbm>>
      %dma_start3A_574 = tpu.memref_squeeze %dma_start3A_573 : memref<1x8x1024xf32, #tpu.memory_space<hbm>> -> memref<8x1024xf32, #tpu.memory_space<hbm>>
      %dma_start3A_575 = arith.constant 0 : i32
      %dma_start3A_576 = tpu.memref_slice %arg4[%dma_start3A_571, %add3A_570, %dma_start3A_575] : memref<4x8192x1024xf32, #tpu.memory_space<hbm>> -> memref<1x8x1024xf32, #tpu.memory_space<hbm>>
      %dma_start3A_577 = tpu.memref_squeeze %dma_start3A_576 : memref<1x8x1024xf32, #tpu.memory_space<hbm>> -> memref<8x1024xf32, #tpu.memory_space<hbm>>
      tpu.enqueue_dma source(%arg8 : memref<8x1024xf32, #tpu.memory_space<vmem>>) target(%dma_start3A_577 : memref<8x1024xf32, #tpu.memory_space<hbm>>) target_semaphore(%arg26 : memref<!tpu.dma_semaphore, #tpu.memory_space<semaphore_mem>>)
      %add3A_578 = arith.constant 2 : i32
      %add3A_579 = arith.addi %add3A_465, %add3A_578 : i32
      %lt3A_580 = arith.constant 32 : i32
      %lt3A_581 = arith.cmpi slt, %add3A_579, %lt3A_580 : i32
      %convert_element_type3A_582 = arith.extui %lt3A_581 : i1 to i32
      %cond3A_583 = arith.constant 0 : i32
      %cond3A_584 = arith.cmpi ne, %convert_element_type3A_582, %cond3A_583 : i32
      scf.if %cond3A_584 {
        %dma_wait3A_725 = arith.constant 0 : i32
        %dma_wait3A_726 = arith.constant 0 : i32
        %dma_wait3A_727 = arith.constant 0 : i32
        %dma_wait3A_728 = tpu.memref_slice %arg4[%dma_wait3A_725, %dma_wait3A_726, %dma_wait3A_727] : memref<4x8192x1024xf32, #tpu.memory_space<hbm>> -> memref<1x8x1024xf32, #tpu.memory_space<hbm>>
        %dma_wait3A_729 = tpu.memref_squeeze %dma_wait3A_728 : memref<1x8x1024xf32, #tpu.memory_space<hbm>> -> memref<8x1024xf32, #tpu.memory_space<hbm>>
        %dma_wait3A_730 = arith.constant 0 : i32
        %dma_wait3A_731 = arith.constant 0 : i32
        %dma_wait3A_732 = tpu.memref_slice %arg4[%dma_wait3A_725, %dma_wait3A_730, %dma_wait3A_731] : memref<4x8192x1024xf32, #tpu.memory_space<hbm>> -> memref<1x8x1024xf32, #tpu.memory_space<hbm>>
        %dma_wait3A_733 = tpu.memref_squeeze %dma_wait3A_732 : memref<1x8x1024xf32, #tpu.memory_space<hbm>> -> memref<8x1024xf32, #tpu.memory_space<hbm>>
        tpu.wait_dma2 semaphore(%arg24 : memref<!tpu.dma_semaphore, #tpu.memory_space<semaphore_mem>>) src(%arg6 : memref<8x1024xf32, #tpu.memory_space<vmem>>) dst(%dma_wait3A_733 : memref<8x1024xf32, #tpu.memory_space<hbm>>)
        %mul3A_734 = arith.constant 8 : i32
        %mul3A_735 = arith.muli %add3A_579, %mul3A_734 : i32
        %add3A_736 = arith.addi %mul3A_2, %mul3A_735 : i32
        %dma_start3A_737 = arith.constant 1 : i32
        %dma_start3A_738 = arith.constant 0 : i32
        %dma_start3A_739 = tpu.memref_slice %arg2[%dma_start3A_737, %add3A_736, %dma_start3A_738] : memref<4x8192x1024xf32, #tpu.memory_space<hbm>> -> memref<1x8x1024xf32, #tpu.memory_space<hbm>>
        %dma_start3A_740 = tpu.memref_squeeze %dma_start3A_739 : memref<1x8x1024xf32, #tpu.memory_space<hbm>> -> memref<8x1024xf32, #tpu.memory_space<hbm>>
        %dma_start3A_741 = arith.constant 0 : i32
        %dma_start3A_742 = tpu.memref_slice %arg2[%dma_start3A_737, %add3A_736, %dma_start3A_741] : memref<4x8192x1024xf32, #tpu.memory_space<hbm>> -> memref<1x8x1024xf32, #tpu.memory_space<hbm>>
        %dma_start3A_743 = tpu.memref_squeeze %dma_start3A_742 : memref<1x8x1024xf32, #tpu.memory_space<hbm>> -> memref<8x1024xf32, #tpu.memory_space<hbm>>
        tpu.enqueue_dma source(%dma_start3A_743 : memref<8x1024xf32, #tpu.memory_space<hbm>>) target(%arg6 : memref<8x1024xf32, #tpu.memory_space<vmem>>) target_semaphore(%arg16 : memref<!tpu.dma_semaphore, #tpu.memory_space<semaphore_mem>>)
      } else {
      }
      %add3A_585 = arith.constant 2 : i32
      %add3A_586 = arith.addi %add3A_465, %add3A_585 : i32
      %lt3A_587 = arith.constant 32 : i32
      %lt3A_588 = arith.cmpi slt, %add3A_586, %lt3A_587 : i32
      %convert_element_type3A_589 = arith.extui %lt3A_588 : i1 to i32
      %cond3A_590 = arith.constant 0 : i32
      %cond3A_591 = arith.cmpi ne, %convert_element_type3A_589, %cond3A_590 : i32
      scf.if %cond3A_591 {
        %add3A_725 = arith.constant 2 : i32
        %add3A_726 = arith.addi %add3A_465, %add3A_725 : i32
        %mul3A_727 = arith.constant 8 : i32
        %mul3A_728 = arith.muli %add3A_726, %mul3A_727 : i32
        %add3A_729 = arith.addi %mul3A_2, %mul3A_728 : i32
        %dma_start3A_730 = arith.constant 0 : i32
        %dma_start3A_731 = tpu.memref_slice %arg3[%add3A_729, %dma_start3A_730] : memref<8192x1024xf32, #tpu.memory_space<hbm>> -> memref<8x1024xf32, #tpu.memory_space<hbm>>
        %dma_start3A_732 = arith.constant 0 : i32
        %dma_start3A_733 = tpu.memref_slice %arg3[%add3A_729, %dma_start3A_732] : memref<8192x1024xf32, #tpu.memory_space<hbm>> -> memref<8x1024xf32, #tpu.memory_space<hbm>>
        tpu.enqueue_dma source(%dma_start3A_733 : memref<8x1024xf32, #tpu.memory_space<hbm>>) target(%arg13 : memref<8x1024xf32, #tpu.memory_space<vmem>>) target_semaphore(%arg31 : memref<!tpu.dma_semaphore, #tpu.memory_space<semaphore_mem>>)
      } else {
      }
      %mul3A_592 = arith.constant 2 : i32
      %mul3A_593 = arith.muli %mul3A_592, %scan3A_461 : i32
      %add3A_594 = arith.constant 1 : i32
      %add3A_595 = arith.addi %mul3A_593, %add3A_594 : i32
      %dma_wait3A_596 = arith.constant 0 : i32
      %dma_wait3A_597 = arith.constant 0 : i32
      %dma_wait3A_598 = tpu.memref_slice %arg3[%dma_wait3A_596, %dma_wait3A_597] : memref<8192x1024xf32, #tpu.memory_space<hbm>> -> memref<8x1024xf32, #tpu.memory_space<hbm>>
      %dma_wait3A_599 = arith.constant 0 : i32
      %dma_wait3A_600 = arith.constant 0 : i32
      %dma_wait3A_601 = tpu.memref_slice %arg3[%dma_wait3A_599, %dma_wait3A_600] : memref<8192x1024xf32, #tpu.memory_space<hbm>> -> memref<8x1024xf32, #tpu.memory_space<hbm>>
      tpu.wait_dma2 semaphore(%arg32 : memref<!tpu.dma_semaphore, #tpu.memory_space<semaphore_mem>>) src(%dma_wait3A_601 : memref<8x1024xf32, #tpu.memory_space<hbm>>) dst(%arg14 : memref<8x1024xf32, #tpu.memory_space<vmem>>)
      %dma_wait3A_602 = arith.constant 0 : i32
      %dma_wait3A_603 = arith.constant 0 : i32
      %dma_wait3A_604 = arith.constant 0 : i32
      %dma_wait3A_605 = tpu.memref_slice %arg2[%dma_wait3A_602, %dma_wait3A_603, %dma_wait3A_604] : memref<4x8192x1024xf32, #tpu.memory_space<hbm>> -> memref<1x8x1024xf32, #tpu.memory_space<hbm>>
      %dma_wait3A_606 = tpu.memref_squeeze %dma_wait3A_605 : memref<1x8x1024xf32, #tpu.memory_space<hbm>> -> memref<8x1024xf32, #tpu.memory_space<hbm>>
      %dma_wait3A_607 = arith.constant 0 : i32
      %dma_wait3A_608 = arith.constant 0 : i32
      %dma_wait3A_609 = tpu.memref_slice %arg2[%dma_wait3A_602, %dma_wait3A_607, %dma_wait3A_608] : memref<4x8192x1024xf32, #tpu.memory_space<hbm>> -> memref<1x8x1024xf32, #tpu.memory_space<hbm>>
      %dma_wait3A_610 = tpu.memref_squeeze %dma_wait3A_609 : memref<1x8x1024xf32, #tpu.memory_space<hbm>> -> memref<8x1024xf32, #tpu.memory_space<hbm>>
      tpu.wait_dma2 semaphore(%arg19 : memref<!tpu.dma_semaphore, #tpu.memory_space<semaphore_mem>>) src(%dma_wait3A_610 : memref<8x1024xf32, #tpu.memory_space<hbm>>) dst(%arg9 : memref<8x1024xf32, #tpu.memory_space<vmem>>)
      %parallel_loop3A_611 = arith.constant 0 : i32
      %parallel_loop3A_612 = arith.constant 512 : i32
      %parallel_loop3A_613 = arith.constant 1 : i32
      scf.for %parallel_loop3A_725 = %parallel_loop3A_611 to %parallel_loop3A_612 step %parallel_loop3A_613  : i32 {
        %parallel_loop3A_726 = arith.constant 6 : i32
        %parallel_loop3A_727 = arith.shrsi %parallel_loop3A_725, %parallel_loop3A_726 : i32
        %parallel_loop3A_728 = arith.constant 63 : i32
        %parallel_loop3A_729 = arith.andi %parallel_loop3A_725, %parallel_loop3A_728 : i32
        %parallel_loop3A_730 = arith.constant 16 : i32
        %parallel_loop3A_731 = arith.muli %parallel_loop3A_729, %parallel_loop3A_730 : i32
        %parallel_loop3A_732 = arith.index_cast %parallel_loop3A_727 : i32 to index
        %parallel_loop3A_733 = arith.index_cast %parallel_loop3A_731 : i32 to index
        %parallel_loop3A_734 = tpu.vector_load %arg14[%parallel_loop3A_732, %parallel_loop3A_733] {strides = array<i32>} : memref<8x1024xf32, #tpu.memory_space<vmem>>, vector<1x16xf32>,
        %parallel_loop3A_735 = vector.shape_cast %parallel_loop3A_734 : vector<1x16xf32> to vector<16xf32>
        %parallel_loop3A_736 = arith.index_cast %parallel_loop3A_727 : i32 to index
        %parallel_loop3A_737 = arith.index_cast %parallel_loop3A_731 : i32 to index
        %parallel_loop3A_738 = tpu.vector_load %arg9[%parallel_loop3A_736, %parallel_loop3A_737] {strides = array<i32>} : memref<8x1024xf32, #tpu.memory_space<vmem>>, vector<1x16xf32>,
        %parallel_loop3A_739 = vector.shape_cast %parallel_loop3A_738 : vector<1x16xf32> to vector<16xf32>
        %parallel_loop3A_740 = vector.shape_cast %parallel_loop3A_735 : vector<16xf32> to vector<1x16xf32>
        tpu.vector_store %arg9[%parallel_loop3A_736, %parallel_loop3A_737], %parallel_loop3A_740 {add = true, strides = array<i32>} : memref<8x1024xf32, #tpu.memory_space<vmem>>, vector<1x16xf32>,
      } {sc.loop_unroll_factor = 4 : i64, sc.parallel_access}
      %mul3A_614 = arith.constant 8 : i32
      %mul3A_615 = arith.muli %add3A_595, %mul3A_614 : i32
      %add3A_616 = arith.addi %mul3A_2, %mul3A_615 : i32
      %dma_start3A_617 = arith.constant 0 : i32
      %dma_start3A_618 = arith.constant 0 : i32
      %dma_start3A_619 = tpu.memref_slice %arg4[%dma_start3A_617, %add3A_616, %dma_start3A_618] : memref<4x8192x1024xf32, #tpu.memory_space<hbm>> -> memref<1x8x1024xf32, #tpu.memory_space<hbm>>
      %dma_start3A_620 = tpu.memref_squeeze %dma_start3A_619 : memref<1x8x1024xf32, #tpu.memory_space<hbm>> -> memref<8x1024xf32, #tpu.memory_space<hbm>>
      %dma_start3A_621 = arith.constant 0 : i32
      %dma_start3A_622 = tpu.memref_slice %arg4[%dma_start3A_617, %add3A_616, %dma_start3A_621] : memref<4x8192x1024xf32, #tpu.memory_space<hbm>> -> memref<1x8x1024xf32, #tpu.memory_space<hbm>>
      %dma_start3A_623 = tpu.memref_squeeze %dma_start3A_622 : memref<1x8x1024xf32, #tpu.memory_space<hbm>> -> memref<8x1024xf32, #tpu.memory_space<hbm>>
      tpu.enqueue_dma source(%arg9 : memref<8x1024xf32, #tpu.memory_space<vmem>>) target(%dma_start3A_623 : memref<8x1024xf32, #tpu.memory_space<hbm>>) target_semaphore(%arg27 : memref<!tpu.dma_semaphore, #tpu.memory_space<semaphore_mem>>)
      %add3A_624 = arith.constant 1 : i32
      %add3A_625 = arith.addi %add3A_595, %add3A_624 : i32
      %lt3A_626 = arith.constant 32 : i32
      %lt3A_627 = arith.cmpi slt, %add3A_625, %lt3A_626 : i32
      %convert_element_type3A_628 = arith.extui %lt3A_627 : i1 to i32
      %cond3A_629 = arith.constant 0 : i32
      %cond3A_630 = arith.cmpi ne, %convert_element_type3A_628, %cond3A_629 : i32
      scf.if %cond3A_630 {
        %dma_wait3A_725 = arith.constant 0 : i32
        %dma_wait3A_726 = arith.constant 0 : i32
        %dma_wait3A_727 = arith.constant 0 : i32
        %dma_wait3A_728 = tpu.memref_slice %arg4[%dma_wait3A_725, %dma_wait3A_726, %dma_wait3A_727] : memref<4x8192x1024xf32, #tpu.memory_space<hbm>> -> memref<1x8x1024xf32, #tpu.memory_space<hbm>>
        %dma_wait3A_729 = tpu.memref_squeeze %dma_wait3A_728 : memref<1x8x1024xf32, #tpu.memory_space<hbm>> -> memref<8x1024xf32, #tpu.memory_space<hbm>>
        %dma_wait3A_730 = arith.constant 0 : i32
        %dma_wait3A_731 = arith.constant 0 : i32
        %dma_wait3A_732 = tpu.memref_slice %arg4[%dma_wait3A_725, %dma_wait3A_730, %dma_wait3A_731] : memref<4x8192x1024xf32, #tpu.memory_space<hbm>> -> memref<1x8x1024xf32, #tpu.memory_space<hbm>>
        %dma_wait3A_733 = tpu.memref_squeeze %dma_wait3A_732 : memref<1x8x1024xf32, #tpu.memory_space<hbm>> -> memref<8x1024xf32, #tpu.memory_space<hbm>>
        tpu.wait_dma2 semaphore(%arg25 : memref<!tpu.dma_semaphore, #tpu.memory_space<semaphore_mem>>) src(%arg7 : memref<8x1024xf32, #tpu.memory_space<vmem>>) dst(%dma_wait3A_733 : memref<8x1024xf32, #tpu.memory_space<hbm>>)
        %mul3A_734 = arith.constant 8 : i32
        %mul3A_735 = arith.muli %add3A_625, %mul3A_734 : i32
        %add3A_736 = arith.addi %mul3A_2, %mul3A_735 : i32
        %dma_start3A_737 = arith.constant 2 : i32
        %dma_start3A_738 = arith.constant 0 : i32
        %dma_start3A_739 = tpu.memref_slice %arg2[%dma_start3A_737, %add3A_736, %dma_start3A_738] : memref<4x8192x1024xf32, #tpu.memory_space<hbm>> -> memref<1x8x1024xf32, #tpu.memory_space<hbm>>
        %dma_start3A_740 = tpu.memref_squeeze %dma_start3A_739 : memref<1x8x1024xf32, #tpu.memory_space<hbm>> -> memref<8x1024xf32, #tpu.memory_space<hbm>>
        %dma_start3A_741 = arith.constant 0 : i32
        %dma_start3A_742 = tpu.memref_slice %arg2[%dma_start3A_737, %add3A_736, %dma_start3A_741] : memref<4x8192x1024xf32, #tpu.memory_space<hbm>> -> memref<1x8x1024xf32, #tpu.memory_space<hbm>>
        %dma_start3A_743 = tpu.memref_squeeze %dma_start3A_742 : memref<1x8x1024xf32, #tpu.memory_space<hbm>> -> memref<8x1024xf32, #tpu.memory_space<hbm>>
        tpu.enqueue_dma source(%dma_start3A_743 : memref<8x1024xf32, #tpu.memory_space<hbm>>) target(%arg7 : memref<8x1024xf32, #tpu.memory_space<vmem>>) target_semaphore(%arg17 : memref<!tpu.dma_semaphore, #tpu.memory_space<semaphore_mem>>)
      } else {
      }
      %dma_wait3A_631 = arith.constant 0 : i32
      %dma_wait3A_632 = arith.constant 0 : i32
      %dma_wait3A_633 = arith.constant 0 : i32
      %dma_wait3A_634 = tpu.memref_slice %arg2[%dma_wait3A_631, %dma_wait3A_632, %dma_wait3A_633] : memref<4x8192x1024xf32, #tpu.memory_space<hbm>> -> memref<1x8x1024xf32, #tpu.memory_space<hbm>>
      %dma_wait3A_635 = tpu.memref_squeeze %dma_wait3A_634 : memref<1x8x1024xf32, #tpu.memory_space<hbm>> -> memref<8x1024xf32, #tpu.memory_space<hbm>>
      %dma_wait3A_636 = arith.constant 0 : i32
      %dma_wait3A_637 = arith.constant 0 : i32
      %dma_wait3A_638 = tpu.memref_slice %arg2[%dma_wait3A_631, %dma_wait3A_636, %dma_wait3A_637] : memref<4x8192x1024xf32, #tpu.memory_space<hbm>> -> memref<1x8x1024xf32, #tpu.memory_space<hbm>>
      %dma_wait3A_639 = tpu.memref_squeeze %dma_wait3A_638 : memref<1x8x1024xf32, #tpu.memory_space<hbm>> -> memref<8x1024xf32, #tpu.memory_space<hbm>>
      tpu.wait_dma2 semaphore(%arg20 : memref<!tpu.dma_semaphore, #tpu.memory_space<semaphore_mem>>) src(%dma_wait3A_639 : memref<8x1024xf32, #tpu.memory_space<hbm>>) dst(%arg10 : memref<8x1024xf32, #tpu.memory_space<vmem>>)
      %parallel_loop3A_640 = arith.constant 0 : i32
      %parallel_loop3A_641 = arith.constant 512 : i32
      %parallel_loop3A_642 = arith.constant 1 : i32
      scf.for %parallel_loop3A_725 = %parallel_loop3A_640 to %parallel_loop3A_641 step %parallel_loop3A_642  : i32 {
        %parallel_loop3A_726 = arith.constant 6 : i32
        %parallel_loop3A_727 = arith.shrsi %parallel_loop3A_725, %parallel_loop3A_726 : i32
        %parallel_loop3A_728 = arith.constant 63 : i32
        %parallel_loop3A_729 = arith.andi %parallel_loop3A_725, %parallel_loop3A_728 : i32
        %parallel_loop3A_730 = arith.constant 16 : i32
        %parallel_loop3A_731 = arith.muli %parallel_loop3A_729, %parallel_loop3A_730 : i32
        %parallel_loop3A_732 = arith.index_cast %parallel_loop3A_727 : i32 to index
        %parallel_loop3A_733 = arith.index_cast %parallel_loop3A_731 : i32 to index
        %parallel_loop3A_734 = tpu.vector_load %arg14[%parallel_loop3A_732, %parallel_loop3A_733] {strides = array<i32>} : memref<8x1024xf32, #tpu.memory_space<vmem>>, vector<1x16xf32>,
        %parallel_loop3A_735 = vector.shape_cast %parallel_loop3A_734 : vector<1x16xf32> to vector<16xf32>
        %parallel_loop3A_736 = arith.index_cast %parallel_loop3A_727 : i32 to index
        %parallel_loop3A_737 = arith.index_cast %parallel_loop3A_731 : i32 to index
        %parallel_loop3A_738 = tpu.vector_load %arg10[%parallel_loop3A_736, %parallel_loop3A_737] {strides = array<i32>} : memref<8x1024xf32, #tpu.memory_space<vmem>>, vector<1x16xf32>,
        %parallel_loop3A_739 = vector.shape_cast %parallel_loop3A_738 : vector<1x16xf32> to vector<16xf32>
        %parallel_loop3A_740 = vector.shape_cast %parallel_loop3A_735 : vector<16xf32> to vector<1x16xf32>
        tpu.vector_store %arg10[%parallel_loop3A_736, %parallel_loop3A_737], %parallel_loop3A_740 {add = true, strides = array<i32>} : memref<8x1024xf32, #tpu.memory_space<vmem>>, vector<1x16xf32>,
      } {sc.loop_unroll_factor = 4 : i64, sc.parallel_access}
      %mul3A_643 = arith.constant 8 : i32
      %mul3A_644 = arith.muli %add3A_595, %mul3A_643 : i32
      %add3A_645 = arith.addi %mul3A_2, %mul3A_644 : i32
      %dma_start3A_646 = arith.constant 1 : i32
      %dma_start3A_647 = arith.constant 0 : i32
      %dma_start3A_648 = tpu.memref_slice %arg4[%dma_start3A_646, %add3A_645, %dma_start3A_647] : memref<4x8192x1024xf32, #tpu.memory_space<hbm>> -> memref<1x8x1024xf32, #tpu.memory_space<hbm>>
      %dma_start3A_649 = tpu.memref_squeeze %dma_start3A_648 : memref<1x8x1024xf32, #tpu.memory_space<hbm>> -> memref<8x1024xf32, #tpu.memory_space<hbm>>
      %dma_start3A_650 = arith.constant 0 : i32
      %dma_start3A_651 = tpu.memref_slice %arg4[%dma_start3A_646, %add3A_645, %dma_start3A_650] : memref<4x8192x1024xf32, #tpu.memory_space<hbm>> -> memref<1x8x1024xf32, #tpu.memory_space<hbm>>
      %dma_start3A_652 = tpu.memref_squeeze %dma_start3A_651 : memref<1x8x1024xf32, #tpu.memory_space<hbm>> -> memref<8x1024xf32, #tpu.memory_space<hbm>>
      tpu.enqueue_dma source(%arg10 : memref<8x1024xf32, #tpu.memory_space<vmem>>) target(%dma_start3A_652 : memref<8x1024xf32, #tpu.memory_space<hbm>>) target_semaphore(%arg28 : memref<!tpu.dma_semaphore, #tpu.memory_space<semaphore_mem>>)
      %add3A_653 = arith.constant 1 : i32
      %add3A_654 = arith.addi %add3A_595, %add3A_653 : i32
      %lt3A_655 = arith.constant 32 : i32
      %lt3A_656 = arith.cmpi slt, %add3A_654, %lt3A_655 : i32
      %convert_element_type3A_657 = arith.extui %lt3A_656 : i1 to i32
      %cond3A_658 = arith.constant 0 : i32
      %cond3A_659 = arith.cmpi ne, %convert_element_type3A_657, %cond3A_658 : i32
      scf.if %cond3A_659 {
        %dma_wait3A_725 = arith.constant 0 : i32
        %dma_wait3A_726 = arith.constant 0 : i32
        %dma_wait3A_727 = arith.constant 0 : i32
        %dma_wait3A_728 = tpu.memref_slice %arg4[%dma_wait3A_725, %dma_wait3A_726, %dma_wait3A_727] : memref<4x8192x1024xf32, #tpu.memory_space<hbm>> -> memref<1x8x1024xf32, #tpu.memory_space<hbm>>
        %dma_wait3A_729 = tpu.memref_squeeze %dma_wait3A_728 : memref<1x8x1024xf32, #tpu.memory_space<hbm>> -> memref<8x1024xf32, #tpu.memory_space<hbm>>
        %dma_wait3A_730 = arith.constant 0 : i32
        %dma_wait3A_731 = arith.constant 0 : i32
        %dma_wait3A_732 = tpu.memref_slice %arg4[%dma_wait3A_725, %dma_wait3A_730, %dma_wait3A_731] : memref<4x8192x1024xf32, #tpu.memory_space<hbm>> -> memref<1x8x1024xf32, #tpu.memory_space<hbm>>
        %dma_wait3A_733 = tpu.memref_squeeze %dma_wait3A_732 : memref<1x8x1024xf32, #tpu.memory_space<hbm>> -> memref<8x1024xf32, #tpu.memory_space<hbm>>
        tpu.wait_dma2 semaphore(%arg26 : memref<!tpu.dma_semaphore, #tpu.memory_space<semaphore_mem>>) src(%arg8 : memref<8x1024xf32, #tpu.memory_space<vmem>>) dst(%dma_wait3A_733 : memref<8x1024xf32, #tpu.memory_space<hbm>>)
        %mul3A_734 = arith.constant 8 : i32
        %mul3A_735 = arith.muli %add3A_654, %mul3A_734 : i32
        %add3A_736 = arith.addi %mul3A_2, %mul3A_735 : i32
        %dma_start3A_737 = arith.constant 3 : i32
        %dma_start3A_738 = arith.constant 0 : i32
        %dma_start3A_739 = tpu.memref_slice %arg2[%dma_start3A_737, %add3A_736, %dma_start3A_738] : memref<4x8192x1024xf32, #tpu.memory_space<hbm>> -> memref<1x8x1024xf32, #tpu.memory_space<hbm>>
        %dma_start3A_740 = tpu.memref_squeeze %dma_start3A_739 : memref<1x8x1024xf32, #tpu.memory_space<hbm>> -> memref<8x1024xf32, #tpu.memory_space<hbm>>
        %dma_start3A_741 = arith.constant 0 : i32
        %dma_start3A_742 = tpu.memref_slice %arg2[%dma_start3A_737, %add3A_736, %dma_start3A_741] : memref<4x8192x1024xf32, #tpu.memory_space<hbm>> -> memref<1x8x1024xf32, #tpu.memory_space<hbm>>
        %dma_start3A_743 = tpu.memref_squeeze %dma_start3A_742 : memref<1x8x1024xf32, #tpu.memory_space<hbm>> -> memref<8x1024xf32, #tpu.memory_space<hbm>>
        tpu.enqueue_dma source(%dma_start3A_743 : memref<8x1024xf32, #tpu.memory_space<hbm>>) target(%arg8 : memref<8x1024xf32, #tpu.memory_space<vmem>>) target_semaphore(%arg18 : memref<!tpu.dma_semaphore, #tpu.memory_space<semaphore_mem>>)
      } else {
      }
      %dma_wait3A_660 = arith.constant 0 : i32
      %dma_wait3A_661 = arith.constant 0 : i32
      %dma_wait3A_662 = arith.constant 0 : i32
      %dma_wait3A_663 = tpu.memref_slice %arg2[%dma_wait3A_660, %dma_wait3A_661, %dma_wait3A_662] : memref<4x8192x1024xf32, #tpu.memory_space<hbm>> -> memref<1x8x1024xf32, #tpu.memory_space<hbm>>
      %dma_wait3A_664 = tpu.memref_squeeze %dma_wait3A_663 : memref<1x8x1024xf32, #tpu.memory_space<hbm>> -> memref<8x1024xf32, #tpu.memory_space<hbm>>
      %dma_wait3A_665 = arith.constant 0 : i32
      %dma_wait3A_666 = arith.constant 0 : i32
      %dma_wait3A_667 = tpu.memref_slice %arg2[%dma_wait3A_660, %dma_wait3A_665, %dma_wait3A_666] : memref<4x8192x1024xf32, #tpu.memory_space<hbm>> -> memref<1x8x1024xf32, #tpu.memory_space<hbm>>
      %dma_wait3A_668 = tpu.memref_squeeze %dma_wait3A_667 : memref<1x8x1024xf32, #tpu.memory_space<hbm>> -> memref<8x1024xf32, #tpu.memory_space<hbm>>
      tpu.wait_dma2 semaphore(%arg21 : memref<!tpu.dma_semaphore, #tpu.memory_space<semaphore_mem>>) src(%dma_wait3A_668 : memref<8x1024xf32, #tpu.memory_space<hbm>>) dst(%arg11 : memref<8x1024xf32, #tpu.memory_space<vmem>>)
      %parallel_loop3A_669 = arith.constant 0 : i32
      %parallel_loop3A_670 = arith.constant 512 : i32
      %parallel_loop3A_671 = arith.constant 1 : i32
      scf.for %parallel_loop3A_725 = %parallel_loop3A_669 to %parallel_loop3A_670 step %parallel_loop3A_671  : i32 {
        %parallel_loop3A_726 = arith.constant 6 : i32
        %parallel_loop3A_727 = arith.shrsi %parallel_loop3A_725, %parallel_loop3A_726 : i32
        %parallel_loop3A_728 = arith.constant 63 : i32
        %parallel_loop3A_729 = arith.andi %parallel_loop3A_725, %parallel_loop3A_728 : i32
        %parallel_loop3A_730 = arith.constant 16 : i32
        %parallel_loop3A_731 = arith.muli %parallel_loop3A_729, %parallel_loop3A_730 : i32
        %parallel_loop3A_732 = arith.index_cast %parallel_loop3A_727 : i32 to index
        %parallel_loop3A_733 = arith.index_cast %parallel_loop3A_731 : i32 to index
        %parallel_loop3A_734 = tpu.vector_load %arg14[%parallel_loop3A_732, %parallel_loop3A_733] {strides = array<i32>} : memref<8x1024xf32, #tpu.memory_space<vmem>>, vector<1x16xf32>,
        %parallel_loop3A_735 = vector.shape_cast %parallel_loop3A_734 : vector<1x16xf32> to vector<16xf32>
        %parallel_loop3A_736 = arith.index_cast %parallel_loop3A_727 : i32 to index
        %parallel_loop3A_737 = arith.index_cast %parallel_loop3A_731 : i32 to index
        %parallel_loop3A_738 = tpu.vector_load %arg11[%parallel_loop3A_736, %parallel_loop3A_737] {strides = array<i32>} : memref<8x1024xf32, #tpu.memory_space<vmem>>, vector<1x16xf32>,
        %parallel_loop3A_739 = vector.shape_cast %parallel_loop3A_738 : vector<1x16xf32> to vector<16xf32>
        %parallel_loop3A_740 = vector.shape_cast %parallel_loop3A_735 : vector<16xf32> to vector<1x16xf32>
        tpu.vector_store %arg11[%parallel_loop3A_736, %parallel_loop3A_737], %parallel_loop3A_740 {add = true, strides = array<i32>} : memref<8x1024xf32, #tpu.memory_space<vmem>>, vector<1x16xf32>,
      } {sc.loop_unroll_factor = 4 : i64, sc.parallel_access}
      %mul3A_672 = arith.constant 8 : i32
      %mul3A_673 = arith.muli %add3A_595, %mul3A_672 : i32
      %add3A_674 = arith.addi %mul3A_2, %mul3A_673 : i32
      %dma_start3A_675 = arith.constant 2 : i32
      %dma_start3A_676 = arith.constant 0 : i32
      %dma_start3A_677 = tpu.memref_slice %arg4[%dma_start3A_675, %add3A_674, %dma_start3A_676] : memref<4x8192x1024xf32, #tpu.memory_space<hbm>> -> memref<1x8x1024xf32, #tpu.memory_space<hbm>>
      %dma_start3A_678 = tpu.memref_squeeze %dma_start3A_677 : memref<1x8x1024xf32, #tpu.memory_space<hbm>> -> memref<8x1024xf32, #tpu.memory_space<hbm>>
      %dma_start3A_679 = arith.constant 0 : i32
      %dma_start3A_680 = tpu.memref_slice %arg4[%dma_start3A_675, %add3A_674, %dma_start3A_679] : memref<4x8192x1024xf32, #tpu.memory_space<hbm>> -> memref<1x8x1024xf32, #tpu.memory_space<hbm>>
      %dma_start3A_681 = tpu.memref_squeeze %dma_start3A_680 : memref<1x8x1024xf32, #tpu.memory_space<hbm>> -> memref<8x1024xf32, #tpu.memory_space<hbm>>
      tpu.enqueue_dma source(%arg11 : memref<8x1024xf32, #tpu.memory_space<vmem>>) target(%dma_start3A_681 : memref<8x1024xf32, #tpu.memory_space<hbm>>) target_semaphore(%arg29 : memref<!tpu.dma_semaphore, #tpu.memory_space<semaphore_mem>>)
      %add3A_682 = arith.constant 2 : i32
      %add3A_683 = arith.addi %add3A_595, %add3A_682 : i32
      %lt3A_684 = arith.constant 32 : i32
      %lt3A_685 = arith.cmpi slt, %add3A_683, %lt3A_684 : i32
      %convert_element_type3A_686 = arith.extui %lt3A_685 : i1 to i32
      %cond3A_687 = arith.constant 0 : i32
      %cond3A_688 = arith.cmpi ne, %convert_element_type3A_686, %cond3A_687 : i32
      scf.if %cond3A_688 {
        %dma_wait3A_725 = arith.constant 0 : i32
        %dma_wait3A_726 = arith.constant 0 : i32
        %dma_wait3A_727 = arith.constant 0 : i32
        %dma_wait3A_728 = tpu.memref_slice %arg4[%dma_wait3A_725, %dma_wait3A_726, %dma_wait3A_727] : memref<4x8192x1024xf32, #tpu.memory_space<hbm>> -> memref<1x8x1024xf32, #tpu.memory_space<hbm>>
        %dma_wait3A_729 = tpu.memref_squeeze %dma_wait3A_728 : memref<1x8x1024xf32, #tpu.memory_space<hbm>> -> memref<8x1024xf32, #tpu.memory_space<hbm>>
        %dma_wait3A_730 = arith.constant 0 : i32
        %dma_wait3A_731 = arith.constant 0 : i32
        %dma_wait3A_732 = tpu.memref_slice %arg4[%dma_wait3A_725, %dma_wait3A_730, %dma_wait3A_731] : memref<4x8192x1024xf32, #tpu.memory_space<hbm>> -> memref<1x8x1024xf32, #tpu.memory_space<hbm>>
        %dma_wait3A_733 = tpu.memref_squeeze %dma_wait3A_732 : memref<1x8x1024xf32, #tpu.memory_space<hbm>> -> memref<8x1024xf32, #tpu.memory_space<hbm>>
        tpu.wait_dma2 semaphore(%arg27 : memref<!tpu.dma_semaphore, #tpu.memory_space<semaphore_mem>>) src(%arg9 : memref<8x1024xf32, #tpu.memory_space<vmem>>) dst(%dma_wait3A_733 : memref<8x1024xf32, #tpu.memory_space<hbm>>)
        %mul3A_734 = arith.constant 8 : i32
        %mul3A_735 = arith.muli %add3A_683, %mul3A_734 : i32
        %add3A_736 = arith.addi %mul3A_2, %mul3A_735 : i32
        %dma_start3A_737 = arith.constant 0 : i32
        %dma_start3A_738 = arith.constant 0 : i32
        %dma_start3A_739 = tpu.memref_slice %arg2[%dma_start3A_737, %add3A_736, %dma_start3A_738] : memref<4x8192x1024xf32, #tpu.memory_space<hbm>> -> memref<1x8x1024xf32, #tpu.memory_space<hbm>>
        %dma_start3A_740 = tpu.memref_squeeze %dma_start3A_739 : memref<1x8x1024xf32, #tpu.memory_space<hbm>> -> memref<8x1024xf32, #tpu.memory_space<hbm>>
        %dma_start3A_741 = arith.constant 0 : i32
        %dma_start3A_742 = tpu.memref_slice %arg2[%dma_start3A_737, %add3A_736, %dma_start3A_741] : memref<4x8192x1024xf32, #tpu.memory_space<hbm>> -> memref<1x8x1024xf32, #tpu.memory_space<hbm>>
        %dma_start3A_743 = tpu.memref_squeeze %dma_start3A_742 : memref<1x8x1024xf32, #tpu.memory_space<hbm>> -> memref<8x1024xf32, #tpu.memory_space<hbm>>
        tpu.enqueue_dma source(%dma_start3A_743 : memref<8x1024xf32, #tpu.memory_space<hbm>>) target(%arg9 : memref<8x1024xf32, #tpu.memory_space<vmem>>) target_semaphore(%arg19 : memref<!tpu.dma_semaphore, #tpu.memory_space<semaphore_mem>>)
      } else {
      }
      %dma_wait3A_689 = arith.constant 0 : i32
      %dma_wait3A_690 = arith.constant 0 : i32
      %dma_wait3A_691 = arith.constant 0 : i32
      %dma_wait3A_692 = tpu.memref_slice %arg2[%dma_wait3A_689, %dma_wait3A_690, %dma_wait3A_691] : memref<4x8192x1024xf32, #tpu.memory_space<hbm>> -> memref<1x8x1024xf32, #tpu.memory_space<hbm>>
      %dma_wait3A_693 = tpu.memref_squeeze %dma_wait3A_692 : memref<1x8x1024xf32, #tpu.memory_space<hbm>> -> memref<8x1024xf32, #tpu.memory_space<hbm>>
      %dma_wait3A_694 = arith.constant 0 : i32
      %dma_wait3A_695 = arith.constant 0 : i32
      %dma_wait3A_696 = tpu.memref_slice %arg2[%dma_wait3A_689, %dma_wait3A_694, %dma_wait3A_695] : memref<4x8192x1024xf32, #tpu.memory_space<hbm>> -> memref<1x8x1024xf32, #tpu.memory_space<hbm>>
      %dma_wait3A_697 = tpu.memref_squeeze %dma_wait3A_696 : memref<1x8x1024xf32, #tpu.memory_space<hbm>> -> memref<8x1024xf32, #tpu.memory_space<hbm>>
      tpu.wait_dma2 semaphore(%arg22 : memref<!tpu.dma_semaphore, #tpu.memory_space<semaphore_mem>>) src(%dma_wait3A_697 : memref<8x1024xf32, #tpu.memory_space<hbm>>) dst(%arg12 : memref<8x1024xf32, #tpu.memory_space<vmem>>)
      %parallel_loop3A_698 = arith.constant 0 : i32
      %parallel_loop3A_699 = arith.constant 512 : i32
      %parallel_loop3A_700 = arith.constant 1 : i32
      scf.for %parallel_loop3A_725 = %parallel_loop3A_698 to %parallel_loop3A_699 step %parallel_loop3A_700  : i32 {
        %parallel_loop3A_726 = arith.constant 6 : i32
        %parallel_loop3A_727 = arith.shrsi %parallel_loop3A_725, %parallel_loop3A_726 : i32
        %parallel_loop3A_728 = arith.constant 63 : i32
        %parallel_loop3A_729 = arith.andi %parallel_loop3A_725, %parallel_loop3A_728 : i32
        %parallel_loop3A_730 = arith.constant 16 : i32
        %parallel_loop3A_731 = arith.muli %parallel_loop3A_729, %parallel_loop3A_730 : i32
        %parallel_loop3A_732 = arith.index_cast %parallel_loop3A_727 : i32 to index
        %parallel_loop3A_733 = arith.index_cast %parallel_loop3A_731 : i32 to index
        %parallel_loop3A_734 = tpu.vector_load %arg14[%parallel_loop3A_732, %parallel_loop3A_733] {strides = array<i32>} : memref<8x1024xf32, #tpu.memory_space<vmem>>, vector<1x16xf32>,
        %parallel_loop3A_735 = vector.shape_cast %parallel_loop3A_734 : vector<1x16xf32> to vector<16xf32>
        %parallel_loop3A_736 = arith.index_cast %parallel_loop3A_727 : i32 to index
        %parallel_loop3A_737 = arith.index_cast %parallel_loop3A_731 : i32 to index
        %parallel_loop3A_738 = tpu.vector_load %arg12[%parallel_loop3A_736, %parallel_loop3A_737] {strides = array<i32>} : memref<8x1024xf32, #tpu.memory_space<vmem>>, vector<1x16xf32>,
        %parallel_loop3A_739 = vector.shape_cast %parallel_loop3A_738 : vector<1x16xf32> to vector<16xf32>
        %parallel_loop3A_740 = vector.shape_cast %parallel_loop3A_735 : vector<16xf32> to vector<1x16xf32>
        tpu.vector_store %arg12[%parallel_loop3A_736, %parallel_loop3A_737], %parallel_loop3A_740 {add = true, strides = array<i32>} : memref<8x1024xf32, #tpu.memory_space<vmem>>, vector<1x16xf32>,
      } {sc.loop_unroll_factor = 4 : i64, sc.parallel_access}
      %mul3A_701 = arith.constant 8 : i32
      %mul3A_702 = arith.muli %add3A_595, %mul3A_701 : i32
      %add3A_703 = arith.addi %mul3A_2, %mul3A_702 : i32
      %dma_start3A_704 = arith.constant 3 : i32
      %dma_start3A_705 = arith.constant 0 : i32
      %dma_start3A_706 = tpu.memref_slice %arg4[%dma_start3A_704, %add3A_703, %dma_start3A_705] : memref<4x8192x1024xf32, #tpu.memory_space<hbm>> -> memref<1x8x1024xf32, #tpu.memory_space<hbm>>
      %dma_start3A_707 = tpu.memref_squeeze %dma_start3A_706 : memref<1x8x1024xf32, #tpu.memory_space<hbm>> -> memref<8x1024xf32, #tpu.memory_space<hbm>>
      %dma_start3A_708 = arith.constant 0 : i32
      %dma_start3A_709 = tpu.memref_slice %arg4[%dma_start3A_704, %add3A_703, %dma_start3A_708] : memref<4x8192x1024xf32, #tpu.memory_space<hbm>> -> memref<1x8x1024xf32, #tpu.memory_space<hbm>>
      %dma_start3A_710 = tpu.memref_squeeze %dma_start3A_709 : memref<1x8x1024xf32, #tpu.memory_space<hbm>> -> memref<8x1024xf32, #tpu.memory_space<hbm>>
      tpu.enqueue_dma source(%arg12 : memref<8x1024xf32, #tpu.memory_space<vmem>>) target(%dma_start3A_710 : memref<8x1024xf32, #tpu.memory_space<hbm>>) target_semaphore(%arg30 : memref<!tpu.dma_semaphore, #tpu.memory_space<semaphore_mem>>)
      %add3A_711 = arith.constant 2 : i32
      %add3A_712 = arith.addi %add3A_595, %add3A_711 : i32
      %lt3A_713 = arith.constant 32 : i32
      %lt3A_714 = arith.cmpi slt, %add3A_712, %lt3A_713 : i32
      %convert_element_type3A_715 = arith.extui %lt3A_714 : i1 to i32
      %cond3A_716 = arith.constant 0 : i32
      %cond3A_717 = arith.cmpi ne, %convert_element_type3A_715, %cond3A_716 : i32
      scf.if %cond3A_717 {
        %dma_wait3A_725 = arith.constant 0 : i32
        %dma_wait3A_726 = arith.constant 0 : i32
        %dma_wait3A_727 = arith.constant 0 : i32
        %dma_wait3A_728 = tpu.memref_slice %arg4[%dma_wait3A_725, %dma_wait3A_726, %dma_wait3A_727] : memref<4x8192x1024xf32, #tpu.memory_space<hbm>> -> memref<1x8x1024xf32, #tpu.memory_space<hbm>>
        %dma_wait3A_729 = tpu.memref_squeeze %dma_wait3A_728 : memref<1x8x1024xf32, #tpu.memory_space<hbm>> -> memref<8x1024xf32, #tpu.memory_space<hbm>>
        %dma_wait3A_730 = arith.constant 0 : i32
        %dma_wait3A_731 = arith.constant 0 : i32
        %dma_wait3A_732 = tpu.memref_slice %arg4[%dma_wait3A_725, %dma_wait3A_730, %dma_wait3A_731] : memref<4x8192x1024xf32, #tpu.memory_space<hbm>> -> memref<1x8x1024xf32, #tpu.memory_space<hbm>>
        %dma_wait3A_733 = tpu.memref_squeeze %dma_wait3A_732 : memref<1x8x1024xf32, #tpu.memory_space<hbm>> -> memref<8x1024xf32, #tpu.memory_space<hbm>>
        tpu.wait_dma2 semaphore(%arg28 : memref<!tpu.dma_semaphore, #tpu.memory_space<semaphore_mem>>) src(%arg10 : memref<8x1024xf32, #tpu.memory_space<vmem>>) dst(%dma_wait3A_733 : memref<8x1024xf32, #tpu.memory_space<hbm>>)
        %mul3A_734 = arith.constant 8 : i32
        %mul3A_735 = arith.muli %add3A_712, %mul3A_734 : i32
        %add3A_736 = arith.addi %mul3A_2, %mul3A_735 : i32
        %dma_start3A_737 = arith.constant 1 : i32
        %dma_start3A_738 = arith.constant 0 : i32
        %dma_start3A_739 = tpu.memref_slice %arg2[%dma_start3A_737, %add3A_736, %dma_start3A_738] : memref<4x8192x1024xf32, #tpu.memory_space<hbm>> -> memref<1x8x1024xf32, #tpu.memory_space<hbm>>
        %dma_start3A_740 = tpu.memref_squeeze %dma_start3A_739 : memref<1x8x1024xf32, #tpu.memory_space<hbm>> -> memref<8x1024xf32, #tpu.memory_space<hbm>>
        %dma_start3A_741 = arith.constant 0 : i32
        %dma_start3A_742 = tpu.memref_slice %arg2[%dma_start3A_737, %add3A_736, %dma_start3A_741] : memref<4x8192x1024xf32, #tpu.memory_space<hbm>> -> memref<1x8x1024xf32, #tpu.memory_space<hbm>>
        %dma_start3A_743 = tpu.memref_squeeze %dma_start3A_742 : memref<1x8x1024xf32, #tpu.memory_space<hbm>> -> memref<8x1024xf32, #tpu.memory_space<hbm>>
        tpu.enqueue_dma source(%dma_start3A_743 : memref<8x1024xf32, #tpu.memory_space<hbm>>) target(%arg10 : memref<8x1024xf32, #tpu.memory_space<vmem>>) target_semaphore(%arg20 : memref<!tpu.dma_semaphore, #tpu.memory_space<semaphore_mem>>)
      } else {
      }
      %add3A_718 = arith.constant 2 : i32
      %add3A_719 = arith.addi %add3A_595, %add3A_718 : i32
      %lt3A_720 = arith.constant 32 : i32
      %lt3A_721 = arith.cmpi slt, %add3A_719, %lt3A_720 : i32
      %convert_element_type3A_722 = arith.extui %lt3A_721 : i1 to i32
      %cond3A_723 = arith.constant 0 : i32
      %cond3A_724 = arith.cmpi ne, %convert_element_type3A_722, %cond3A_723 : i32
      scf.if %cond3A_724 {
        %add3A_725 = arith.constant 2 : i32
        %add3A_726 = arith.addi %add3A_595, %add3A_725 : i32
        %mul3A_727 = arith.constant 8 : i32
        %mul3A_728 = arith.muli %add3A_726, %mul3A_727 : i32
        %add3A_729 = arith.addi %mul3A_2, %mul3A_728 : i32
        %dma_start3A_730 = arith.constant 0 : i32
        %dma_start3A_731 = tpu.memref_slice %arg3[%add3A_729, %dma_start3A_730] : memref<8192x1024xf32, #tpu.memory_space<hbm>> -> memref<8x1024xf32, #tpu.memory_space<hbm>>
        %dma_start3A_732 = arith.constant 0 : i32
        %dma_start3A_733 = tpu.memref_slice %arg3[%add3A_729, %dma_start3A_732] : memref<8192x1024xf32, #tpu.memory_space<hbm>> -> memref<8x1024xf32, #tpu.memory_space<hbm>>
        tpu.enqueue_dma source(%dma_start3A_733 : memref<8x1024xf32, #tpu.memory_space<hbm>>) target(%arg14 : memref<8x1024xf32, #tpu.memory_space<vmem>>) target_semaphore(%arg32 : memref<!tpu.dma_semaphore, #tpu.memory_space<semaphore_mem>>)
      } else {
      }
    }
    %scan3A_388 = arith.constant 15 : i32
    %dma_wait3A_389 = arith.constant 0 : i32
    %dma_wait3A_390 = arith.constant 0 : i32
    %dma_wait3A_391 = arith.constant 0 : i32
    %dma_wait3A_392 = tpu.memref_slice %arg4[%dma_wait3A_389, %dma_wait3A_390, %dma_wait3A_391] : memref<4x8192x1024xf32, #tpu.memory_space<hbm>> -> memref<1x8x1024xf32, #tpu.memory_space<hbm>>
    %dma_wait3A_393 = tpu.memref_squeeze %dma_wait3A_392 : memref<1x8x1024xf32, #tpu.memory_space<hbm>> -> memref<8x1024xf32, #tpu.memory_space<hbm>>
    %dma_wait3A_394 = arith.constant 0 : i32
    %dma_wait3A_395 = arith.constant 0 : i32
    %dma_wait3A_396 = tpu.memref_slice %arg4[%dma_wait3A_389, %dma_wait3A_394, %dma_wait3A_395] : memref<4x8192x1024xf32, #tpu.memory_space<hbm>> -> memref<1x8x1024xf32, #tpu.memory_space<hbm>>
    %dma_wait3A_397 = tpu.memref_squeeze %dma_wait3A_396 : memref<1x8x1024xf32, #tpu.memory_space<hbm>> -> memref<8x1024xf32, #tpu.memory_space<hbm>>
    tpu.wait_dma2 semaphore(%arg23 : memref<!tpu.dma_semaphore, #tpu.memory_space<semaphore_mem>>) src(%arg5 : memref<8x1024xf32, #tpu.memory_space<vmem>>) dst(%dma_wait3A_397 : memref<8x1024xf32, #tpu.memory_space<hbm>>)
    %dma_wait3A_398 = arith.constant 0 : i32
    %dma_wait3A_399 = arith.constant 0 : i32
    %dma_wait3A_400 = arith.constant 0 : i32
    %dma_wait3A_401 = tpu.memref_slice %arg4[%dma_wait3A_398, %dma_wait3A_399, %dma_wait3A_400] : memref<4x8192x1024xf32, #tpu.memory_space<hbm>> -> memref<1x8x1024xf32, #tpu.memory_space<hbm>>
    %dma_wait3A_402 = tpu.memref_squeeze %dma_wait3A_401 : memref<1x8x1024xf32, #tpu.memory_space<hbm>> -> memref<8x1024xf32, #tpu.memory_space<hbm>>
    %dma_wait3A_403 = arith.constant 0 : i32
    %dma_wait3A_404 = arith.constant 0 : i32
    %dma_wait3A_405 = tpu.memref_slice %arg4[%dma_wait3A_398, %dma_wait3A_403, %dma_wait3A_404] : memref<4x8192x1024xf32, #tpu.memory_space<hbm>> -> memref<1x8x1024xf32, #tpu.memory_space<hbm>>
    %dma_wait3A_406 = tpu.memref_squeeze %dma_wait3A_405 : memref<1x8x1024xf32, #tpu.memory_space<hbm>> -> memref<8x1024xf32, #tpu.memory_space<hbm>>
    tpu.wait_dma2 semaphore(%arg24 : memref<!tpu.dma_semaphore, #tpu.memory_space<semaphore_mem>>) src(%arg6 : memref<8x1024xf32, #tpu.memory_space<vmem>>) dst(%dma_wait3A_406 : memref<8x1024xf32, #tpu.memory_space<hbm>>)
    %dma_wait3A_407 = arith.constant 0 : i32
    %dma_wait3A_408 = arith.constant 0 : i32
    %dma_wait3A_409 = arith.constant 0 : i32
    %dma_wait3A_410 = tpu.memref_slice %arg4[%dma_wait3A_407, %dma_wait3A_408, %dma_wait3A_409] : memref<4x8192x1024xf32, #tpu.memory_space<hbm>> -> memref<1x8x1024xf32, #tpu.memory_space<hbm>>
    %dma_wait3A_411 = tpu.memref_squeeze %dma_wait3A_410 : memref<1x8x1024xf32, #tpu.memory_space<hbm>> -> memref<8x1024xf32, #tpu.memory_space<hbm>>
    %dma_wait3A_412 = arith.constant 0 : i32
    %dma_wait3A_413 = arith.constant 0 : i32
    %dma_wait3A_414 = tpu.memref_slice %arg4[%dma_wait3A_407, %dma_wait3A_412, %dma_wait3A_413] : memref<4x8192x1024xf32, #tpu.memory_space<hbm>> -> memref<1x8x1024xf32, #tpu.memory_space<hbm>>
    %dma_wait3A_415 = tpu.memref_squeeze %dma_wait3A_414 : memref<1x8x1024xf32, #tpu.memory_space<hbm>> -> memref<8x1024xf32, #tpu.memory_space<hbm>>
    tpu.wait_dma2 semaphore(%arg25 : memref<!tpu.dma_semaphore, #tpu.memory_space<semaphore_mem>>) src(%arg7 : memref<8x1024xf32, #tpu.memory_space<vmem>>) dst(%dma_wait3A_415 : memref<8x1024xf32, #tpu.memory_space<hbm>>)
    %dma_wait3A_416 = arith.constant 0 : i32
    %dma_wait3A_417 = arith.constant 0 : i32
    %dma_wait3A_418 = arith.constant 0 : i32
    %dma_wait3A_419 = tpu.memref_slice %arg4[%dma_wait3A_416, %dma_wait3A_417, %dma_wait3A_418] : memref<4x8192x1024xf32, #tpu.memory_space<hbm>> -> memref<1x8x1024xf32, #tpu.memory_space<hbm>>
    %dma_wait3A_420 = tpu.memref_squeeze %dma_wait3A_419 : memref<1x8x1024xf32, #tpu.memory_space<hbm>> -> memref<8x1024xf32, #tpu.memory_space<hbm>>
    %dma_wait3A_421 = arith.constant 0 : i32
    %dma_wait3A_422 = arith.constant 0 : i32
    %dma_wait3A_423 = tpu.memref_slice %arg4[%dma_wait3A_416, %dma_wait3A_421, %dma_wait3A_422] : memref<4x8192x1024xf32, #tpu.memory_space<hbm>> -> memref<1x8x1024xf32, #tpu.memory_space<hbm>>
    %dma_wait3A_424 = tpu.memref_squeeze %dma_wait3A_423 : memref<1x8x1024xf32, #tpu.memory_space<hbm>> -> memref<8x1024xf32, #tpu.memory_space<hbm>>
    tpu.wait_dma2 semaphore(%arg26 : memref<!tpu.dma_semaphore, #tpu.memory_space<semaphore_mem>>) src(%arg8 : memref<8x1024xf32, #tpu.memory_space<vmem>>) dst(%dma_wait3A_424 : memref<8x1024xf32, #tpu.memory_space<hbm>>)
    %dma_wait3A_425 = arith.constant 0 : i32
    %dma_wait3A_426 = arith.constant 0 : i32
    %dma_wait3A_427 = arith.constant 0 : i32
    %dma_wait3A_428 = tpu.memref_slice %arg4[%dma_wait3A_425, %dma_wait3A_426, %dma_wait3A_427] : memref<4x8192x1024xf32, #tpu.memory_space<hbm>> -> memref<1x8x1024xf32, #tpu.memory_space<hbm>>
    %dma_wait3A_429 = tpu.memref_squeeze %dma_wait3A_428 : memref<1x8x1024xf32, #tpu.memory_space<hbm>> -> memref<8x1024xf32, #tpu.memory_space<hbm>>
    %dma_wait3A_430 = arith.constant 0 : i32
    %dma_wait3A_431 = arith.constant 0 : i32
    %dma_wait3A_432 = tpu.memref_slice %arg4[%dma_wait3A_425, %dma_wait3A_430, %dma_wait3A_431] : memref<4x8192x1024xf32, #tpu.memory_space<hbm>> -> memref<1x8x1024xf32, #tpu.memory_space<hbm>>
    %dma_wait3A_433 = tpu.memref_squeeze %dma_wait3A_432 : memref<1x8x1024xf32, #tpu.memory_space<hbm>> -> memref<8x1024xf32, #tpu.memory_space<hbm>>
    tpu.wait_dma2 semaphore(%arg27 : memref<!tpu.dma_semaphore, #tpu.memory_space<semaphore_mem>>) src(%arg9 : memref<8x1024xf32, #tpu.memory_space<vmem>>) dst(%dma_wait3A_433 : memref<8x1024xf32, #tpu.memory_space<hbm>>)
    %dma_wait3A_434 = arith.constant 0 : i32
    %dma_wait3A_435 = arith.constant 0 : i32
    %dma_wait3A_436 = arith.constant 0 : i32
    %dma_wait3A_437 = tpu.memref_slice %arg4[%dma_wait3A_434, %dma_wait3A_435, %dma_wait3A_436] : memref<4x8192x1024xf32, #tpu.memory_space<hbm>> -> memref<1x8x1024xf32, #tpu.memory_space<hbm>>
    %dma_wait3A_438 = tpu.memref_squeeze %dma_wait3A_437 : memref<1x8x1024xf32, #tpu.memory_space<hbm>> -> memref<8x1024xf32, #tpu.memory_space<hbm>>
    %dma_wait3A_439 = arith.constant 0 : i32
    %dma_wait3A_440 = arith.constant 0 : i32
    %dma_wait3A_441 = tpu.memref_slice %arg4[%dma_wait3A_434, %dma_wait3A_439, %dma_wait3A_440] : memref<4x8192x1024xf32, #tpu.memory_space<hbm>> -> memref<1x8x1024xf32, #tpu.memory_space<hbm>>
    %dma_wait3A_442 = tpu.memref_squeeze %dma_wait3A_441 : memref<1x8x1024xf32, #tpu.memory_space<hbm>> -> memref<8x1024xf32, #tpu.memory_space<hbm>>
    tpu.wait_dma2 semaphore(%arg28 : memref<!tpu.dma_semaphore, #tpu.memory_space<semaphore_mem>>) src(%arg10 : memref<8x1024xf32, #tpu.memory_space<vmem>>) dst(%dma_wait3A_442 : memref<8x1024xf32, #tpu.memory_space<hbm>>)
    %dma_wait3A_443 = arith.constant 0 : i32
    %dma_wait3A_444 = arith.constant 0 : i32
    %dma_wait3A_445 = arith.constant 0 : i32
    %dma_wait3A_446 = tpu.memref_slice %arg4[%dma_wait3A_443, %dma_wait3A_444, %dma_wait3A_445] : memref<4x8192x1024xf32, #tpu.memory_space<hbm>> -> memref<1x8x1024xf32, #tpu.memory_space<hbm>>
    %dma_wait3A_447 = tpu.memref_squeeze %dma_wait3A_446 : memref<1x8x1024xf32, #tpu.memory_space<hbm>> -> memref<8x1024xf32, #tpu.memory_space<hbm>>
    %dma_wait3A_448 = arith.constant 0 : i32
    %dma_wait3A_449 = arith.constant 0 : i32
    %dma_wait3A_450 = tpu.memref_slice %arg4[%dma_wait3A_443, %dma_wait3A_448, %dma_wait3A_449] : memref<4x8192x1024xf32, #tpu.memory_space<hbm>> -> memref<1x8x1024xf32, #tpu.memory_space<hbm>>
    %dma_wait3A_451 = tpu.memref_squeeze %dma_wait3A_450 : memref<1x8x1024xf32, #tpu.memory_space<hbm>> -> memref<8x1024xf32, #tpu.memory_space<hbm>>
    tpu.wait_dma2 semaphore(%arg29 : memref<!tpu.dma_semaphore, #tpu.memory_space<semaphore_mem>>) src(%arg11 : memref<8x1024xf32, #tpu.memory_space<vmem>>) dst(%dma_wait3A_451 : memref<8x1024xf32, #tpu.memory_space<hbm>>)
    %dma_wait3A_452 = arith.constant 0 : i32
    %dma_wait3A_453 = arith.constant 0 : i32
    %dma_wait3A_454 = arith.constant 0 : i32
    %dma_wait3A_455 = tpu.memref_slice %arg4[%dma_wait3A_452, %dma_wait3A_453, %dma_wait3A_454] : memref<4x8192x1024xf32, #tpu.memory_space<hbm>> -> memref<1x8x1024xf32, #tpu.memory_space<hbm>>
    %dma_wait3A_456 = tpu.memref_squeeze %dma_wait3A_455 : memref<1x8x1024xf32, #tpu.memory_space<hbm>> -> memref<8x1024xf32, #tpu.memory_space<hbm>>
    %dma_wait3A_457 = arith.constant 0 : i32
    %dma_wait3A_458 = arith.constant 0 : i32
    %dma_wait3A_459 = tpu.memref_slice %arg4[%dma_wait3A_452, %dma_wait3A_457, %dma_wait3A_458] : memref<4x8192x1024xf32, #tpu.memory_space<hbm>> -> memref<1x8x1024xf32, #tpu.memory_space<hbm>>
    %dma_wait3A_460 = tpu.memref_squeeze %dma_wait3A_459 : memref<1x8x1024xf32, #tpu.memory_space<hbm>> -> memref<8x1024xf32, #tpu.memory_space<hbm>>
    tpu.wait_dma2 semaphore(%arg30 : memref<!tpu.dma_semaphore, #tpu.memory_space<semaphore_mem>>) src(%arg12 : memref<8x1024xf32, #tpu.memory_space<vmem>>) dst(%dma_wait3A_460 : memref<8x1024xf32, #tpu.memory_space<hbm>>)
    return
  }
}

</mosaic_0001>

<sc_bundles>
// kernel: kernel.3.cloned.1.call-start
scs
__scs_entry_jumppad:
0x0: {  	(pc) =	sbr.rel $0x88, $3  }
0x1: {  	(tag) =	ssettag $0x0;
	lr =	simm.s32 $0x1  }
0x2: {  	[smem:$0x3F9F] =	sst lr;
	_ =	strace $0xD0000000  }
0x3: {  	_ = 	snop  }
0x4: {  	_ = 	snop  }
0x5: {  	_ = 	snop  }
0x6: {  	_ = 	snop  }
0x7: {  	_ = 	snop  }
__scs_overlays_trampoline_lowered:
0x8: {  	[smem:$0x3FAE] =	sst s0  }
0x9: {  	[smem:$0x3FAF] =	sst s1  }
0xa: {  	[smem:$0x3FB0] =	sst s2  }
0xb: {  	[smem:$0x3FB1] =	sst s3  }
0xc: {  	[smem:$0x3FB2] =	sst s4  }
0xd: {  	[smem:$0x3FB3] =	sst s5  }
0xe: {  	[smem:$0x3FB4] =	sst s6  }
0xf: {  	[smem:$0x3FB5] =	sst s7  }
0x10: {  	[smem:$0x3FB6] =	sst s8  }
0x11: {  	[smem:$0x3FB7] =	sst s9;
	s0 =	simm.s32 @!p0 $0x0  }
0x12: {  	s1 =	sld [smem:$0x3F9D];
	s0 =	simm.s32 @p0 $0x1  }
0x13: {  	[smem:$0x3FB8] =	sst s0;
	s0 =	simm.s32 @!p1 $0x0  }
0x14: {  	s2 =	sld [smem:$0x3F9C];
	s0 =	simm.s32 @p1 $0x1  }
0x15: {  	[smem:$0x3FB9] =	sst s0;
	s0 =	simm.s32 @!p2 $0x0  }
0x16: {  	s3 =	sld [smem:$0x3FDB];
	s0 =	simm.s32 @p2 $0x1  }
0x17: {  	s4 =	simm.s32 $0x1BF5;
	[smem:$0x3FBB] =	sst s0  }
0x18: {  	s0 =	sld [smem:$0x3F9E];
	_ =	swait.ge [sflag:s4], $0x0  }
0x19: {  	s7 =	sld [smem:$0x3F9F]  }
0x1a: {  	s8 =	sadd.s32 $0xFFFFE003, lr  }
0x1b: {  	s9 =	sadd.s32 $0xFFFFFEF7, lr;
	s5 =	simm.s32 $0xFFFFFFFF;
	p2 =	slt.u32 s8, $0xFFFFF086  }
0x1c: {  	p1 =	slt.u32 s9, $0xF7A;
	s5 =	simm.s32 @!p2 $0x0  }
0x1d: {  	s5 =	simm.s32 @p1 $0x1;
	p0 =	seq.s32 s7, s2  }
0x1e: {  	s7 =	smul.u32 @!p0 $0xF7A, s2;
	p2 =	seq.s32 @!p0 s5, $0x0  }
0x1f: {  	s9 =	smul.u32 $0xF7A, s1;
	s8 =	simm.s32 @!p0 $0x1BF5;
	p2 =	por !p2, p0  }
0x20: {  	[sflag:s8] =	ssyncset.s32 @!p0 $0xFFFFF086;
	s6 =	sadd.s32 @!p0 s3, s7;
	s7 =	simm.s32 @!p0 $0x108  }
0x21: {  	s3 =	sadd.s32 s3, s9;
	s6 =	sadd.s32 @!p0 $0x88, s6;
	s7 =	simm.s32 @p2 $0x1082  }
0x22: {  	[simem:s7], [sflag:s8] =	dma.local @!p0 [hbm:s6], $0xF7A  }
0x23: {  	s9 =	sor.u32 $0xD0000000, s2;
	s6 =	simm.s32 $0x108;
	_ =	swait.ge @!p0 [sflag:s8], $0x0  }
0x24: {  	s3 =	sadd.s32 $0x88, s3;
	s6 =	simm.s32 @!p1 $0x1082;
	[sflag:s4] =	ssyncset.s32 $0xFFFFF086  }
0x25: {  	[simem:s6], [sflag:s4] =	dma.local [hbm:s3], $0xF7A  }
0x26: {  	[smem:$0x3F9F] =	sst s1;
	(tag) =	ssettag s2;
	_ =	strace s9  }
0x27: {  	s1 =	sld [smem:$0x3FAF]  }
0x28: {  	s2 =	sld [smem:$0x3FB0]  }
0x29: {  	s4 =	sld [smem:$0x3FB2]  }
0x2a: {  	p0 =	seq.s32 s5, $0x0;
	s5 =	sld [smem:$0x3FB3]  }
0x2b: {  	s6 =	sld [smem:$0x3FB4]  }
0x2c: {  	s7 =	sld [smem:$0x3FB5]  }
0x2d: {  	s3 =	simm.s32 $0x108;
	s8 =	sld [smem:$0x3FB6]  }
0x2e: {  	s3 =	simm.s32 @!p0 $0x1082;
	s9 =	sld [smem:$0x3FB7]  }
0x2f: {  	lr =	sadd.s32 s0, s3;
	s0 =	sld [smem:$0x3FAE]  }
0x30: {  	s3 =	sld [smem:$0x3FB1]  }
0x31: {  	[smem:$0x3FBA] =	sst s10  }
0x32: {  	s10 =	sld [smem:$0x3FB8];
	_ =	sdelay $0x3  }
0x33: {  	p0 =	seq.s32 s10, $0x1;
	s10 =	sld [smem:$0x3FBA];
	_ =	sdelay $0x3  }
0x34: {  	[smem:$0x3FBA] =	sst s10  }
0x35: {  	s10 =	sld [smem:$0x3FB9];
	_ =	sdelay $0x3  }
0x36: {  	p1 =	seq.s32 s10, $0x1;
	s10 =	sld [smem:$0x3FBA];
	_ =	sdelay $0x3  }
0x37: {  	[smem:$0x3FBA] =	sst s10  }
0x38: {  	s10 =	sld [smem:$0x3FBB]  }
0x39: {  	_ = 	snop;
	(pc) =	sbr.ind lr, $3  }
0x3a: {  	_ = 	snop  }
0x3b: {  	_ = 	snop  }
0x3c: {  	p2 =	seq.s32 s10, $0x1;
	s10 =	sld [smem:$0x3FBA]  }
0x3d: {  	_ =	shalt  }
0x3e: {  	_ =	shalt  }
0x3f: {  	_ =	shalt  }
0x40: {  	_ =	shalt  }
0x41: {  	_ =	shalt  }
0x42: {  	_ =	shalt  }
0x43: {  	_ =	shalt  }
0x44: {  	_ =	shalt  }
0x45: {  	_ =	shalt  }
0x46: {  	_ =	shalt  }
0x47: {  	_ =	shalt  }
0x48: {  	_ =	shalt  }
0x49: {  	_ =	shalt  }
0x4a: {  	_ =	shalt  }
0x4b: {  	_ =	shalt  }
0x4c: {  	_ =	shalt  }
0x4d: {  	_ =	shalt  }
0x4e: {  	_ =	shalt  }
0x4f: {  	_ =	shalt  }
0x50: {  	_ =	shalt  }
0x51: {  	_ =	shalt  }
0x52: {  	_ =	shalt  }
0x53: {  	_ =	shalt  }
0x54: {  	_ =	shalt  }
0x55: {  	_ =	shalt  }
0x56: {  	_ =	shalt  }
0x57: {  	_ =	shalt  }
0x58: {  	_ =	shalt  }
0x59: {  	_ =	shalt  }
0x5a: {  	_ =	shalt  }
0x5b: {  	_ =	shalt  }
0x5c: {  	_ =	shalt  }
0x5d: {  	_ =	shalt  }
0x5e: {  	_ =	shalt  }
0x5f: {  	_ =	shalt  }
0x60: {  	_ =	shalt  }
0x61: {  	_ =	shalt  }
0x62: {  	_ =	shalt  }
0x63: {  	_ =	shalt  }
0x64: {  	_ =	shalt  }
0x65: {  	_ =	shalt  }
0x66: {  	_ =	shalt  }
0x67: {  	_ =	shalt  }
0x68: {  	_ =	shalt  }
0x69: {  	_ =	shalt  }
0x6a: {  	_ =	shalt  }
0x6b: {  	_ =	shalt  }
0x6c: {  	_ =	shalt  }
0x6d: {  	_ =	shalt  }
0x6e: {  	_ =	shalt  }
0x6f: {  	_ =	shalt  }
0x70: {  	_ =	shalt  }
0x71: {  	_ =	shalt  }
0x72: {  	_ =	shalt  }
0x73: {  	_ =	shalt  }
0x74: {  	_ =	shalt  }
0x75: {  	_ =	shalt  }
0x76: {  	_ =	shalt  }
0x77: {  	_ =	shalt  }
0x78: {  	_ =	shalt  }
0x79: {  	_ =	shalt  }
0x7a: {  	_ =	shalt  }
0x7b: {  	_ =	shalt  }
0x7c: {  	_ =	shalt  }
0x7d: {  	_ =	shalt  }
0x7e: {  	_ =	shalt  }
0x7f: {  	_ =	shalt  }
0x80: {  	_ =	shalt  }
0x81: {  	_ =	shalt  }
0x82: {  	_ =	shalt  }
0x83: {  	_ =	shalt  }
0x84: {  	_ =	shalt  }
0x85: {  	_ =	shalt  }
0x86: {  	_ =	shalt  }
0x87: {  	_ =	shalt  }
.Lfunc_end0:
.L_simem_size_0:
called_computation_lowered:
.L_overlay_start_0:
0x88: {  	s2 =	sld [smem:$0x3FD9]  }
0x89: {  	s3 =	sld [smem:$0x3FFE];
	_ =	sdelay $0x1  }
0x8a: {  	s1 =	srdreg.scid  }
0x8b: {  	s0 =	sand.u32 $0x1, s1  }
0x8c: {  	s18 =	sshll.u32 s0, $0xA;
	s2 =	sadd.s32 s3, s2  }
0x8d: {  	s2 =	sadd.s32 s2, s18  }
0x8e: {  	[smem:$0x3FC6] =	sst s2  }
0x8f: {  	_ = 	snop  }
0x90: {  	s2 =	sld [smem:$0x3FC9]  }
0x91: {  	s19 =	sld [smem:$0x3FC8]  }
0x92: {  	s4 =	sld [smem:$0x3FD0];
	(tm) =	ssettm $0x1  }
0x93: {  	s5 =	sld [smem:$0x3FFB];
	_ =	sdelay $0x3  }
0x94: {  	_ =	strace s5  }
0x95: {  	s5 =	sld [smem:$0x3FFC];
	_ =	sdelay $0x3  }
0x96: {  	_ =	strace s5  }
0x97: {  	s5 =	sld [smem:$0x3FFD];
	_ =	sdelay $0x3  }
0x98: {  	_ =	strace s5  }
0x99: {  	_ =	strace $0x8FFFFFFF  }
0x9a: {  	s20 =	sld [smem:$0x3FDB];
	_ =	sdelay $0x1  }
0x9b: {  	s6 =	simm.s32 $_scs_section_size  }
0x9c: {  	s7 =	simm.s32 $_size__tile_overlayer_lowered;
	s8 =	simm.s32 $_tile_overlayer_lowered  }
0x9d: {  	s23 =	simm.s32 $0x1BFF;
	s22 =	sshll.u32 s8, $0x1;
	s5 =	sadd.s32 s6, s20  }
0x9e: {  	s9 =	simm.s32 $0x0;
	s21 =	sshll.u32 s7, $0x1;
	s7 =	sadd.s32 s22, s5  }
0x9f: {  	[timem:s9], [sflag:s23] =	dma.local [hbm:s7], s21  }
0xa0: {  	_ =	swait.ge [sflag:s23], s21  }
0xa1: {  	s6 =	ssub.s32 $0x0, s21;
	[sflag:s23] =	ssyncset.done $0x0  }
0xa2: {  	[sflag:s23] =	ssyncadd.s32 s6;
	_ =	sdelay $0x1  }
0xa3: {  	s24 =	simm.s32 $0x1B8B  }
0xa4: {  	_ =	swait.ge [sflag:s24], $0x1  }
0xa5: {  	[sflag:s24] =	ssyncset.done $0x0  }
0xa6: {  	s25 =	simm.s32 $0x1B8E;
	[sflag:s24] =	ssyncadd.s32 $0xFFFFFFFF  }
0xa7: {  	s26 =	simm.s32 $execute0_lowered;
	[smem:$0x3FD2] =	sst s25  }
0xa8: {  	s6 =	sshll.u32 s26, $0x1;
	_ =	strace $0x80000046;
	[dreg:$0x1] =	wrdreg $0xFFFFFFFF  }
0xa9: {  	s28 =	simm.s32 $_size_execute0_lowered;
	s5 =	sadd.s32 s5, s6;
	[dreg:$0x0] =	wrdreg $0x0  }
0xaa: {  	s6 =	sshll.u32 s28, $0x1;
	[dreg:$0x2] =	wrdreg s5  }
0xab: {  	[dreg:$0x3] =	wrdreg s6  }
0xac: {  	[dreg:$0x4] =	wrdreg $0xC0  }
0xad: {  	_ =	task [dreg:s9], $0x5FFFF  }
0xae: {  	[dreg:$0x1] =	wrdreg $0xFFFFFFFF  }
0xaf: {  	[dreg:$0x0] =	wrdreg $0x60  }
0xb0: {  	[dreg:$0x2] =	wrdreg s2  }
0xb1: {  	[dreg:$0x3] =	wrdreg s19  }
0xb2: {  	[dreg:$0x4] =	wrdreg s4  }
0xb3: {  	[dreg:$0x5] =	wrdreg $0x9  }
0xb4: {  	_ =	task.clear_ibuf [dreg:s9], $0x6FFFF;
	_ =	strace $0x90000046  }
0xb5: {  	s29 =	simm.s32 $0x9;
	_ =	strace $0x80000048  }
0xb6: {  	_ =	swait.ge [sflag:s29], $0x1  }
0xb7: {  	[sflag:s29] =	ssyncadd.s32 $0xFFFFFFFF  }
0xb8: {  	_ =	strace $0x90000048  }
0xb9: {  	_ =	sfence  }
0xba: {  	s30 =	sld [smem:$0x0];
	_ =	sdelay $0x2  }
0xbb: {  	s31 =	sshll.u32 s1, $0xD;
	s1 =	sshrl.u32 s1, $0x2  }
0xbc: {  	s3 =	sand.u32 $0x4000, s31;
	s1 =	sadd.s32 s1, s30  }
0xbd: {  	s0 =	sor.u32 s3, s0;
	s1 =	sshll.u32 s1, $0x11  }
0xbe: {  	s0 =	sor.u32 s1, s0  }
0xbf: {  	s0 =	sadd.s32 $0x8F2B, s0  }
0xc0: {  	[sflag:s0] =	ssyncadd.remote.s32 $0x1  }
0xc1: {  	_ =	sfence.sel $0xFFFF  }
0xc2: {  	[dreg:$0x0] =	wrdreg $0xFFFFFFFF;
	(pc) =	sbr.abs _section_cstart, $3  }
0xc3: {  	[dreg:$0x1] =	wrdreg $0xFFFFFFFF  }
0xc4: {  	_ =	task.clear_ibuf [dreg:s9], $0x2FFFF;
	_ =	strace $0x9FFFFFFF  }
0xc5: {  	(tm) =	ssettm $0x7FFFFFFF  }
tec
execute0_lowered:
.L_overlay_start_1:
0x0: {  	(tag) =	ssettag $0x1  }
0x1: {  	s1 =	rddreg [dreg:$0x0]  }
0x2: {  	s12 =	rddreg [dreg:$0x1];
	s0 =	srdreg.scid  }
0x3: {  	s4 =	rddreg [dreg:$0x2];
	s2 =	stileid.u32;
	s0 =	sand.u32 $0x1, s0  }
0x4: {  	s2 =	sshll.u32 s2, $0x9;
	s3 =	sshll.u32 s0, $0x8;
	s0 =	ssub.s32 $0x2, s0  }
0x5: {  	s5 =	simm.s32 $0x0;
	s2 =	sor.u32 s3, s2;
	s17 =	sshrl.u32 s0, $0x1  }
0x6: {  	[smem:$0x7FF] =	sst s5;
	s13 =	sshll.u32 s2, $0x7;
	s0 =	ssub.s32 s0, s17  }
0x7: {  	_ =	strace $0x80000047;
	s0 =	smax.u32 s0, $0x1;
	[dreg:$0x4] =	wrdreg s13  }
0x8: {  	s18 =	sor.u32 $0x100000, s13;
	s17 =	sadd.s32 s1, s13;
	[dreg:$0x19] =	wrdreg s0  }
0x9: {  	s6 =	sor.u32 $0x200000, s13;
	s7 =	sadd.s32 s1, s18;
	[dreg:$0x18] =	wrdreg s17  }
0xa: {  	s20 =	sor.u32 $0x300000, s13;
	s19 =	sadd.s32 s1, s6;
	[dreg:$0x5] =	wrdreg s7  }
0xb: {  	s21 =	sor.u32 $0x400, s13;
	s8 =	sadd.s32 s1, s20;
	[dreg:$0x6] =	wrdreg s19  }
0xc: {  	s9 =	sor.u32 $0x100400, s13;
	s10 =	sadd.s32 s1, s21;
	[dreg:$0x7] =	wrdreg s8  }
0xd: {  	s22 =	sadd.s32 s1, s9;
	[dreg:$0x8] =	wrdreg s10  }
0xe: {  	s23 =	sor.u32 $0x200400, s13;
	s11 =	sadd.s32 s12, s21;
	[dreg:$0x9] =	wrdreg s22  }
0xf: {  	s24 =	sadd.s32 s1, s23;
	[dreg:$0xa] =	wrdreg s11  }
0x10: {  	s25 =	sor.u32 $0x300400, s13;
	s3 =	sadd.s32 s4, s18;
	[dreg:$0xb] =	wrdreg s24  }
0x11: {  	s26 =	sadd.s32 s1, s25;
	[dreg:$0xc] =	wrdreg s3  }
0x12: {  	s29 =	sor.u32 $0x800, s13;
	s6 =	sadd.s32 s4, s6;
	[dreg:$0xd] =	wrdreg s26  }
0x13: {  	s31 =	sadd.s32 s1, s29;
	[dreg:$0xe] =	wrdreg s6  }
0x14: {  	s9 =	sadd.s32 s4, s9;
	[dreg:$0xf] =	wrdreg s31  }
0x15: {  	s15 =	sor.u32 $0xC00, s13;
	s14 =	sadd.s32 s4, s25;
	[dreg:$0x13] =	wrdreg s9  }
0x16: {  	s16 =	sadd.s32 s1, s15;
	[dreg:$0x15] =	wrdreg s14  }
0x17: {  	s18 =	sadd.s32 $0x100800, s17;
	[dreg:$0x16] =	wrdreg s16  }
0x18: {  	s25 =	sadd.s32 $0x200000, s4;
	[dreg:$0x1a] =	wrdreg s18  }
0x19: {  	s7 =	sadd.s32 s4, s20;
	[smem:$0x7FA] =	sst s25  }
0x1a: {  	s3 =	sadd.s32 s12, s29;
	[dreg:$0x10] =	wrdreg s7  }
0x1b: {  	s8 =	sadd.s32 s4, s21;
	[dreg:$0x11] =	wrdreg s3  }
0x1c: {  	s10 =	sadd.s32 s4, s23;
	[dreg:$0x12] =	wrdreg s8  }
0x1d: {  	s19 =	sadd.s32 s12, s13;
	[dreg:$0x14] =	wrdreg s10  }
0x1e: {  	s20 =	sadd.s32 $0x200800, s17;
	[dreg:$0x1b] =	wrdreg s19  }
0x1f: {  	s30 =	simm.s32 $0x8;
	s21 =	sadd.s32 $0x300800, s17;
	[dreg:$0x1c] =	wrdreg s20  }
0x20: {  	s28 =	sshrl.u32 s2, $0x3;
	s22 =	sadd.s32 s4, s13;
	[dreg:$0x1d] =	wrdreg s21  }
0x21: {  	s2 =	simm.s32 $0x12;
	s23 =	sadd.s32 $0x100C00, s17;
	[dreg:$0x1e] =	wrdreg s22  }
0x22: {  	s0 =	simm.s32 $0x7;
	s24 =	sadd.s32 $0x100000, s4;
	[dreg:$0x1f] =	wrdreg s23  }
0x23: {  	s26 =	sadd.s32 $0x300000, s4;
	s29 =	sadd.s32 $0x200000, s1;
	[smem:$0x7F9] =	sst s24  }
0x24: {  	s31 =	sadd.s32 $0x300000, s1;
	s25 =	simm.s32 $0xE000;
	[smem:$0x7FB] =	sst s26  }
.Ltmp0:
0x25: {  	s6 =	simm.s32 $0x0;
	[smem:$0x7FC] =	sst s29;
	(pc) =	sbr.rel .LBB2_1-.Ltmp0, $4  }
0x26: {  	s3 =	sadd.s32 s12, s15;
	s12 =	sadd.s32 $0x100000, s1;
	[smem:$0x7FD] =	sst s31  }
0x27: {  	s24 =	simm.s32 $0xA000;
	s19 =	simm.s32 $0x10000;
	s23 =	simm.s32 $0xC000  }
0x28: {  	s7 =	simm.s32 $0x5;
	s26 =	simm.s32 $0x6;
	s8 =	simm.s32 $0xE  }
0x29: {  	s21 =	simm.s32 $0xF;
	s15 =	simm.s32 $0x10;
	[dreg:$0x17] =	wrdreg s3  }
.LBB2_36:
0x2a: {  	s3 =	simm.s32 $0x9  }
0x2b: {  	_ =	swait.ge [sflag:s3], $0x2000  }
0x2c: {  	[sflag:s3] =	ssyncset.done $0x0  }
0x2d: {  	s19 =	simm.s32 $0xA;
	[sflag:s3] =	ssyncadd.s32 $0xFFFFE000  }
0x2e: {  	_ =	swait.ge [sflag:s19], $0x2000  }
0x2f: {  	[sflag:s19] =	ssyncset.done $0x0  }
0x30: {  	s20 =	simm.s32 $0xB;
	[sflag:s19] =	ssyncadd.s32 $0xFFFFE000  }
0x31: {  	_ =	swait.ge [sflag:s20], $0x2000  }
0x32: {  	[sflag:s20] =	ssyncset.done $0x0  }
0x33: {  	s22 =	simm.s32 $0xC;
	[sflag:s20] =	ssyncadd.s32 $0xFFFFE000  }
0x34: {  	_ =	swait.ge [sflag:s22], $0x2000  }
0x35: {  	[sflag:s22] =	ssyncset.done $0x0  }
0x36: {  	s29 =	simm.s32 $0xD;
	[sflag:s22] =	ssyncadd.s32 $0xFFFFE000  }
0x37: {  	_ =	swait.ge [sflag:s29], $0x2000  }
0x38: {  	[sflag:s29] =	ssyncset.done $0x0  }
0x39: {  	[sflag:s29] =	ssyncadd.s32 $0xFFFFE000  }
0x3a: {  	_ =	swait.ge [sflag:s8], $0x2000  }
0x3b: {  	[sflag:s8] =	ssyncset.done $0x0  }
0x3c: {  	[sflag:s8] =	ssyncadd.s32 $0xFFFFE000  }
0x3d: {  	_ =	swait.ge [sflag:s21], $0x2000  }
0x3e: {  	[sflag:s21] =	ssyncset.done $0x0  }
0x3f: {  	[sflag:s21] =	ssyncadd.s32 $0xFFFFE000  }
0x40: {  	_ =	swait.ge [sflag:s15], $0x2000  }
0x41: {  	s6 =	sld [smem:$0x7F8];
	_ =	sdelay $0x2  }
0x42: {  	s31 =	rddreg [dreg:$0x19];
	s6 =	sadd.s32 $0x1, s6  }
0x43: {  	p0 =	sne.s32 s6, s31  }
.Ltmp1:
0x44: {  	_ = 	snop;
	(pc) =	sbr.rel @!p0 .LBB2_37-.Ltmp1, $3  }
0x45: {  	_ =	sdelay $0x1  }
0x46: {  	[sflag:s15] =	ssyncset.done $0x0  }
0x47: {  	s19 =	simm.s32 $0x10000;
	[sflag:s15] =	ssyncadd.s32 $0xFFFFE000  }
.LBB2_1:
0x48: {  	[smem:$0x7F8] =	sst s6  }
0x49: {  	s3 =	rddreg [dreg:$0x18]  }
0x4a: {  	[tilespmem:s5], [sflag:$0x1] =	stream.linear.gather [hbm4b:s3+s5], $0x2000, $0x38;
	[tilespmem:$0x14000] =	vst v63  }
0x4b: {  	s29 =	rddreg [dreg:$0x5];
	s31 =	simm.s32 $0x2000  }
0x4c: {  	[tilespmem:s31], [sflag:$0x2] =	stream.linear.gather [hbm4b:s29+s5], $0x2000, $0x38;
	[tilespmem:$0x14000] =	vst v63  }
0x4d: {  	s6 =	rddreg [dreg:$0x6];
	s9 =	simm.s32 $0x4000  }
0x4e: {  	[tilespmem:s9], [sflag:$0x3] =	stream.linear.gather [hbm4b:s6+s5], $0x2000, $0x38;
	[tilespmem:$0x14000] =	vst v63  }
0x4f: {  	s10 =	rddreg [dreg:$0x7];
	s11 =	simm.s32 $0x6000  }
0x50: {  	[tilespmem:s11], [sflag:$0x4] =	stream.linear.gather [hbm4b:s10+s5], $0x2000, $0x38;
	[tilespmem:$0x14000] =	vst v63  }
0x51: {  	s13 =	rddreg [dreg:$0x8];
	s14 =	simm.s32 $0x8000  }
0x52: {  	[tilespmem:s14], [sflag:$0x5] =	stream.linear.gather [hbm4b:s13+s5], $0x2000, $0x38;
	[tilespmem:$0x14000] =	vst v63  }
0x53: {  	s16 =	rddreg [dreg:$0x9]  }
0x54: {  	[tilespmem:s24], [sflag:$0x6] =	stream.linear.gather [hbm4b:s16+s5], $0x2000, $0x38;
	[tilespmem:$0x14000] =	vst v63  }
0x55: {  	s17 =	rddreg [dreg:$0x1b]  }
0x56: {  	[tilespmem:s19], [sflag:$0x11] =	stream.linear.gather [hbm4b:s17+s5], $0x2000, $0x38;
	[tilespmem:$0x14000] =	vst v63  }
0x57: {  	s18 =	rddreg [dreg:$0xa];
	s20 =	simm.s32 $0x12000;
	s22 =	simm.s32 $0x11  }
0x58: {  	[tilespmem:s20], [sflag:$0x12] =	stream.linear.gather [hbm4b:s18+s5], $0x2000, $0x38;
	[tilespmem:$0x14000] =	vst v63  }
0x59: {  	_ =	swait.ge [sflag:s22], $0x2000  }
0x5a: {  	[sflag:s22] =	ssyncset.done $0x0  }
0x5b: {  	s10 =	simm.s32 $0x1;
	[sflag:s22] =	ssyncadd.s32 $0xFFFFE000  }
0x5c: {  	s29 =	sand.u32 $0x1C00, s5;
	s31 =	sand.u32 $0x380, s5;
	_ =	swait.ge [sflag:s10], $0x2000  }
0x5d: {  	s3 =	sor.u32 s31, s29;
	s9 =	sand.u32 $0x40, s5;
	[sflag:s10] =	ssyncset.done $0x0  }
0x5e: {  	s3 =	sor.u32 s9, s3;
	[sflag:s10] =	ssyncadd.s32 $0xFFFFE000  }
0x5f: {  	v2 =	vld [tilespmem:s3+$0x10030]  }
0x60: {  	v1 =	vld [tilespmem:s3+$0x10000]  }
0x61: {  	s6 =	simm.s32 $0x0;
	v3 =	vld [tilespmem:s3+$0x10010]  }
0x62: {  	s9 =	sor.u32 $0x10, s3;
	s11 =	simm.s32 $0x200;
	s13 =	simm.s32 $0x40;
	v0 =	vld [tilespmem:s3+$0x10020]  }
0x63: {  	s14 =	simm.s32 $0x8;
	s16 =	sor.u32 $0x30, s3;
	s10 =	sor.u32 $0x20, s3  }
.LBB2_2:
0x64: {  	s17 =	sand.u32 $0x1C00, s11;
	s18 =	sand.u32 $0x380, s14;
	s6 =	sadd.s32 $0x4, s6;
	[tilespmem:s16+$0x0] =	vst.add.f32.msk $0xffff, v2  }
0x65: {  	s16 =	sand.u32 $0x40, s13;
	s17 =	sor.u32 s18, s17;
	p0 =	slt.u32 s6, $0x1FC;
	[tilespmem:s3+$0x0] =	vst.add.f32.msk $0xffff, v1  }
0x66: {  	s3 =	sor.u32 s16, s17;
	[tilespmem:s9+$0x0] =	vst.add.f32.msk $0xffff, v3;
	s17 =	smov.u32 s10  }
.Ltmp2:
0x67: {  	s9 =	sor.u32 $0x10, s3;
	s10 =	sor.u32 $0x20, s3;
	v2 =	vld [tilespmem:s3+$0x10030];
	v4 =	vmov v0;
	(pc) =	sbr.rel @p0 .LBB2_2-.Ltmp2, $4  }
0x68: {  	v1 =	vld [tilespmem:s3+$0x10000]  }
0x69: {  	v3 =	vld [tilespmem:s3+$0x10010]  }
0x6a: {  	s11 =	sadd.s32 $0x200, s11;
	v0 =	vld [tilespmem:s3+$0x10020]  }
0x6b: {  	s13 =	sadd.s32 $0x40, s13;
	s14 =	sadd.s32 $0x8, s14;
	s16 =	sor.u32 $0x30, s3;
	[tilespmem:s17+$0x0] =	vst.add.f32.msk $0xffff, v4  }
0x6c: {  	[tilespmem:s16+$0x0] =	vst.add.f32.msk $0xffff, v2  }
0x6d: {  	[tilespmem:s3+$0x0] =	vst.add.f32.msk $0xffff, v1  }
0x6e: {  	[tilespmem:s9+$0x0] =	vst.add.f32.msk $0xffff, v3  }
0x6f: {  	[tilespmem:s10+$0x0] =	vst.add.f32.msk $0xffff, v0  }
0x70: {  	s18 =	simm.s32 $0x0;
	s6 =	rddreg [dreg:$0x1e]  }
0x71: {  	[hbm4b:s6+s18] =	stream.linear.scatter [tilespmem:s18], [sflag:$0x9], $0x2000, $0x38;
	[tilespmem:$0x14000] =	vst v63  }
0x72: {  	s22 =	simm.s32 $0x2;
	s20 =	rddreg [dreg:$0xb]  }
0x73: {  	[tilespmem:s23], [sflag:$0x7] =	stream.linear.gather [hbm4b:s20+s18], $0x2000, $0x38;
	[tilespmem:$0x14000] =	vst v63  }
0x74: {  	s29 =	sand.u32 $0x1C00, s18;
	s31 =	sand.u32 $0x380, s18;
	_ =	swait.ge [sflag:s22], $0x2000  }
0x75: {  	s3 =	sand.u32 $0x40, s18;
	s6 =	sor.u32 s31, s29;
	[sflag:s22] =	ssyncset.done $0x0  }
0x76: {  	s13 =	sor.u32 s3, s6;
	[sflag:s22] =	ssyncadd.s32 $0xFFFFE000  }
0x77: {  	v2 =	vld [tilespmem:s13+$0x10030]  }
0x78: {  	s11 =	simm.s32 $0x200;
	s14 =	simm.s32 $0x8;
	v1 =	vld [tilespmem:s13+$0x10000]  }
0x79: {  	s3 =	simm.s32 $0x0;
	s10 =	sor.u32 $0x2000, s13;
	s6 =	sor.u32 $0x2010, s13;
	v3 =	vld [tilespmem:s13+$0x10010]  }
0x7a: {  	s9 =	sor.u32 $0x2020, s13;
	s16 =	sor.u32 $0x2030, s13;
	v0 =	vld [tilespmem:s13+$0x10020];
	s13 =	simm.s32 $0x40  }
.LBB2_4:
0x7b: {  	s17 =	sand.u32 $0x1C00, s11;
	s18 =	sand.u32 $0x380, s14  }
0x7c: {  	s3 =	sadd.s32 $0x4, s3;
	[tilespmem:s16+$0x0] =	vst.add.f32.msk $0xffff, v2;
	s16 =	sand.u32 $0x40, s13;
	s17 =	sor.u32 s18, s17  }
0x7d: {  	p0 =	slt.u32 s3, $0x1FC;
	[tilespmem:s10+$0x0] =	vst.add.f32.msk $0xffff, v1;
	s16 =	sor.u32 s16, s17  }
0x7e: {  	[tilespmem:s6+$0x0] =	vst.add.f32.msk $0xffff, v3;
	s17 =	smov.u32 s9;
	s10 =	sor.u32 $0x2000, s16  }
.Ltmp3:
0x7f: {  	s6 =	sor.u32 $0x2010, s16;
	s9 =	sor.u32 $0x2020, s16;
	v2 =	vld [tilespmem:s16+$0x10030];
	(pc) =	sbr.rel @p0 .LBB2_4-.Ltmp3, $4  }
0x80: {  	v4 =	vmov v0;
	v1 =	vld [tilespmem:s16+$0x10000]  }
0x81: {  	v3 =	vld [tilespmem:s16+$0x10010]  }
0x82: {  	s11 =	sadd.s32 $0x200, s11;
	v0 =	vld [tilespmem:s16+$0x10020]  }
0x83: {  	s13 =	sadd.s32 $0x40, s13;
	s14 =	sadd.s32 $0x8, s14;
	s16 =	sor.u32 $0x2030, s16;
	[tilespmem:s17+$0x0] =	vst.add.f32.msk $0xffff, v4  }
0x84: {  	[tilespmem:s16+$0x0] =	vst.add.f32.msk $0xffff, v2  }
0x85: {  	[tilespmem:s10+$0x0] =	vst.add.f32.msk $0xffff, v1  }
0x86: {  	[tilespmem:s6+$0x0] =	vst.add.f32.msk $0xffff, v3  }
0x87: {  	[tilespmem:s9+$0x0] =	vst.add.f32.msk $0xffff, v0  }
0x88: {  	s3 =	simm.s32 $0x0;
	s18 =	simm.s32 $0x2000;
	s6 =	rddreg [dreg:$0xc]  }
0x89: {  	[hbm4b:s6+s3] =	stream.linear.scatter [tilespmem:s18], [sflag:$0xA], $0x2000, $0x38;
	[tilespmem:$0x14000] =	vst v63  }
0x8a: {  	s22 =	simm.s32 $0x3;
	s20 =	rddreg [dreg:$0xd]  }
0x8b: {  	[tilespmem:s25], [sflag:$0x8] =	stream.linear.gather [hbm4b:s20+s3], $0x2000, $0x38;
	[tilespmem:$0x14000] =	vst v63  }
0x8c: {  	s29 =	sand.u32 $0x1C00, s3;
	s31 =	sand.u32 $0x380, s3;
	_ =	swait.ge [sflag:s22], $0x2000  }
0x8d: {  	s6 =	sor.u32 s31, s29;
	s3 =	sand.u32 $0x40, s3;
	[sflag:s22] =	ssyncset.done $0x0  }
0x8e: {  	s13 =	sor.u32 s3, s6;
	[sflag:s22] =	ssyncadd.s32 $0xFFFFE000  }
0x8f: {  	v2 =	vld [tilespmem:s13+$0x10030]  }
0x90: {  	s11 =	simm.s32 $0x200;
	s14 =	simm.s32 $0x8;
	v1 =	vld [tilespmem:s13+$0x10000]  }
0x91: {  	s3 =	simm.s32 $0x0;
	s10 =	sor.u32 $0x4000, s13;
	s6 =	sor.u32 $0x4010, s13;
	v3 =	vld [tilespmem:s13+$0x10010]  }
0x92: {  	s9 =	sor.u32 $0x4020, s13;
	s16 =	sor.u32 $0x4030, s13;
	v0 =	vld [tilespmem:s13+$0x10020];
	s13 =	simm.s32 $0x40  }
.LBB2_6:
0x93: {  	s17 =	sand.u32 $0x1C00, s11;
	s18 =	sand.u32 $0x380, s14  }
0x94: {  	s3 =	sadd.s32 $0x4, s3;
	[tilespmem:s16+$0x0] =	vst.add.f32.msk $0xffff, v2;
	s16 =	sand.u32 $0x40, s13;
	s17 =	sor.u32 s18, s17  }
0x95: {  	p0 =	slt.u32 s3, $0x1FC;
	[tilespmem:s10+$0x0] =	vst.add.f32.msk $0xffff, v1;
	s16 =	sor.u32 s16, s17  }
0x96: {  	[tilespmem:s6+$0x0] =	vst.add.f32.msk $0xffff, v3;
	s17 =	smov.u32 s9;
	s10 =	sor.u32 $0x4000, s16  }
.Ltmp4:
0x97: {  	s6 =	sor.u32 $0x4010, s16;
	s9 =	sor.u32 $0x4020, s16;
	v2 =	vld [tilespmem:s16+$0x10030];
	(pc) =	sbr.rel @p0 .LBB2_6-.Ltmp4, $4  }
0x98: {  	v4 =	vmov v0;
	v1 =	vld [tilespmem:s16+$0x10000]  }
0x99: {  	v3 =	vld [tilespmem:s16+$0x10010]  }
0x9a: {  	s11 =	sadd.s32 $0x200, s11;
	v0 =	vld [tilespmem:s16+$0x10020]  }
0x9b: {  	s13 =	sadd.s32 $0x40, s13;
	s14 =	sadd.s32 $0x8, s14;
	s16 =	sor.u32 $0x4030, s16;
	[tilespmem:s17+$0x0] =	vst.add.f32.msk $0xffff, v4  }
0x9c: {  	[tilespmem:s16+$0x0] =	vst.add.f32.msk $0xffff, v2  }
0x9d: {  	[tilespmem:s10+$0x0] =	vst.add.f32.msk $0xffff, v1  }
0x9e: {  	[tilespmem:s6+$0x0] =	vst.add.f32.msk $0xffff, v3  }
0x9f: {  	s3 =	simm.s32 $0x0;
	[tilespmem:s9+$0x0] =	vst.add.f32.msk $0xffff, v0  }
0xa0: {  	s17 =	simm.s32 $0x4000;
	s18 =	simm.s32 $0x9;
	s6 =	rddreg [dreg:$0xe]  }
0xa1: {  	[hbm4b:s6+s3] =	stream.linear.scatter [tilespmem:s17], [sflag:$0xB], $0x2000, $0x38;
	[tilespmem:$0x14000] =	vst v63  }
0xa2: {  	_ =	swait.ge [sflag:s18], $0x2000  }
0xa3: {  	[sflag:s18] =	ssyncset.done $0x0  }
0xa4: {  	s22 =	simm.s32 $0x4;
	s20 =	rddreg [dreg:$0xf];
	[sflag:s18] =	ssyncadd.s32 $0xFFFFE000  }
0xa5: {  	[tilespmem:s3], [sflag:$0x1] =	stream.linear.gather [hbm4b:s20+s3], $0x2000, $0x38;
	[tilespmem:$0x14000] =	vst v63  }
0xa6: {  	s29 =	sand.u32 $0x1C00, s3;
	s31 =	sand.u32 $0x380, s3;
	_ =	swait.ge [sflag:s22], $0x2000  }
0xa7: {  	s6 =	sor.u32 s31, s29;
	s3 =	sand.u32 $0x40, s3;
	[sflag:s22] =	ssyncset.done $0x0  }
0xa8: {  	s13 =	sor.u32 s3, s6;
	[sflag:s22] =	ssyncadd.s32 $0xFFFFE000  }
0xa9: {  	v2 =	vld [tilespmem:s13+$0x10030]  }
0xaa: {  	s11 =	simm.s32 $0x200;
	s14 =	simm.s32 $0x8;
	v1 =	vld [tilespmem:s13+$0x10000]  }
0xab: {  	s3 =	simm.s32 $0x0;
	s10 =	sor.u32 $0x6000, s13;
	s6 =	sor.u32 $0x6010, s13;
	v3 =	vld [tilespmem:s13+$0x10010]  }
0xac: {  	s9 =	sor.u32 $0x6020, s13;
	s16 =	sor.u32 $0x6030, s13;
	v0 =	vld [tilespmem:s13+$0x10020];
	s13 =	simm.s32 $0x40  }
.LBB2_8:
0xad: {  	s17 =	sand.u32 $0x1C00, s11;
	s18 =	sand.u32 $0x380, s14  }
0xae: {  	s3 =	sadd.s32 $0x4, s3;
	[tilespmem:s16+$0x0] =	vst.add.f32.msk $0xffff, v2;
	s16 =	sand.u32 $0x40, s13;
	s17 =	sor.u32 s18, s17  }
0xaf: {  	p0 =	slt.u32 s3, $0x1FC;
	[tilespmem:s10+$0x0] =	vst.add.f32.msk $0xffff, v1;
	s16 =	sor.u32 s16, s17  }
0xb0: {  	[tilespmem:s6+$0x0] =	vst.add.f32.msk $0xffff, v3;
	s17 =	smov.u32 s9;
	s10 =	sor.u32 $0x6000, s16  }
.Ltmp5:
0xb1: {  	s6 =	sor.u32 $0x6010, s16;
	s9 =	sor.u32 $0x6020, s16;
	v2 =	vld [tilespmem:s16+$0x10030];
	(pc) =	sbr.rel @p0 .LBB2_8-.Ltmp5, $4  }
0xb2: {  	v4 =	vmov v0;
	v1 =	vld [tilespmem:s16+$0x10000]  }
0xb3: {  	v3 =	vld [tilespmem:s16+$0x10010]  }
0xb4: {  	s11 =	sadd.s32 $0x200, s11;
	v0 =	vld [tilespmem:s16+$0x10020]  }
0xb5: {  	s13 =	sadd.s32 $0x40, s13;
	s14 =	sadd.s32 $0x8, s14;
	s16 =	sor.u32 $0x6030, s16;
	[tilespmem:s17+$0x0] =	vst.add.f32.msk $0xffff, v4  }
0xb6: {  	[tilespmem:s16+$0x0] =	vst.add.f32.msk $0xffff, v2  }
0xb7: {  	[tilespmem:s10+$0x0] =	vst.add.f32.msk $0xffff, v1  }
0xb8: {  	[tilespmem:s6+$0x0] =	vst.add.f32.msk $0xffff, v3  }
0xb9: {  	s3 =	simm.s32 $0x0;
	[tilespmem:s9+$0x0] =	vst.add.f32.msk $0xffff, v0  }
0xba: {  	s16 =	simm.s32 $0x6000;
	s17 =	simm.s32 $0xA;
	s6 =	rddreg [dreg:$0x10]  }
0xbb: {  	[hbm4b:s6+s3] =	stream.linear.scatter [tilespmem:s16], [sflag:$0xC], $0x2000, $0x38;
	[tilespmem:$0x14000] =	vst v63  }
0xbc: {  	_ =	swait.ge [sflag:s17], $0x2000  }
0xbd: {  	[sflag:s17] =	ssyncset.done $0x0  }
0xbe: {  	s20 =	simm.s32 $0x2000;
	s18 =	rddreg [dreg:$0x1a];
	[sflag:s17] =	ssyncadd.s32 $0xFFFFE000  }
0xbf: {  	[tilespmem:s20], [sflag:$0x2] =	stream.linear.gather [hbm4b:s18+s3], $0x2000, $0x38;
	[tilespmem:$0x14000] =	vst v63  }
0xc0: {  	s22 =	rddreg [dreg:$0x11]  }
0xc1: {  	[tilespmem:s19], [sflag:$0x11] =	stream.linear.gather [hbm4b:s22+s3], $0x2000, $0x38;
	[tilespmem:$0x14000] =	vst v63  }
0xc2: {  	_ =	swait.ge [sflag:s2], $0x2000  }
0xc3: {  	[sflag:s2] =	ssyncset.done $0x0  }
0xc4: {  	[sflag:s2] =	ssyncadd.s32 $0xFFFFE000  }
0xc5: {  	s29 =	sand.u32 $0x1C00, s3;
	s31 =	sand.u32 $0x380, s3;
	_ =	swait.ge [sflag:s7], $0x2000  }
0xc6: {  	s6 =	sor.u32 s31, s29;
	s3 =	sand.u32 $0x40, s3;
	[sflag:s7] =	ssyncset.done $0x0  }
0xc7: {  	s13 =	sor.u32 s3, s6;
	[sflag:s7] =	ssyncadd.s32 $0xFFFFE000  }
0xc8: {  	v2 =	vld [tilespmem:s13+$0x12030]  }
0xc9: {  	s11 =	simm.s32 $0x200;
	s14 =	simm.s32 $0x8;
	v1 =	vld [tilespmem:s13+$0x12000]  }
0xca: {  	s3 =	simm.s32 $0x0;
	s10 =	sor.u32 $0x8000, s13;
	s6 =	sor.u32 $0x8010, s13;
	v3 =	vld [tilespmem:s13+$0x12010]  }
0xcb: {  	s9 =	sor.u32 $0x8020, s13;
	s16 =	sor.u32 $0x8030, s13;
	v0 =	vld [tilespmem:s13+$0x12020];
	s13 =	simm.s32 $0x40  }
.LBB2_10:
0xcc: {  	s17 =	sand.u32 $0x1C00, s11;
	s18 =	sand.u32 $0x380, s14  }
0xcd: {  	s3 =	sadd.s32 $0x4, s3;
	[tilespmem:s16+$0x0] =	vst.add.f32.msk $0xffff, v2;
	s16 =	sand.u32 $0x40, s13;
	s17 =	sor.u32 s18, s17  }
0xce: {  	p0 =	slt.u32 s3, $0x1FC;
	[tilespmem:s10+$0x0] =	vst.add.f32.msk $0xffff, v1;
	s16 =	sor.u32 s16, s17  }
0xcf: {  	[tilespmem:s6+$0x0] =	vst.add.f32.msk $0xffff, v3;
	s17 =	smov.u32 s9;
	s10 =	sor.u32 $0x8000, s16  }
.Ltmp6:
0xd0: {  	s6 =	sor.u32 $0x8010, s16;
	s9 =	sor.u32 $0x8020, s16;
	v2 =	vld [tilespmem:s16+$0x12030];
	(pc) =	sbr.rel @p0 .LBB2_10-.Ltmp6, $4  }
0xd1: {  	v4 =	vmov v0;
	v1 =	vld [tilespmem:s16+$0x12000]  }
0xd2: {  	v3 =	vld [tilespmem:s16+$0x12010]  }
0xd3: {  	s11 =	sadd.s32 $0x200, s11;
	v0 =	vld [tilespmem:s16+$0x12020]  }
0xd4: {  	s13 =	sadd.s32 $0x40, s13;
	s14 =	sadd.s32 $0x8, s14;
	s16 =	sor.u32 $0x8030, s16;
	[tilespmem:s17+$0x0] =	vst.add.f32.msk $0xffff, v4  }
0xd5: {  	[tilespmem:s16+$0x0] =	vst.add.f32.msk $0xffff, v2  }
0xd6: {  	[tilespmem:s10+$0x0] =	vst.add.f32.msk $0xffff, v1  }
0xd7: {  	[tilespmem:s6+$0x0] =	vst.add.f32.msk $0xffff, v3  }
0xd8: {  	s3 =	simm.s32 $0x0;
	[tilespmem:s9+$0x0] =	vst.add.f32.msk $0xffff, v0  }
0xd9: {  	s18 =	simm.s32 $0x8000;
	s19 =	simm.s32 $0xB;
	s6 =	rddreg [dreg:$0x12]  }
0xda: {  	[hbm4b:s6+s3] =	stream.linear.scatter [tilespmem:s18], [sflag:$0xD], $0x2000, $0x38;
	[tilespmem:$0x14000] =	vst v63  }
0xdb: {  	_ =	swait.ge [sflag:s19], $0x2000  }
0xdc: {  	[sflag:s19] =	ssyncset.done $0x0  }
0xdd: {  	s22 =	simm.s32 $0x4000;
	s20 =	rddreg [dreg:$0x1c];
	[sflag:s19] =	ssyncadd.s32 $0xFFFFE000  }
0xde: {  	[tilespmem:s22], [sflag:$0x3] =	stream.linear.gather [hbm4b:s20+s3], $0x2000, $0x38;
	[tilespmem:$0x14000] =	vst v63  }
0xdf: {  	s29 =	sand.u32 $0x1C00, s3;
	s31 =	sand.u32 $0x380, s3;
	_ =	swait.ge [sflag:s26], $0x2000  }
0xe0: {  	s6 =	sor.u32 s31, s29;
	s3 =	sand.u32 $0x40, s3;
	[sflag:s26] =	ssyncset.done $0x0  }
0xe1: {  	s13 =	sor.u32 s3, s6;
	[sflag:s26] =	ssyncadd.s32 $0xFFFFE000  }
0xe2: {  	v2 =	vld [tilespmem:s13+$0x12030]  }
0xe3: {  	s11 =	simm.s32 $0x200;
	s14 =	simm.s32 $0x8;
	v1 =	vld [tilespmem:s13+$0x12000]  }
0xe4: {  	s3 =	simm.s32 $0x0;
	s10 =	sor.u32 $0xA000, s13;
	s6 =	sor.u32 $0xA010, s13;
	v3 =	vld [tilespmem:s13+$0x12010]  }
0xe5: {  	s9 =	sor.u32 $0xA020, s13;
	s16 =	sor.u32 $0xA030, s13;
	v0 =	vld [tilespmem:s13+$0x12020];
	s13 =	simm.s32 $0x40  }
.LBB2_12:
0xe6: {  	s17 =	sand.u32 $0x1C00, s11;
	s18 =	sand.u32 $0x380, s14  }
0xe7: {  	s3 =	sadd.s32 $0x4, s3;
	[tilespmem:s16+$0x0] =	vst.add.f32.msk $0xffff, v2;
	s16 =	sand.u32 $0x40, s13;
	s17 =	sor.u32 s18, s17  }
0xe8: {  	p0 =	slt.u32 s3, $0x1FC;
	[tilespmem:s10+$0x0] =	vst.add.f32.msk $0xffff, v1;
	s16 =	sor.u32 s16, s17  }
0xe9: {  	[tilespmem:s6+$0x0] =	vst.add.f32.msk $0xffff, v3;
	s17 =	smov.u32 s9;
	s10 =	sor.u32 $0xA000, s16  }
.Ltmp7:
0xea: {  	s6 =	sor.u32 $0xA010, s16;
	s9 =	sor.u32 $0xA020, s16;
	v2 =	vld [tilespmem:s16+$0x12030];
	(pc) =	sbr.rel @p0 .LBB2_12-.Ltmp7, $4  }
0xeb: {  	v4 =	vmov v0;
	v1 =	vld [tilespmem:s16+$0x12000]  }
0xec: {  	v3 =	vld [tilespmem:s16+$0x12010]  }
0xed: {  	s11 =	sadd.s32 $0x200, s11;
	v0 =	vld [tilespmem:s16+$0x12020]  }
0xee: {  	s13 =	sadd.s32 $0x40, s13;
	s14 =	sadd.s32 $0x8, s14;
	s16 =	sor.u32 $0xA030, s16;
	[tilespmem:s17+$0x0] =	vst.add.f32.msk $0xffff, v4  }
0xef: {  	[tilespmem:s16+$0x0] =	vst.add.f32.msk $0xffff, v2  }
0xf0: {  	[tilespmem:s10+$0x0] =	vst.add.f32.msk $0xffff, v1  }
0xf1: {  	[tilespmem:s6+$0x0] =	vst.add.f32.msk $0xffff, v3  }
0xf2: {  	[tilespmem:s9+$0x0] =	vst.add.f32.msk $0xffff, v0  }
0xf3: {  	s3 =	simm.s32 $0x0;
	s19 =	simm.s32 $0xC;
	s6 =	rddreg [dreg:$0x13]  }
0xf4: {  	[hbm4b:s6+s3] =	stream.linear.scatter [tilespmem:s24], [sflag:$0xE], $0x2000, $0x38;
	[tilespmem:$0x14000] =	vst v63  }
0xf5: {  	_ =	swait.ge [sflag:s19], $0x2000  }
0xf6: {  	[sflag:s19] =	ssyncset.done $0x0  }
0xf7: {  	s22 =	simm.s32 $0x6000;
	s20 =	rddreg [dreg:$0x1d];
	[sflag:s19] =	ssyncadd.s32 $0xFFFFE000  }
0xf8: {  	[tilespmem:s22], [sflag:$0x4] =	stream.linear.gather [hbm4b:s20+s3], $0x2000, $0x38;
	[tilespmem:$0x14000] =	vst v63  }
0xf9: {  	s29 =	sand.u32 $0x1C00, s3;
	s31 =	sand.u32 $0x380, s3;
	_ =	swait.ge [sflag:s0], $0x2000  }
0xfa: {  	s6 =	sor.u32 s31, s29;
	s3 =	sand.u32 $0x40, s3;
	[sflag:s0] =	ssyncset.done $0x0  }
0xfb: {  	s13 =	sor.u32 s3, s6;
	[sflag:s0] =	ssyncadd.s32 $0xFFFFE000  }
0xfc: {  	v2 =	vld [tilespmem:s13+$0x12030]  }
0xfd: {  	s11 =	simm.s32 $0x200;
	s14 =	simm.s32 $0x8;
	v1 =	vld [tilespmem:s13+$0x12000]  }
0xfe: {  	s3 =	simm.s32 $0x0;
	s10 =	sor.u32 $0xC000, s13;
	s6 =	sor.u32 $0xC010, s13;
	v3 =	vld [tilespmem:s13+$0x12010]  }
0xff: {  	s9 =	sor.u32 $0xC020, s13;
	s16 =	sor.u32 $0xC030, s13;
	v0 =	vld [tilespmem:s13+$0x12020];
	s13 =	simm.s32 $0x40  }
.LBB2_14:
0x100: {  	s17 =	sand.u32 $0x1C00, s11;
	s18 =	sand.u32 $0x380, s14  }
0x101: {  	s3 =	sadd.s32 $0x4, s3;
	[tilespmem:s16+$0x0] =	vst.add.f32.msk $0xffff, v2;
	s16 =	sand.u32 $0x40, s13;
	s17 =	sor.u32 s18, s17  }
0x102: {  	p0 =	slt.u32 s3, $0x1FC;
	[tilespmem:s10+$0x0] =	vst.add.f32.msk $0xffff, v1;
	s16 =	sor.u32 s16, s17  }
0x103: {  	[tilespmem:s6+$0x0] =	vst.add.f32.msk $0xffff, v3;
	s17 =	smov.u32 s9;
	s10 =	sor.u32 $0xC000, s16  }
.Ltmp8:
0x104: {  	s6 =	sor.u32 $0xC010, s16;
	s9 =	sor.u32 $0xC020, s16;
	v2 =	vld [tilespmem:s16+$0x12030];
	(pc) =	sbr.rel @p0 .LBB2_14-.Ltmp8, $4  }
0x105: {  	v4 =	vmov v0;
	v1 =	vld [tilespmem:s16+$0x12000]  }
0x106: {  	v3 =	vld [tilespmem:s16+$0x12010]  }
0x107: {  	s11 =	sadd.s32 $0x200, s11;
	v0 =	vld [tilespmem:s16+$0x12020]  }
0x108: {  	s13 =	sadd.s32 $0x40, s13;
	s14 =	sadd.s32 $0x8, s14;
	s16 =	sor.u32 $0xC030, s16;
	[tilespmem:s17+$0x0] =	vst.add.f32.msk $0xffff, v4  }
0x109: {  	[tilespmem:s16+$0x0] =	vst.add.f32.msk $0xffff, v2  }
0x10a: {  	[tilespmem:s10+$0x0] =	vst.add.f32.msk $0xffff, v1  }
0x10b: {  	[tilespmem:s6+$0x0] =	vst.add.f32.msk $0xffff, v3  }
0x10c: {  	[tilespmem:s9+$0x0] =	vst.add.f32.msk $0xffff, v0  }
0x10d: {  	s3 =	simm.s32 $0x0;
	s19 =	simm.s32 $0xD;
	s6 =	rddreg [dreg:$0x14]  }
0x10e: {  	[hbm4b:s6+s3] =	stream.linear.scatter [tilespmem:s23], [sflag:$0xF], $0x2000, $0x38;
	[tilespmem:$0x14000] =	vst v63  }
0x10f: {  	_ =	swait.ge [sflag:s19], $0x2000  }
0x110: {  	[sflag:s19] =	ssyncset.done $0x0  }
0x111: {  	s22 =	simm.s32 $0x8000;
	s20 =	rddreg [dreg:$0x16];
	[sflag:s19] =	ssyncadd.s32 $0xFFFFE000  }
0x112: {  	[tilespmem:s22], [sflag:$0x5] =	stream.linear.gather [hbm4b:s20+s3], $0x2000, $0x38;
	[tilespmem:$0x14000] =	vst v63  }
0x113: {  	s29 =	sand.u32 $0x1C00, s3;
	s31 =	sand.u32 $0x380, s3;
	_ =	swait.ge [sflag:s30], $0x2000  }
0x114: {  	s6 =	sor.u32 s31, s29;
	s3 =	sand.u32 $0x40, s3;
	[sflag:s30] =	ssyncset.done $0x0  }
0x115: {  	s13 =	sor.u32 s3, s6;
	[sflag:s30] =	ssyncadd.s32 $0xFFFFE000  }
0x116: {  	v2 =	vld [tilespmem:s13+$0x12030]  }
0x117: {  	s11 =	simm.s32 $0x200;
	s14 =	simm.s32 $0x8;
	v1 =	vld [tilespmem:s13+$0x12000]  }
0x118: {  	s3 =	simm.s32 $0x0;
	s10 =	sor.u32 $0xE000, s13;
	s6 =	sor.u32 $0xE010, s13;
	v3 =	vld [tilespmem:s13+$0x12010]  }
0x119: {  	s9 =	sor.u32 $0xE020, s13;
	s16 =	sor.u32 $0xE030, s13;
	v0 =	vld [tilespmem:s13+$0x12020];
	s13 =	simm.s32 $0x40  }
.LBB2_16:
0x11a: {  	s17 =	sand.u32 $0x1C00, s11;
	s18 =	sand.u32 $0x380, s14  }
0x11b: {  	s3 =	sadd.s32 $0x4, s3;
	[tilespmem:s16+$0x0] =	vst.add.f32.msk $0xffff, v2;
	s16 =	sand.u32 $0x40, s13;
	s17 =	sor.u32 s18, s17  }
0x11c: {  	p0 =	slt.u32 s3, $0x1FC;
	[tilespmem:s10+$0x0] =	vst.add.f32.msk $0xffff, v1;
	s16 =	sor.u32 s16, s17  }
0x11d: {  	[tilespmem:s6+$0x0] =	vst.add.f32.msk $0xffff, v3;
	s17 =	smov.u32 s9;
	s10 =	sor.u32 $0xE000, s16  }
.Ltmp9:
0x11e: {  	s6 =	sor.u32 $0xE010, s16;
	s9 =	sor.u32 $0xE020, s16;
	v2 =	vld [tilespmem:s16+$0x12030];
	(pc) =	sbr.rel @p0 .LBB2_16-.Ltmp9, $4  }
0x11f: {  	v4 =	vmov v0;
	v1 =	vld [tilespmem:s16+$0x12000]  }
0x120: {  	v3 =	vld [tilespmem:s16+$0x12010]  }
0x121: {  	s11 =	sadd.s32 $0x200, s11;
	v0 =	vld [tilespmem:s16+$0x12020]  }
0x122: {  	s13 =	sadd.s32 $0x40, s13;
	s14 =	sadd.s32 $0x8, s14;
	s16 =	sor.u32 $0xE030, s16;
	[tilespmem:s17+$0x0] =	vst.add.f32.msk $0xffff, v4  }
0x123: {  	[tilespmem:s16+$0x0] =	vst.add.f32.msk $0xffff, v2  }
0x124: {  	[tilespmem:s10+$0x0] =	vst.add.f32.msk $0xffff, v1  }
0x125: {  	[tilespmem:s6+$0x0] =	vst.add.f32.msk $0xffff, v3  }
0x126: {  	[tilespmem:s9+$0x0] =	vst.add.f32.msk $0xffff, v0  }
0x127: {  	s3 =	rddreg [dreg:$0x15]  }
0x128: {  	[hbm4b:s3+s5] =	stream.linear.scatter [tilespmem:s25], [sflag:$0x10], $0x2000, $0x38;
	[tilespmem:$0x14000] =	vst v63  }
0x129: {  	_ =	swait.ge [sflag:s8], $0x2000  }
0x12a: {  	[sflag:s8] =	ssyncset.done $0x0  }
0x12b: {  	s22 =	rddreg [dreg:$0x1f];
	[sflag:s8] =	ssyncadd.s32 $0xFFFFE000  }
0x12c: {  	[tilespmem:s24], [sflag:$0x6] =	stream.linear.gather [hbm4b:s22+s5], $0x2000, $0x38;
	[tilespmem:$0x14000] =	vst v63  }
0x12d: {  	s31 =	simm.s32 $0x12000;
	s16 =	simm.s32 $0x1;
	s29 =	rddreg [dreg:$0x17]  }
0x12e: {  	[tilespmem:s31], [sflag:$0x12] =	stream.linear.gather [hbm4b:s29+s5], $0x2000, $0x38;
	[tilespmem:$0x14000] =	vst v63  }
.LBB2_18:
0x12f: {  	s3 =	simm.s32 $0x11  }
0x130: {  	_ =	swait.ge [sflag:s3], $0x2000  }
0x131: {  	[sflag:s3] =	ssyncset.done $0x0  }
0x132: {  	s31 =	simm.s32 $0x0;
	s10 =	simm.s32 $0x1;
	[sflag:s3] =	ssyncadd.s32 $0xFFFFE000  }
0x133: {  	s6 =	sand.u32 $0x1C00, s31;
	s9 =	sand.u32 $0x380, s31;
	_ =	swait.ge [sflag:s10], $0x2000  }
0x134: {  	s6 =	sor.u32 s9, s6;
	s3 =	sand.u32 $0x40, s31;
	[sflag:s10] =	ssyncset.done $0x0  }
0x135: {  	s3 =	sor.u32 s3, s6;
	[sflag:s10] =	ssyncadd.s32 $0xFFFFE000  }
0x136: {  	v3 =	vld [tilespmem:s3+$0x10030]  }
0x137: {  	v1 =	vld [tilespmem:s3+$0x10000]  }
0x138: {  	s11 =	simm.s32 $0x200;
	v2 =	vld [tilespmem:s3+$0x10010]  }
0x139: {  	s13 =	simm.s32 $0x40;
	s14 =	simm.s32 $0x8;
	s9 =	simm.s32 $0x0;
	v0 =	vld [tilespmem:s3+$0x10020]  }
0x13a: {  	s6 =	sor.u32 $0x20, s3;
	s17 =	sor.u32 $0x30, s3;
	s10 =	sor.u32 $0x10, s3  }
.LBB2_19:
0x13b: {  	s18 =	sand.u32 $0x1C00, s11;
	s19 =	sand.u32 $0x380, s14;
	s9 =	sadd.s32 $0x4, s9;
	[tilespmem:s17+$0x0] =	vst.add.f32.msk $0xffff, v3  }
0x13c: {  	s17 =	sand.u32 $0x40, s13;
	s18 =	sor.u32 s19, s18;
	p0 =	slt.u32 s9, $0x1FC;
	[tilespmem:s3+$0x0] =	vst.add.f32.msk $0xffff, v1  }
0x13d: {  	s3 =	sor.u32 s17, s18;
	[tilespmem:s10+$0x0] =	vst.add.f32.msk $0xffff, v2;
	s18 =	smov.u32 s6  }
.Ltmp10:
0x13e: {  	s10 =	sor.u32 $0x10, s3;
	s6 =	sor.u32 $0x20, s3;
	v3 =	vld [tilespmem:s3+$0x10030];
	v4 =	vmov v0;
	(pc) =	sbr.rel @p0 .LBB2_19-.Ltmp10, $4  }
0x13f: {  	v1 =	vld [tilespmem:s3+$0x10000]  }
0x140: {  	v2 =	vld [tilespmem:s3+$0x10010]  }
0x141: {  	s11 =	sadd.s32 $0x200, s11;
	v0 =	vld [tilespmem:s3+$0x10020]  }
0x142: {  	s13 =	sadd.s32 $0x40, s13;
	s14 =	sadd.s32 $0x8, s14;
	s17 =	sor.u32 $0x30, s3;
	[tilespmem:s18+$0x0] =	vst.add.f32.msk $0xffff, v4  }
0x143: {  	[tilespmem:s17+$0x0] =	vst.add.f32.msk $0xffff, v3  }
0x144: {  	[tilespmem:s3+$0x0] =	vst.add.f32.msk $0xffff, v1  }
0x145: {  	[tilespmem:s10+$0x0] =	vst.add.f32.msk $0xffff, v2  }
0x146: {  	s22 =	sshll.u32 s16, $0xB;
	s9 =	rddreg [dreg:$0x4]  }
0x147: {  	s17 =	sshll.u32 s16, $0x1;
	s10 =	sadd.s32 s9, s22  }
0x148: {  	s24 =	simm.s32 $0x0;
	s29 =	sor.u32 s17, s28;
	[tilespmem:s6+$0x0] =	vst.add.f32.msk $0xffff, v0;
	s3 =	sadd.s32 s4, s10  }
0x149: {  	[hbm4b:s3+s24] =	stream.linear.scatter [tilespmem:s24], [sflag:$0x9], $0x2000, $0x38;
	[tilespmem:$0x14000] =	vst v63  }
0x14a: {  	s6 =	sshll.u32 s29, $0xA;
	_ =	swait.ge [sflag:s21], $0x2000  }
0x14b: {  	s3 =	sor.u32 $0x200400, s6;
	[sflag:s21] =	ssyncset.done $0x0  }
0x14c: {  	s14 =	simm.s32 $0x2;
	s11 =	sadd.s32 s1, s3;
	[sflag:s21] =	ssyncadd.s32 $0xFFFFE000  }
0x14d: {  	[tilespmem:s23], [sflag:$0x7] =	stream.linear.gather [hbm4b:s11+s24], $0x2000, $0x38;
	[tilespmem:$0x14000] =	vst v63  }
0x14e: {  	s31 =	sand.u32 $0x1C00, s24;
	s13 =	sand.u32 $0x380, s24;
	_ =	swait.ge [sflag:s14], $0x2000  }
0x14f: {  	s9 =	sand.u32 $0x40, s24;
	s11 =	sor.u32 s13, s31;
	[sflag:s14] =	ssyncset.done $0x0  }
0x150: {  	s19 =	sor.u32 s9, s11;
	[sflag:s14] =	ssyncadd.s32 $0xFFFFE000  }
0x151: {  	v2 =	vld [tilespmem:s19+$0x10030]  }
0x152: {  	s18 =	simm.s32 $0x200;
	s20 =	simm.s32 $0x8;
	v1 =	vld [tilespmem:s19+$0x10000]  }
0x153: {  	s9 =	simm.s32 $0x0;
	s11 =	sor.u32 $0x2010, s19;
	s13 =	sor.u32 $0x2020, s19;
	v3 =	vld [tilespmem:s19+$0x10010]  }
0x154: {  	s22 =	sor.u32 $0x2030, s19;
	s14 =	sor.u32 $0x2000, s19;
	v0 =	vld [tilespmem:s19+$0x10020];
	s19 =	simm.s32 $0x40  }
.LBB2_21:
0x155: {  	s23 =	sand.u32 $0x1C00, s18;
	s24 =	sand.u32 $0x380, s20  }
0x156: {  	s9 =	sadd.s32 $0x4, s9;
	[tilespmem:s22+$0x0] =	vst.add.f32.msk $0xffff, v2;
	s22 =	sand.u32 $0x40, s19;
	s23 =	sor.u32 s24, s23  }
0x157: {  	p0 =	slt.u32 s9, $0x1FC;
	[tilespmem:s14+$0x0] =	vst.add.f32.msk $0xffff, v1;
	s22 =	sor.u32 s22, s23  }
0x158: {  	[tilespmem:s11+$0x0] =	vst.add.f32.msk $0xffff, v3;
	s23 =	smov.u32 s13;
	s14 =	sor.u32 $0x2000, s22  }
.Ltmp11:
0x159: {  	s11 =	sor.u32 $0x2010, s22;
	s13 =	sor.u32 $0x2020, s22;
	v2 =	vld [tilespmem:s22+$0x10030];
	(pc) =	sbr.rel @p0 .LBB2_21-.Ltmp11, $4  }
0x15a: {  	v4 =	vmov v0;
	v1 =	vld [tilespmem:s22+$0x10000]  }
0x15b: {  	v3 =	vld [tilespmem:s22+$0x10010]  }
0x15c: {  	s18 =	sadd.s32 $0x200, s18;
	v0 =	vld [tilespmem:s22+$0x10020]  }
0x15d: {  	s19 =	sadd.s32 $0x40, s19;
	s20 =	sadd.s32 $0x8, s20;
	s22 =	sor.u32 $0x2030, s22;
	[tilespmem:s23+$0x0] =	vst.add.f32.msk $0xffff, v4  }
0x15e: {  	[tilespmem:s22+$0x0] =	vst.add.f32.msk $0xffff, v2  }
0x15f: {  	[tilespmem:s14+$0x0] =	vst.add.f32.msk $0xffff, v1  }
0x160: {  	[tilespmem:s11+$0x0] =	vst.add.f32.msk $0xffff, v3  }
0x161: {  	[tilespmem:s13+$0x0] =	vst.add.f32.msk $0xffff, v0  }
0x162: {  	s9 =	sld [smem:$0x7F9];
	_ =	sdelay $0x2  }
0x163: {  	s22 =	simm.s32 $0x0;
	s23 =	simm.s32 $0x2000;
	s9 =	sadd.s32 s10, s9  }
0x164: {  	[hbm4b:s9+s22] =	stream.linear.scatter [tilespmem:s23], [sflag:$0xA], $0x2000, $0x38;
	[tilespmem:$0x14000] =	vst v63  }
0x165: {  	_ =	swait.ge [sflag:s15], $0x2000  }
0x166: {  	s18 =	sor.u32 $0x300400, s6;
	[sflag:s15] =	ssyncset.done $0x0  }
0x167: {  	s24 =	sadd.s32 s1, s18;
	[sflag:s15] =	ssyncadd.s32 $0xFFFFE000  }
0x168: {  	[tilespmem:s25], [sflag:$0x8] =	stream.linear.gather [hbm4b:s24+s22], $0x2000, $0x38;
	[tilespmem:$0x14000] =	vst v63  }
0x169: {  	s25 =	simm.s32 $0x3  }
0x16a: {  	s29 =	sand.u32 $0x1C00, s22;
	s31 =	sand.u32 $0x380, s22;
	_ =	swait.ge [sflag:s25], $0x2000  }
0x16b: {  	s11 =	sand.u32 $0x40, s22;
	s9 =	sor.u32 s31, s29;
	[sflag:s25] =	ssyncset.done $0x0  }
0x16c: {  	s20 =	sor.u32 s11, s9;
	[sflag:s25] =	ssyncadd.s32 $0xFFFFE000  }
0x16d: {  	v2 =	vld [tilespmem:s20+$0x10030]  }
0x16e: {  	s19 =	simm.s32 $0x200;
	s9 =	simm.s32 $0x0;
	v1 =	vld [tilespmem:s20+$0x10000]  }
0x16f: {  	s14 =	sor.u32 $0x4000, s20;
	s11 =	sor.u32 $0x4010, s20;
	s13 =	sor.u32 $0x4020, s20;
	v3 =	vld [tilespmem:s20+$0x10010]  }
0x170: {  	s23 =	sor.u32 $0x4030, s20;
	s22 =	simm.s32 $0x8;
	v0 =	vld [tilespmem:s20+$0x10020];
	s20 =	simm.s32 $0x40  }
.LBB2_23:
0x171: {  	s24 =	sand.u32 $0x1C00, s19;
	s25 =	sand.u32 $0x380, s22  }
0x172: {  	s9 =	sadd.s32 $0x4, s9;
	[tilespmem:s23+$0x0] =	vst.add.f32.msk $0xffff, v2;
	s23 =	sand.u32 $0x40, s20;
	s24 =	sor.u32 s25, s24  }
0x173: {  	p0 =	slt.u32 s9, $0x1FC;
	[tilespmem:s14+$0x0] =	vst.add.f32.msk $0xffff, v1;
	s23 =	sor.u32 s23, s24  }
0x174: {  	[tilespmem:s11+$0x0] =	vst.add.f32.msk $0xffff, v3;
	s24 =	smov.u32 s13;
	s14 =	sor.u32 $0x4000, s23  }
.Ltmp12:
0x175: {  	s11 =	sor.u32 $0x4010, s23;
	s13 =	sor.u32 $0x4020, s23;
	v2 =	vld [tilespmem:s23+$0x10030];
	(pc) =	sbr.rel @p0 .LBB2_23-.Ltmp12, $4  }
0x176: {  	v4 =	vmov v0;
	v1 =	vld [tilespmem:s23+$0x10000]  }
0x177: {  	v3 =	vld [tilespmem:s23+$0x10010]  }
0x178: {  	s19 =	sadd.s32 $0x200, s19;
	v0 =	vld [tilespmem:s23+$0x10020]  }
0x179: {  	s20 =	sadd.s32 $0x40, s20;
	s22 =	sadd.s32 $0x8, s22;
	s23 =	sor.u32 $0x4030, s23;
	[tilespmem:s24+$0x0] =	vst.add.f32.msk $0xffff, v4  }
0x17a: {  	[tilespmem:s23+$0x0] =	vst.add.f32.msk $0xffff, v2  }
0x17b: {  	[tilespmem:s14+$0x0] =	vst.add.f32.msk $0xffff, v1  }
0x17c: {  	[tilespmem:s11+$0x0] =	vst.add.f32.msk $0xffff, v3  }
0x17d: {  	[tilespmem:s13+$0x0] =	vst.add.f32.msk $0xffff, v0  }
0x17e: {  	s9 =	sld [smem:$0x7FA];
	_ =	sdelay $0x2  }
0x17f: {  	s24 =	simm.s32 $0x4000;
	s9 =	sadd.s32 s10, s9  }
0x180: {  	[hbm4b:s9+s5] =	stream.linear.scatter [tilespmem:s24], [sflag:$0xB], $0x2000, $0x38;
	[tilespmem:$0x14000] =	vst v63  }
0x181: {  	p0 =	seq.s32 s16, $0xF;
	s9 =	sadd.s32 $0x2, s17  }
0x182: {  	s11 =	simm.s32 @!p0 $0x9;
	s9 =	sadd.s32 @!p0 s28, s9  }
0x183: {  	s25 =	simm.s32 $0x0;
	_ =	swait.ge @!p0 [sflag:s11], $0x2000;
	s9 =	sshll.u32 @!p0 s9, $0xA  }
0x184: {  	s19 =	simm.s32 $0x4;
	[sflag:s11] =	ssyncset.done @!p0 $0x0;
	s13 =	sand.u32 @!p0 $0x1FFFF800, s9  }
0x185: {  	[sflag:s11] =	ssyncadd.s32 @!p0 $0xFFFFE000;
	s11 =	sadd.s32 @!p0 s1, s13;
	s13 =	simm.s32 @!p0 $0x0  }
0x186: {  	[tilespmem:s13], [sflag:$0x1] =	stream.linear.gather @!p0 [hbm4b:s11+s13], $0x2000, $0x38;
	[tilespmem:$0x14000] =	vst v63  }
0x187: {  	s29 =	sand.u32 $0x1C00, s25;
	s31 =	sand.u32 $0x380, s25;
	_ =	swait.ge [sflag:s19], $0x2000  }
0x188: {  	s11 =	sand.u32 $0x40, s25;
	s13 =	sor.u32 s31, s29;
	[sflag:s19] =	ssyncset.done $0x0  }
0x189: {  	s22 =	sor.u32 s11, s13;
	[sflag:s19] =	ssyncadd.s32 $0xFFFFE000  }
0x18a: {  	v1 =	vld [tilespmem:s22+$0x10030]  }
0x18b: {  	s20 =	simm.s32 $0x200;
	s23 =	simm.s32 $0x8;
	s11 =	sor.u32 $0x400, s6;
	v2 =	vld [tilespmem:s22+$0x10000]  }
0x18c: {  	s13 =	simm.s32 $0x0;
	s24 =	sor.u32 $0x6000, s22;
	s14 =	sor.u32 $0x6010, s22;
	v3 =	vld [tilespmem:s22+$0x10010]  }
0x18d: {  	s25 =	sor.u32 $0x6030, s22;
	s19 =	sor.u32 $0x6020, s22;
	v0 =	vld [tilespmem:s22+$0x10020];
	s22 =	simm.s32 $0x40  }
.LBB2_25:
0x18e: {  	s29 =	sand.u32 $0x1C00, s20;
	s31 =	sand.u32 $0x380, s23  }
0x18f: {  	s13 =	sadd.s32 $0x4, s13;
	[tilespmem:s25+$0x0] =	vst.add.f32.msk $0xffff, v1;
	s25 =	sand.u32 $0x40, s22;
	s29 =	sor.u32 s31, s29  }
0x190: {  	p1 =	slt.u32 s13, $0x1FC;
	[tilespmem:s24+$0x0] =	vst.add.f32.msk $0xffff, v2;
	s25 =	sor.u32 s25, s29  }
0x191: {  	[tilespmem:s14+$0x0] =	vst.add.f32.msk $0xffff, v3;
	s29 =	smov.u32 s19;
	s24 =	sor.u32 $0x6000, s25  }
.Ltmp13:
0x192: {  	s14 =	sor.u32 $0x6010, s25;
	s19 =	sor.u32 $0x6020, s25;
	v1 =	vld [tilespmem:s25+$0x10030];
	(pc) =	sbr.rel @p1 .LBB2_25-.Ltmp13, $4  }
0x193: {  	v4 =	vmov v0;
	v2 =	vld [tilespmem:s25+$0x10000]  }
0x194: {  	v3 =	vld [tilespmem:s25+$0x10010]  }
0x195: {  	s20 =	sadd.s32 $0x200, s20;
	v0 =	vld [tilespmem:s25+$0x10020]  }
0x196: {  	s22 =	sadd.s32 $0x40, s22;
	s23 =	sadd.s32 $0x8, s23;
	s25 =	sor.u32 $0x6030, s25;
	[tilespmem:s29+$0x0] =	vst.add.f32.msk $0xffff, v4  }
0x197: {  	[tilespmem:s25+$0x0] =	vst.add.f32.msk $0xffff, v1  }
0x198: {  	[tilespmem:s24+$0x0] =	vst.add.f32.msk $0xffff, v2  }
0x199: {  	[tilespmem:s14+$0x0] =	vst.add.f32.msk $0xffff, v3  }
0x19a: {  	[tilespmem:s19+$0x0] =	vst.add.f32.msk $0xffff, v0  }
0x19b: {  	s13 =	sld [smem:$0x7FB];
	_ =	sdelay $0x2  }
0x19c: {  	s24 =	simm.s32 $0x6000;
	s10 =	sadd.s32 s10, s13  }
0x19d: {  	[hbm4b:s10+s5] =	stream.linear.scatter [tilespmem:s24], [sflag:$0xC], $0x2000, $0x38;
	[tilespmem:$0x14000] =	vst v63  }
0x19e: {  	s10 =	simm.s32 @!p0 $0xA  }
0x19f: {  	_ =	swait.ge @!p0 [sflag:s10], $0x2000  }
0x1a0: {  	s14 =	simm.s32 @!p0 $0x2000;
	[sflag:s10] =	ssyncset.done @!p0 $0x0  }
0x1a1: {  	s13 =	simm.s32 @!p0 $0x0;
	[sflag:s10] =	ssyncadd.s32 @!p0 $0xFFFFE000;
	s10 =	sadd.s32 @!p0 s9, s12  }
0x1a2: {  	[tilespmem:s14], [sflag:$0x2] =	stream.linear.gather @!p0 [hbm4b:s10+s13], $0x2000, $0x38;
	[tilespmem:$0x14000] =	vst v63  }
0x1a3: {  	s10 =	rddreg [dreg:$0x1]  }
0x1a4: {  	s14 =	simm.s32 @!p0 $0x10000;
	s10 =	sadd.s32 @!p0 s10, s9  }
0x1a5: {  	[tilespmem:s14], [sflag:$0x11] =	stream.linear.gather @!p0 [hbm4b:s10+s13], $0x2000, $0x38;
	[tilespmem:$0x14000] =	vst v63  }
0x1a6: {  	_ =	swait.ge [sflag:s2], $0x2000  }
0x1a7: {  	[sflag:s2] =	ssyncset.done $0x0  }
0x1a8: {  	s25 =	simm.s32 $0x0;
	[sflag:s2] =	ssyncadd.s32 $0xFFFFE000  }
0x1a9: {  	s29 =	sand.u32 $0x1C00, s25;
	s31 =	sand.u32 $0x380, s25;
	_ =	swait.ge [sflag:s7], $0x2000  }
0x1aa: {  	s10 =	sand.u32 $0x40, s25;
	s13 =	sor.u32 s31, s29;
	[sflag:s7] =	ssyncset.done $0x0  }
0x1ab: {  	s22 =	sor.u32 s10, s13;
	[sflag:s7] =	ssyncadd.s32 $0xFFFFE000  }
0x1ac: {  	v2 =	vld [tilespmem:s22+$0x12030]  }
0x1ad: {  	s20 =	simm.s32 $0x200;
	s23 =	simm.s32 $0x8;
	v1 =	vld [tilespmem:s22+$0x12000]  }
0x1ae: {  	s10 =	simm.s32 $0x0;
	s19 =	sor.u32 $0x8000, s22;
	s13 =	sor.u32 $0x8010, s22;
	v3 =	vld [tilespmem:s22+$0x12010]  }
0x1af: {  	s14 =	sor.u32 $0x8020, s22;
	s24 =	sor.u32 $0x8030, s22;
	v0 =	vld [tilespmem:s22+$0x12020];
	s22 =	simm.s32 $0x40  }
.LBB2_27:
0x1b0: {  	s25 =	sand.u32 $0x1C00, s20;
	s29 =	sand.u32 $0x380, s23  }
0x1b1: {  	s10 =	sadd.s32 $0x4, s10;
	[tilespmem:s24+$0x0] =	vst.add.f32.msk $0xffff, v2;
	s24 =	sand.u32 $0x40, s22;
	s25 =	sor.u32 s29, s25  }
0x1b2: {  	p1 =	slt.u32 s10, $0x1FC;
	[tilespmem:s19+$0x0] =	vst.add.f32.msk $0xffff, v1;
	s24 =	sor.u32 s24, s25  }
0x1b3: {  	[tilespmem:s13+$0x0] =	vst.add.f32.msk $0xffff, v3;
	s25 =	smov.u32 s14;
	s19 =	sor.u32 $0x8000, s24  }
.Ltmp14:
0x1b4: {  	s13 =	sor.u32 $0x8010, s24;
	s14 =	sor.u32 $0x8020, s24;
	v2 =	vld [tilespmem:s24+$0x12030];
	(pc) =	sbr.rel @p1 .LBB2_27-.Ltmp14, $4  }
0x1b5: {  	v4 =	vmov v0;
	v1 =	vld [tilespmem:s24+$0x12000]  }
0x1b6: {  	v3 =	vld [tilespmem:s24+$0x12010]  }
0x1b7: {  	s20 =	sadd.s32 $0x200, s20;
	v0 =	vld [tilespmem:s24+$0x12020]  }
0x1b8: {  	s22 =	sadd.s32 $0x40, s22;
	s23 =	sadd.s32 $0x8, s23;
	s24 =	sor.u32 $0x8030, s24;
	[tilespmem:s25+$0x0] =	vst.add.f32.msk $0xffff, v4  }
0x1b9: {  	[tilespmem:s24+$0x0] =	vst.add.f32.msk $0xffff, v2  }
0x1ba: {  	[tilespmem:s19+$0x0] =	vst.add.f32.msk $0xffff, v1  }
0x1bb: {  	[tilespmem:s13+$0x0] =	vst.add.f32.msk $0xffff, v3  }
0x1bc: {  	s10 =	sadd.s32 s4, s11;
	s24 =	simm.s32 $0x8000;
	[tilespmem:s14+$0x0] =	vst.add.f32.msk $0xffff, v0  }
0x1bd: {  	[hbm4b:s10+s5] =	stream.linear.scatter [tilespmem:s24], [sflag:$0xD], $0x2000, $0x38;
	[tilespmem:$0x14000] =	vst v63  }
0x1be: {  	s10 =	simm.s32 @!p0 $0xB  }
0x1bf: {  	_ =	swait.ge @!p0 [sflag:s10], $0x2000  }
0x1c0: {  	[sflag:s10] =	ssyncset.done @!p0 $0x0  }
0x1c1: {  	[sflag:s10] =	ssyncadd.s32 @!p0 $0xFFFFE000;
	s10 =	sld [smem:$0x7FC];
	_ =	sdelay $0x1  }
0x1c2: {  	s11 =	simm.s32 @!p0 $0x0  }
0x1c3: {  	s25 =	simm.s32 $0x0;
	s13 =	simm.s32 @!p0 $0x4000;
	s10 =	sadd.s32 @!p0 s9, s10  }
0x1c4: {  	[tilespmem:s13], [sflag:$0x3] =	stream.linear.gather @!p0 [hbm4b:s10+s11], $0x2000, $0x38;
	[tilespmem:$0x14000] =	vst v63  }
0x1c5: {  	s29 =	sand.u32 $0x1C00, s25;
	s31 =	sand.u32 $0x380, s25;
	_ =	swait.ge [sflag:s26], $0x2000  }
0x1c6: {  	s10 =	sand.u32 $0x40, s25;
	s11 =	sor.u32 s31, s29;
	[sflag:s26] =	ssyncset.done $0x0  }
0x1c7: {  	s20 =	sor.u32 s10, s11;
	[sflag:s26] =	ssyncadd.s32 $0xFFFFE000  }
0x1c8: {  	v2 =	vld [tilespmem:s20+$0x12030]  }
0x1c9: {  	s22 =	simm.s32 $0x8;
	s19 =	simm.s32 $0x200;
	v1 =	vld [tilespmem:s20+$0x12000]  }
0x1ca: {  	s10 =	simm.s32 $0x0;
	s14 =	sor.u32 $0xA000, s20;
	s13 =	sor.u32 $0xA010, s20;
	v3 =	vld [tilespmem:s20+$0x12010]  }
0x1cb: {  	s11 =	sor.u32 $0xA020, s20;
	s23 =	sor.u32 $0xA030, s20;
	v0 =	vld [tilespmem:s20+$0x12020];
	s20 =	simm.s32 $0x40  }
.LBB2_29:
0x1cc: {  	s24 =	sand.u32 $0x1C00, s19;
	s25 =	sand.u32 $0x380, s22  }
0x1cd: {  	s10 =	sadd.s32 $0x4, s10;
	[tilespmem:s23+$0x0] =	vst.add.f32.msk $0xffff, v2;
	s23 =	sand.u32 $0x40, s20;
	s24 =	sor.u32 s25, s24  }
0x1ce: {  	p1 =	slt.u32 s10, $0x1FC;
	[tilespmem:s14+$0x0] =	vst.add.f32.msk $0xffff, v1;
	s23 =	sor.u32 s23, s24  }
0x1cf: {  	[tilespmem:s13+$0x0] =	vst.add.f32.msk $0xffff, v3;
	s24 =	smov.u32 s11;
	s14 =	sor.u32 $0xA000, s23  }
.Ltmp15:
0x1d0: {  	s13 =	sor.u32 $0xA010, s23;
	s11 =	sor.u32 $0xA020, s23;
	v2 =	vld [tilespmem:s23+$0x12030];
	(pc) =	sbr.rel @p1 .LBB2_29-.Ltmp15, $4  }
0x1d1: {  	v4 =	vmov v0;
	v1 =	vld [tilespmem:s23+$0x12000]  }
0x1d2: {  	v3 =	vld [tilespmem:s23+$0x12010]  }
0x1d3: {  	s19 =	sadd.s32 $0x200, s19;
	v0 =	vld [tilespmem:s23+$0x12020]  }
0x1d4: {  	s20 =	sadd.s32 $0x40, s20;
	s22 =	sadd.s32 $0x8, s22;
	s23 =	sor.u32 $0xA030, s23;
	[tilespmem:s24+$0x0] =	vst.add.f32.msk $0xffff, v4  }
0x1d5: {  	[tilespmem:s23+$0x0] =	vst.add.f32.msk $0xffff, v2  }
0x1d6: {  	[tilespmem:s14+$0x0] =	vst.add.f32.msk $0xffff, v1  }
0x1d7: {  	s6 =	sor.u32 $0x100400, s6;
	[tilespmem:s13+$0x0] =	vst.add.f32.msk $0xffff, v3  }
0x1d8: {  	s24 =	simm.s32 $0xA000;
	s6 =	sadd.s32 s4, s6;
	[tilespmem:s11+$0x0] =	vst.add.f32.msk $0xffff, v0  }
0x1d9: {  	[hbm4b:s6+s5] =	stream.linear.scatter [tilespmem:s24], [sflag:$0xE], $0x2000, $0x38;
	[tilespmem:$0x14000] =	vst v63  }
0x1da: {  	s6 =	simm.s32 @!p0 $0xC  }
0x1db: {  	_ =	swait.ge @!p0 [sflag:s6], $0x2000  }
0x1dc: {  	[sflag:s6] =	ssyncset.done @!p0 $0x0  }
0x1dd: {  	[sflag:s6] =	ssyncadd.s32 @!p0 $0xFFFFE000;
	s6 =	sld [smem:$0x7FD];
	_ =	sdelay $0x1  }
0x1de: {  	s10 =	simm.s32 @!p0 $0x6000  }
0x1df: {  	s23 =	simm.s32 $0x0;
	s6 =	sadd.s32 @!p0 s9, s6;
	s9 =	simm.s32 @!p0 $0x0  }
0x1e0: {  	[tilespmem:s10], [sflag:$0x4] =	stream.linear.gather @!p0 [hbm4b:s6+s9], $0x2000, $0x38;
	[tilespmem:$0x14000] =	vst v63  }
0x1e1: {  	s25 =	sand.u32 $0x1C00, s23;
	s29 =	sand.u32 $0x380, s23;
	_ =	swait.ge [sflag:s0], $0x2000  }
0x1e2: {  	s6 =	sand.u32 $0x40, s23;
	s9 =	sor.u32 s29, s25;
	[sflag:s0] =	ssyncset.done $0x0  }
0x1e3: {  	s31 =	sor.u32 s6, s9;
	[sflag:s0] =	ssyncadd.s32 $0xFFFFE000  }
0x1e4: {  	v2 =	vld [tilespmem:s31+$0x12030]  }
0x1e5: {  	s19 =	simm.s32 $0x8;
	s14 =	simm.s32 $0x40;
	v1 =	vld [tilespmem:s31+$0x12000]  }
0x1e6: {  	s13 =	simm.s32 $0x200;
	s6 =	simm.s32 $0x0;
	s11 =	sor.u32 $0xC000, s31;
	v3 =	vld [tilespmem:s31+$0x12010]  }
0x1e7: {  	s9 =	sor.u32 $0xC010, s31;
	s10 =	sor.u32 $0xC020, s31;
	s20 =	sor.u32 $0xC030, s31;
	v0 =	vld [tilespmem:s31+$0x12020]  }
.LBB2_31:
0x1e8: {  	s22 =	sand.u32 $0x1C00, s13;
	s23 =	sand.u32 $0x380, s19  }
0x1e9: {  	s6 =	sadd.s32 $0x4, s6;
	[tilespmem:s20+$0x0] =	vst.add.f32.msk $0xffff, v2;
	s20 =	sand.u32 $0x40, s14;
	s22 =	sor.u32 s23, s22  }
0x1ea: {  	p1 =	slt.u32 s6, $0x1FC;
	[tilespmem:s11+$0x0] =	vst.add.f32.msk $0xffff, v1;
	s20 =	sor.u32 s20, s22  }
0x1eb: {  	[tilespmem:s9+$0x0] =	vst.add.f32.msk $0xffff, v3;
	s22 =	smov.u32 s10;
	s11 =	sor.u32 $0xC000, s20  }
.Ltmp16:
0x1ec: {  	s9 =	sor.u32 $0xC010, s20;
	s10 =	sor.u32 $0xC020, s20;
	v2 =	vld [tilespmem:s20+$0x12030];
	(pc) =	sbr.rel @p1 .LBB2_31-.Ltmp16, $4  }
0x1ed: {  	v4 =	vmov v0;
	v1 =	vld [tilespmem:s20+$0x12000]  }
0x1ee: {  	v3 =	vld [tilespmem:s20+$0x12010]  }
0x1ef: {  	s13 =	sadd.s32 $0x200, s13;
	v0 =	vld [tilespmem:s20+$0x12020]  }
0x1f0: {  	s14 =	sadd.s32 $0x40, s14;
	s19 =	sadd.s32 $0x8, s19;
	s20 =	sor.u32 $0xC030, s20;
	[tilespmem:s22+$0x0] =	vst.add.f32.msk $0xffff, v4  }
0x1f1: {  	[tilespmem:s20+$0x0] =	vst.add.f32.msk $0xffff, v2  }
0x1f2: {  	[tilespmem:s11+$0x0] =	vst.add.f32.msk $0xffff, v1  }
0x1f3: {  	[tilespmem:s9+$0x0] =	vst.add.f32.msk $0xffff, v3  }
0x1f4: {  	s3 =	sadd.s32 s4, s3;
	s23 =	simm.s32 $0xC000;
	s6 =	simm.s32 @!p0 $0xD;
	[tilespmem:s10+$0x0] =	vst.add.f32.msk $0xffff, v0  }
0x1f5: {  	[hbm4b:s3+s5] =	stream.linear.scatter [tilespmem:s23], [sflag:$0xF], $0x2000, $0x38;
	[tilespmem:$0x14000] =	vst v63  }
0x1f6: {  	s3 =	sadd.s32 $0x3, s17;
	_ =	swait.ge @!p0 [sflag:s6], $0x2000  }
0x1f7: {  	s9 =	sadd.s32 @!p0 s28, s3;
	[sflag:s6] =	ssyncset.done @!p0 $0x0  }
0x1f8: {  	s25 =	simm.s32 $0x0;
	[sflag:s6] =	ssyncadd.s32 @!p0 $0xFFFFE000;
	s6 =	sshll.u32 @!p0 s9, $0xA  }
0x1f9: {  	s10 =	simm.s32 @!p0 $0x8000;
	s9 =	simm.s32 @!p0 $0x0;
	s6 =	sadd.s32 @!p0 s1, s6  }
0x1fa: {  	[tilespmem:s10], [sflag:$0x5] =	stream.linear.gather @!p0 [hbm4b:s6+s9], $0x2000, $0x38;
	[tilespmem:$0x14000] =	vst v63  }
0x1fb: {  	s29 =	sand.u32 $0x1C00, s25;
	s31 =	sand.u32 $0x380, s25;
	_ =	swait.ge [sflag:s30], $0x2000  }
0x1fc: {  	s6 =	sand.u32 $0x40, s25;
	s9 =	sor.u32 s31, s29;
	[sflag:s30] =	ssyncset.done $0x0  }
0x1fd: {  	s14 =	sor.u32 s6, s9;
	[sflag:s30] =	ssyncadd.s32 $0xFFFFE000  }
0x1fe: {  	v2 =	vld [tilespmem:s14+$0x12030]  }
0x1ff: {  	s13 =	simm.s32 $0x200;
	s17 =	simm.s32 $0x8;
	s25 =	simm.s32 $0xE000;
	v1 =	vld [tilespmem:s14+$0x12000]  }
0x200: {  	s6 =	simm.s32 $0x0;
	s11 =	sor.u32 $0xE000, s14;
	s9 =	sor.u32 $0xE010, s14;
	v3 =	vld [tilespmem:s14+$0x12010]  }
0x201: {  	s10 =	sor.u32 $0xE020, s14;
	s19 =	sor.u32 $0xE030, s14;
	v0 =	vld [tilespmem:s14+$0x12020];
	s14 =	simm.s32 $0x40  }
.LBB2_33:
0x202: {  	s20 =	sand.u32 $0x1C00, s13;
	s22 =	sand.u32 $0x380, s17  }
0x203: {  	s6 =	sadd.s32 $0x4, s6;
	[tilespmem:s19+$0x0] =	vst.add.f32.msk $0xffff, v2;
	s19 =	sand.u32 $0x40, s14;
	s20 =	sor.u32 s22, s20  }
0x204: {  	p1 =	slt.u32 s6, $0x1FC;
	[tilespmem:s11+$0x0] =	vst.add.f32.msk $0xffff, v1;
	s19 =	sor.u32 s19, s20  }
0x205: {  	[tilespmem:s9+$0x0] =	vst.add.f32.msk $0xffff, v3;
	s20 =	smov.u32 s10;
	s11 =	sor.u32 $0xE000, s19  }
.Ltmp17:
0x206: {  	s9 =	sor.u32 $0xE010, s19;
	s10 =	sor.u32 $0xE020, s19;
	v2 =	vld [tilespmem:s19+$0x12030];
	(pc) =	sbr.rel @p1 .LBB2_33-.Ltmp17, $4  }
0x207: {  	v4 =	vmov v0;
	v1 =	vld [tilespmem:s19+$0x12000]  }
0x208: {  	v3 =	vld [tilespmem:s19+$0x12010]  }
0x209: {  	s13 =	sadd.s32 $0x200, s13;
	v0 =	vld [tilespmem:s19+$0x12020]  }
0x20a: {  	s14 =	sadd.s32 $0x40, s14;
	s17 =	sadd.s32 $0x8, s17;
	s19 =	sor.u32 $0xE030, s19;
	[tilespmem:s20+$0x0] =	vst.add.f32.msk $0xffff, v4  }
.Ltmp18:
0x20b: {  	[tilespmem:s19+$0x0] =	vst.add.f32.msk $0xffff, v2;
	(pc) =	sbr.rel @p0 .LBB2_36-.Ltmp18, $4  }
0x20c: {  	[tilespmem:s11+$0x0] =	vst.add.f32.msk $0xffff, v1  }
0x20d: {  	[tilespmem:s9+$0x0] =	vst.add.f32.msk $0xffff, v3  }
0x20e: {  	s6 =	sadd.s32 s4, s18;
	[tilespmem:s10+$0x0] =	vst.add.f32.msk $0xffff, v0  }
0x20f: {  	[hbm4b:s6+s5] =	stream.linear.scatter [tilespmem:s25], [sflag:$0x10], $0x2000, $0x38;
	[tilespmem:$0x14000] =	vst v63  }
0x210: {  	_ =	swait.ge [sflag:s8], $0x2000;
	s3 =	sadd.s32 s28, s3  }
0x211: {  	[sflag:s8] =	ssyncset.done $0x0;
	s3 =	sshll.u32 s3, $0xA  }
.Ltmp19:
0x212: {  	[sflag:s8] =	ssyncadd.s32 $0xFFFFE000;
	s6 =	sadd.s32 s3, s12;
	(pc) =	sbr.rel .LBB2_18-.Ltmp19, $4  }
0x213: {  	[tilespmem:s24], [sflag:$0x6] =	stream.linear.gather [hbm4b:s6+s5], $0x2000, $0x38;
	[tilespmem:$0x14000] =	vst v63  }
0x214: {  	s29 =	rddreg [dreg:$0x1]  }
0x215: {  	s31 =	simm.s32 $0x12000;
	s16 =	sadd.s32 $0x1, s16;
	s3 =	sadd.s32 s29, s3  }
0x216: {  	[tilespmem:s31], [sflag:$0x12] =	stream.linear.gather [hbm4b:s3+s5], $0x2000, $0x38;
	[tilespmem:$0x14000] =	vst v63  }
.LBB2_37:
0x217: {  	_ =	sfence.sel $0x180000  }
0x218: {  	[bflag:$0x0] =	sbarrier.arrive $0xFFFF  }
0x219: {  	_ =	strace $0x90000047  }
0x21a: {  	s0 =	stileid.u32;
	[bflag:$0x2] =	sbarrier.arrive $0xFFFF  }
0x21b: {  	p0 =	sne.s32 s0, $0x0;
	s0 =	rddreg [dreg:$0x3]  }
0x21c: {  	s0 =	sadd.s32 @!p0 $0x100000, s0  }
0x21d: {  	[sflag:s0] =	ssyncadd.tile.s32 @!p0 $0x1;
	_ =	shalt  }
.Lfunc_end2:
_tile_overlayer_lowered:
.L_overlay_start_2:
0x21e: {  	(tag) =	ssettag $0x2  }
0x21f: {  	s0 =	rddreg [dreg:$0x0];
	s2 =	stileid.u32  }
0x220: {  	s1 =	rddreg [dreg:$0x1];
	p0 =	sne.s32 s2, $0x0  }
0x221: {  	s3 =	rddreg [dreg:$0x2];
	[bflag:$0x3] =	sbarrier.arrive $0xFFFF;
	s2 =	simm.s32 @!p0 $0x1C13  }
0x222: {  	[timem:s3], [sflag:s2] =	dma.local @!p0 [hbm:s0], s1  }
0x223: {  	s0 =	simm.s32 @!p0 $0x13  }
0x224: {  	_ =	swait.ge @!p0 [sflag:s0], s1  }
0x225: {  	s1 =	ssub.s32 @!p0 $0x0, s1;
	[sflag:s0] =	ssyncset.done @!p0 $0x0  }
0x226: {  	[sflag:s0] =	ssyncadd.s32 @!p0 s1  }
0x227: {  	[bflag:$0x3] =	sbarrier.arrive $0xFFFF  }
0x228: {  	_ =	shalt  }

</sc_bundles>
